<compile_context>
chip_gen: v7x
topology: tpu7x:2x2x1
jax: 0.10.2.dev20260603
libtpu: 0.0.44.dev20260713+nightly
codegen_flags: <defaults>
</compile_context>

<pallas_src>
import functools

import numpy as np
import jax
import jax.numpy as jnp
from jax import lax
from jax.experimental import pallas as pl
from jax.experimental.pallas import tpu as pltpu
from jax.experimental.pallas import tpu_sc as plsc

_B = 8
_N = 100000
_S = 50000
_D = 128
_NW = 32
_ROWS = _B * _S

_C = 128
_K = 2
_NCHUNKS = _ROWS // _C
_CPW = -(-_NCHUNKS // _NW)
_LAST_COUNT = _NCHUNKS - (_NW - 1) * _CPW
_NG = -(-_CPW // _K)

_XC = 128
_XG = 8
_XE = _ROWS * 3
_XNCH = _XE // _XC
_XCPW = -(-_XNCH // _NW)
_XLAST_COUNT = _XNCH - (_NW - 1) * _XCPW
_NSLOTS = _NG + 1
_NPAIR = -(-_NSLOTS // 2)


def _threefry2x32(k1, k2, x1, x2):
    rot = [[13, 15, 26, 6], [17, 29, 16, 24]]
    ks = [k1, k2, (k1 ^ k2 ^ np.uint32(0x1BD11BDA))]
    x1 = (x1 + ks[0]).astype(np.uint32)
    x2 = (x2 + ks[1]).astype(np.uint32)
    for i in range(5):
        for r in rot[i % 2]:
            x1 = (x1 + x2).astype(np.uint32)
            x2 = ((x2 << np.uint32(r)) | (x2 >> np.uint32(32 - r)))
            x2 = x2 ^ x1
        x1 = (x1 + ks[(i + 1) % 3]).astype(np.uint32)
        x2 = (x2 + ks[(i + 2) % 3] + np.uint32(i + 1)).astype(np.uint32)
    return x1, x2


def _iota_2x32(n):
    c = np.arange(n, dtype=np.uint64)
    return ((c >> np.uint64(32)).astype(np.uint32),
            (c & np.uint64(0xFFFFFFFF)).astype(np.uint32))


def _random_bits32(key, n):
    c1, c2 = _iota_2x32(n)
    b1, b2 = _threefry2x32(key[0], key[1], c1, c2)
    return b1 ^ b2


def _split2(key):
    c1, c2 = _iota_2x32(2)
    b1, b2 = _threefry2x32(key[0], key[1], c1, c2)
    return np.stack([b1, b2], axis=1)


def _permutation(seed, n):
    key = np.array([seed >> 32, seed & 0xFFFFFFFF], dtype=np.uint32)
    x = np.arange(n, dtype=np.int32)
    num_rounds = int(np.ceil(3 * np.log(max(1, n)) / np.log(2**32 - 1)))
    for _ in range(num_rounds):
        ks = _split2(key)
        key, subkey = ks[0], ks[1]
        sort_keys = _random_bits32(subkey, n)
        x = x[np.argsort(sort_keys, kind="stable")]
    return x


_SAMPLE_IDX = _permutation(42, _N)[:_S]

_GIDX = np.zeros((_NW * _CPW, _C), dtype=np.int32)
_GIDX[:_NCHUNKS] = (
    (np.arange(_B, dtype=np.int32) * _N)[:, None] + _SAMPLE_IDX[None, :]
).reshape(_NCHUNKS, _C)
_GIDX = _GIDX.reshape(_NW, _CPW, _C)

_P = np.arange(_XE, dtype=np.int64)
_XIDX = np.zeros((_NW * _XCPW, _XC), dtype=np.int32)
_XIDX[:_XNCH] = (
    (_P // (_B * _S)) * (_B * _N) + ((_P % (_B * _S)) // _S) * _N
    + _SAMPLE_IDX[_P % _S]
).astype(np.int32).reshape(_XNCH, _XC)
_XIDX = _XIDX.reshape(_NW, _XCPW, _XC)
del _P

_mesh = plsc.VectorSubcoreMesh(core_axis_name="c", subcore_axis_name="s")


@functools.partial(
    pl.kernel,
    out_type=[
        jax.ShapeDtypeStruct((_ROWS, _D), jnp.float32),
        jax.ShapeDtypeStruct((_XE,), jnp.float32),
    ],
    mesh=_mesh,
    scratch_types=[
        pltpu.VMEM((_CPW, _C), jnp.int32),
        pltpu.VMEM((_XCPW, _XC), jnp.int32),
        pltpu.VMEM((2, _K, _C, _D), jnp.float32),
        pltpu.VMEM((_XG * _XC,), jnp.float32),
        pltpu.VMEM((_XG * _XC,), jnp.float32),
        pltpu.SemaphoreType.DMA((2,)),
        pltpu.SemaphoreType.DMA((2,)),
        pltpu.SemaphoreType.DMA((2,)),
        pltpu.SemaphoreType.DMA((2,)),
    ],
)
def _gather(feat_hbm, xyz_hbm, gidx_hbm, xidx_hbm, feat_out, xyz_out,
            idx_v, xidx_v, fbuf, xbuf0, xbuf1, gsem, wsem, xgsem, xwsem):
    xbufs = (xbuf0, xbuf1)
    wid = lax.axis_index("s") * 2 + lax.axis_index("c")
    count = jnp.where(wid == _NW - 1, _LAST_COUNT, _CPW)
    xcount = jnp.where(wid == _NW - 1, _XLAST_COUNT, _XCPW)
    fobase = wid * _CPW
    xobase = wid * _XCPW * _XC
    pltpu.sync_copy(gidx_hbm.at[wid], idx_v)
    pltpu.sync_copy(xidx_hbm.at[wid], xidx_v)

    def fg_copy(t, bank, b):
        return pltpu.make_async_copy(
            feat_hbm.at[idx_v.at[t]], fbuf.at[bank].at[b], gsem.at[bank])

    def fw_copy(t, bank, b):
        return pltpu.make_async_copy(
            fbuf.at[bank].at[b],
            feat_out.at[pl.ds((fobase + t) * _C, _C)], wsem.at[bank])

    def xg_copy(xt, bank, b):
        return pltpu.make_async_copy(
            xyz_hbm.at[xidx_v.at[xt]],
            xbufs[bank].at[pl.ds(b * _XC, _XC)], xgsem.at[bank])

    def fire_fgathers(g, bank):
        for b in range(_K):
            t = g * _K + b

            @pl.when(t < count)
            def _():
                fg_copy(t, bank, b).start()

    def fire_xgathers(g, bank):
        for b in range(_XG):
            xt = g * _XG + b

            @pl.when(xt < xcount)
            def _():
                xg_copy(xt, bank, b).start()

    def xw_full(g, bank):
        return pltpu.make_async_copy(
            xbufs[bank],
            xyz_out.at[pl.ds(xobase + g * _XG * _XC, _XG * _XC)],
            xwsem.at[bank])

    def xw_part(xt, bank, b):
        return pltpu.make_async_copy(
            xbufs[bank].at[pl.ds(b * _XC, _XC)],
            xyz_out.at[pl.ds(xobase + xt * _XC, _XC)], xwsem.at[bank])

    def slot(g, p):
        q = 1 - p
        for b in range(_K):
            t = g * _K + b

            @pl.when(t < count)
            def _():
                fg_copy(t, p, b).wait()
        for b in range(_K):
            t = g * _K + b

            @pl.when(t < count)
            def _():
                fw_copy(t, p, b).start()
        for b in range(_K):
            tp = (g - 1) * _K + b

            @pl.when((g >= 1) & (tp < count))
            def _():
                fw_copy(tp, q, b).wait()
        fire_fgathers(g + 1, q)

        for b in range(_XG):
            xt = g * _XG + b

            @pl.when(xt < xcount)
            def _():
                xg_copy(xt, p, b).wait()
        g_full = (g * _XG + _XG) <= xcount
        g_any = (g * _XG) < xcount

        @pl.when(g_any & g_full)
        def _():
            xw_full(g, p).start()
        for b in range(_XG):
            xt = g * _XG + b

            @pl.when((~g_full) & (xt < xcount))
            def _():
                xw_part(xt, p, b).start()
        gp_full = ((g - 1) * _XG + _XG) <= xcount
        gp_any = (g >= 1) & (((g - 1) * _XG) < xcount)

        @pl.when(gp_any & gp_full)
        def _():
            xw_full(g - 1, q).wait()
        for b in range(_XG):
            xt = (g - 1) * _XG + b

            @pl.when(gp_any & (~gp_full) & (xt < xcount))
            def _():
                xw_part(xt, q, b).wait()
        fire_xgathers(g + 1, q)

    fire_fgathers(0, 0)
    fire_xgathers(0, 0)

    def pair(m, carry):
        slot(2 * m, 0)
        slot(2 * m + 1, 1)
        return carry

    lax.fori_loop(0, _NPAIR, pair, 0)


def kernel(xyz, features):
    feat_out, xyz_out = _gather(
        features.reshape(_B * _N, _D),
        jnp.transpose(xyz, (2, 0, 1)).reshape(_B * _N * 3),
        jnp.asarray(_GIDX),
        jnp.asarray(_XIDX),
    )
    new_xyz = jnp.transpose(xyz_out.reshape(3, _B, _S), (1, 2, 0))
    new_features = feat_out.reshape(_B, _S, _D)
    sample_idx_b = jnp.broadcast_to(jnp.asarray(_SAMPLE_IDX), (_B, _S))
    return (new_xyz, new_features, sample_idx_b)

# --- scband reference (transcript-rebuilt; emitter-appended) ---
"""Pipeline reference for scband-random-sampling-6030134083766 (READ-ONLY COPY).

The authoritative reference and input builder live on the scoring server;
editing this copy changes nothing except your own understanding.
"""

import jax, jax.numpy as jnp
import numpy as np

RATIO = 0.5

def setup_inputs(seed: int = 0) -> dict:
    key = jax.random.key(seed)
    k1, k2 = jax.random.split(key)
    xyz = jax.random.normal(k1, (8, 100000, 3), dtype=jnp.float32)
    features = jax.random.normal(k2, (8, 100000, 128), dtype=jnp.float32)
    return {"xyz": xyz, "features": features}

def reference(xyz, features):
    batch_size, num_points, _ = xyz.shape
    sample_num = max(1, int(num_points * RATIO))
    # torch.randperm analog with a fixed key for determinism
    perm = jax.random.permutation(jax.random.key(42), num_points)
    sample_idx = perm[:sample_num]
    # torch code repeats the SAME permutation across the batch
    sample_idx_b = jnp.tile(sample_idx[None, :], (batch_size, 1))
    # gather along the points axis (equivalent to the per-batch index loop)
    new_xyz = jnp.take(xyz, sample_idx, axis=1)
    new_features = jnp.take(features, sample_idx, axis=1)
    return (new_xyz, new_features, sample_idx_b)

if __name__ == "__main__":
    import jax
    _d = setup_inputs()
    print(jax.jit(kernel)(*tuple(_d.values())))

</pallas_src>

<mosaic_0001>
#map = affine_map<(d0, d1) -> (0, 0)>
#map1 = affine_map<(d0, d1) -> (0)>
#map2 = affine_map<(d0, d1) -> (0, 0, 0)>
module attributes {stable_mosaic.version = 14 : i64} {
  func.func @_gather(%arg0: i32, %arg1: i32, %arg2: memref<800000x128xf32, #tpu.memory_space<hbm>>, %arg3: memref<2400000xf32, #tpu.memory_space<hbm>>, %arg4: memref<32x98x128xi32, #tpu.memory_space<hbm>>, %arg5: memref<32x293x128xi32, #tpu.memory_space<hbm>>, %arg6: memref<400000x128xf32, #tpu.memory_space<hbm>>, %arg7: memref<1200000xf32, #tpu.memory_space<hbm>>, %arg8: memref<98x128xi32, #tpu.memory_space<vmem>>, %arg9: memref<293x128xi32, #tpu.memory_space<vmem>>, %arg10: memref<2x2x128x128xf32, #tpu.memory_space<vmem>>, %arg11: memref<1024xf32, #tpu.memory_space<vmem>>, %arg12: memref<1024xf32, #tpu.memory_space<vmem>>, %arg13: memref<2x!tpu.dma_semaphore, #tpu.memory_space<semaphore_mem>>, %arg14: memref<2x!tpu.dma_semaphore, #tpu.memory_space<semaphore_mem>>, %arg15: memref<2x!tpu.dma_semaphore, #tpu.memory_space<semaphore_mem>>, %arg16: memref<2x!tpu.dma_semaphore, #tpu.memory_space<semaphore_mem>>) attributes {dimension_semantics = [#tpu.dimension_semantics<core_parallel>, #tpu.dimension_semantics<subcore_parallel>], iteration_bounds = array<i64: 2, 16>, scalar_prefetch = 0 : i64, scratch_operands = 9 : i64, tpu.core_type = #tpu.core_type<sc_vector_subcore>, window_params = [{transform_indices = #map}, {transform_indices = #map1}, {transform_indices = #map2}, {transform_indices = #map2}, {transform_indices = #map}, {transform_indices = #map1}]} {
    %mul3A = arith.constant 2 : i32
    %mul3A_0 = arith.muli %arg1, %mul3A : i32
    %add3A = arith.addi %mul3A_0, %arg0 : i32
    %eq3A = arith.constant 31 : i32
    %eq3A_1 = arith.cmpi eq, %add3A, %eq3A : i32
    %jit3A = arith.constant 87 : i32
    %jit3A_2 = arith.constant 98 : i32
    %select_n3A = arith.select %eq3A_1, %jit3A, %jit3A_2 : i32
    %eq3A_3 = arith.constant 31 : i32
    %eq3A_4 = arith.cmpi eq, %add3A, %eq3A_3 : i32
    %jit3A_5 = arith.constant 292 : i32
    %jit3A_6 = arith.constant 293 : i32
    %select_n3A_7 = arith.select %eq3A_4, %jit3A_5, %jit3A_6 : i32
    %mul3A_8 = arith.constant 98 : i32
    %mul3A_9 = arith.muli %add3A, %mul3A_8 : i32
    %mul3A_10 = arith.constant 293 : i32
    %mul3A_11 = arith.muli %add3A, %mul3A_10 : i32
    %mul3A_12 = arith.constant 128 : i32
    %mul3A_13 = arith.muli %mul3A_11, %mul3A_12 : i32
    "tpu.region"() ({
      %run_scoped3A = tpu.sem_alloc : memref<!tpu.dma_semaphore, #tpu.memory_space<semaphore_mem>>
      %dma_start3A = arith.constant 0 : i32
      %dma_start3A_66 = arith.constant 0 : i32
      %dma_start3A_67 = tpu.memref_slice %arg4[%add3A, %dma_start3A, %dma_start3A_66] : memref<32x98x128xi32, #tpu.memory_space<hbm>> -> memref<1x98x128xi32, #tpu.memory_space<hbm>>
      %dma_start3A_68 = tpu.memref_squeeze %dma_start3A_67 : memref<1x98x128xi32, #tpu.memory_space<hbm>> -> memref<98x128xi32, #tpu.memory_space<hbm>>
      %dma_start3A_69 = arith.constant 0 : i32
      %dma_start3A_70 = arith.constant 0 : i32
      %dma_start3A_71 = tpu.memref_slice %arg4[%add3A, %dma_start3A_69, %dma_start3A_70] : memref<32x98x128xi32, #tpu.memory_space<hbm>> -> memref<1x98x128xi32, #tpu.memory_space<hbm>>
      %dma_start3A_72 = tpu.memref_squeeze %dma_start3A_71 : memref<1x98x128xi32, #tpu.memory_space<hbm>> -> memref<98x128xi32, #tpu.memory_space<hbm>>
      tpu.enqueue_dma source(%dma_start3A_72 : memref<98x128xi32, #tpu.memory_space<hbm>>) target(%arg8 : memref<98x128xi32, #tpu.memory_space<vmem>>) target_semaphore(%run_scoped3A : memref<!tpu.dma_semaphore, #tpu.memory_space<semaphore_mem>>)
      %dma_wait3A = arith.constant 0 : i32
      %dma_wait3A_73 = arith.constant 0 : i32
      %dma_wait3A_74 = tpu.memref_slice %arg4[%add3A, %dma_wait3A, %dma_wait3A_73] : memref<32x98x128xi32, #tpu.memory_space<hbm>> -> memref<1x98x128xi32, #tpu.memory_space<hbm>>
      %dma_wait3A_75 = tpu.memref_squeeze %dma_wait3A_74 : memref<1x98x128xi32, #tpu.memory_space<hbm>> -> memref<98x128xi32, #tpu.memory_space<hbm>>
      %dma_wait3A_76 = arith.constant 0 : i32
      %dma_wait3A_77 = arith.constant 0 : i32
      %dma_wait3A_78 = tpu.memref_slice %arg4[%add3A, %dma_wait3A_76, %dma_wait3A_77] : memref<32x98x128xi32, #tpu.memory_space<hbm>> -> memref<1x98x128xi32, #tpu.memory_space<hbm>>
      %dma_wait3A_79 = tpu.memref_squeeze %dma_wait3A_78 : memref<1x98x128xi32, #tpu.memory_space<hbm>> -> memref<98x128xi32, #tpu.memory_space<hbm>>
      tpu.wait_dma2 semaphore(%run_scoped3A : memref<!tpu.dma_semaphore, #tpu.memory_space<semaphore_mem>>) src(%dma_wait3A_79 : memref<98x128xi32, #tpu.memory_space<hbm>>) dst(%arg8 : memref<98x128xi32, #tpu.memory_space<vmem>>)
      tpu.yield
    }) : () -> ()
    "tpu.region"() ({
      %run_scoped3A = tpu.sem_alloc : memref<!tpu.dma_semaphore, #tpu.memory_space<semaphore_mem>>
      %dma_start3A = arith.constant 0 : i32
      %dma_start3A_66 = arith.constant 0 : i32
      %dma_start3A_67 = tpu.memref_slice %arg5[%add3A, %dma_start3A, %dma_start3A_66] : memref<32x293x128xi32, #tpu.memory_space<hbm>> -> memref<1x293x128xi32, #tpu.memory_space<hbm>>
      %dma_start3A_68 = tpu.memref_squeeze %dma_start3A_67 : memref<1x293x128xi32, #tpu.memory_space<hbm>> -> memref<293x128xi32, #tpu.memory_space<hbm>>
      %dma_start3A_69 = arith.constant 0 : i32
      %dma_start3A_70 = arith.constant 0 : i32
      %dma_start3A_71 = tpu.memref_slice %arg5[%add3A, %dma_start3A_69, %dma_start3A_70] : memref<32x293x128xi32, #tpu.memory_space<hbm>> -> memref<1x293x128xi32, #tpu.memory_space<hbm>>
      %dma_start3A_72 = tpu.memref_squeeze %dma_start3A_71 : memref<1x293x128xi32, #tpu.memory_space<hbm>> -> memref<293x128xi32, #tpu.memory_space<hbm>>
      tpu.enqueue_dma source(%dma_start3A_72 : memref<293x128xi32, #tpu.memory_space<hbm>>) target(%arg9 : memref<293x128xi32, #tpu.memory_space<vmem>>) target_semaphore(%run_scoped3A : memref<!tpu.dma_semaphore, #tpu.memory_space<semaphore_mem>>)
      %dma_wait3A = arith.constant 0 : i32
      %dma_wait3A_73 = arith.constant 0 : i32
      %dma_wait3A_74 = tpu.memref_slice %arg5[%add3A, %dma_wait3A, %dma_wait3A_73] : memref<32x293x128xi32, #tpu.memory_space<hbm>> -> memref<1x293x128xi32, #tpu.memory_space<hbm>>
      %dma_wait3A_75 = tpu.memref_squeeze %dma_wait3A_74 : memref<1x293x128xi32, #tpu.memory_space<hbm>> -> memref<293x128xi32, #tpu.memory_space<hbm>>
      %dma_wait3A_76 = arith.constant 0 : i32
      %dma_wait3A_77 = arith.constant 0 : i32
      %dma_wait3A_78 = tpu.memref_slice %arg5[%add3A, %dma_wait3A_76, %dma_wait3A_77] : memref<32x293x128xi32, #tpu.memory_space<hbm>> -> memref<1x293x128xi32, #tpu.memory_space<hbm>>
      %dma_wait3A_79 = tpu.memref_squeeze %dma_wait3A_78 : memref<1x293x128xi32, #tpu.memory_space<hbm>> -> memref<293x128xi32, #tpu.memory_space<hbm>>
      tpu.wait_dma2 semaphore(%run_scoped3A : memref<!tpu.dma_semaphore, #tpu.memory_space<semaphore_mem>>) src(%dma_wait3A_79 : memref<293x128xi32, #tpu.memory_space<hbm>>) dst(%arg9 : memref<293x128xi32, #tpu.memory_space<vmem>>)
      tpu.yield
    }) : () -> ()
    %gt3A = arith.constant 0 : i32
    %gt3A_14 = arith.cmpi sgt, %select_n3A, %gt3A : i32
    %convert_element_type3A = arith.extui %gt3A_14 : i1 to i32
    %cond3A = arith.constant 0 : i32
    %cond3A_15 = arith.cmpi ne, %convert_element_type3A, %cond3A : i32
    scf.if %cond3A_15 {
      %dma_start3A = arith.constant 0 : i32
      %dma_start3A_66 = arith.constant 0 : i32
      %dma_start3A_67 = arith.constant 0 : i32
      %dma_start3A_68 = arith.constant 0 : i32
      %dma_start3A_69 = arith.constant 0 : i32
      %dma_start3A_70 = arith.constant 0 : i32
      %dma_start3A_71 = arith.constant 0 : i32
      %dma_start3A_72 = tpu.memref_slice %arg10[%dma_start3A_66, %dma_start3A_69, %dma_start3A_70, %dma_start3A_71] : memref<2x2x128x128xf32, #tpu.memory_space<vmem>> -> memref<1x2x128x128xf32, #tpu.memory_space<vmem>>
      %dma_start3A_73 = tpu.memref_squeeze %dma_start3A_72 : memref<1x2x128x128xf32, #tpu.memory_space<vmem>> -> memref<2x128x128xf32, #tpu.memory_space<vmem>>
      %dma_start3A_74 = arith.constant 0 : i32
      %dma_start3A_75 = arith.constant 0 : i32
      %dma_start3A_76 = tpu.memref_slice %dma_start3A_73[%dma_start3A_67, %dma_start3A_74, %dma_start3A_75] : memref<2x128x128xf32, #tpu.memory_space<vmem>> -> memref<1x128x128xf32, #tpu.memory_space<vmem>>
      %dma_start3A_77 = tpu.memref_squeeze %dma_start3A_76 : memref<1x128x128xf32, #tpu.memory_space<vmem>> -> memref<128x128xf32, #tpu.memory_space<vmem>>
      %dma_start3A_78 = arith.constant 0 : i32
      %dma_start3A_79 = tpu.memref_slice %arg8[%dma_start3A, %dma_start3A_78] : memref<98x128xi32, #tpu.memory_space<vmem>> -> memref<1x128xi32, #tpu.memory_space<vmem>>
      %dma_start3A_80 = tpu.memref_squeeze %dma_start3A_79 : memref<1x128xi32, #tpu.memory_space<vmem>> -> memref<128xi32, #tpu.memory_space<vmem>>
      %dma_start3A_81 = arith.constant 0 : i32
      %dma_start3A_82 = arith.constant 0 : i32
      %dma_start3A_83 = tpu.memref_slice %arg2[%dma_start3A_81, %dma_start3A_82] : memref<800000x128xf32, #tpu.memory_space<hbm>> -> memref<800000x128xf32, #tpu.memory_space<hbm>>
      %dma_start3A_84 = tpu.memref_slice %arg13[%dma_start3A_68] : memref<2x!tpu.dma_semaphore, #tpu.memory_space<semaphore_mem>> -> memref<1x!tpu.dma_semaphore, #tpu.memory_space<semaphore_mem>>
      %dma_start3A_85 = tpu.memref_squeeze %dma_start3A_84 : memref<1x!tpu.dma_semaphore, #tpu.memory_space<semaphore_mem>> -> memref<!tpu.dma_semaphore, #tpu.memory_space<semaphore_mem>>
      tpu.enqueue_indirect_dma source(%dma_start3A_83 : memref<800000x128xf32, #tpu.memory_space<hbm>>) target(%dma_start3A_77 : memref<128x128xf32, #tpu.memory_space<vmem>>) offsets(%dma_start3A_80 : memref<128xi32, #tpu.memory_space<vmem>>) semaphore(%dma_start3A_85 : memref<!tpu.dma_semaphore, #tpu.memory_space<semaphore_mem>>)
    } else {
    }
    %gt3A_16 = arith.constant 1 : i32
    %gt3A_17 = arith.cmpi sgt, %select_n3A, %gt3A_16 : i32
    %convert_element_type3A_18 = arith.extui %gt3A_17 : i1 to i32
    %cond3A_19 = arith.constant 0 : i32
    %cond3A_20 = arith.cmpi ne, %convert_element_type3A_18, %cond3A_19 : i32
    scf.if %cond3A_20 {
      %dma_start3A = arith.constant 1 : i32
      %dma_start3A_66 = arith.constant 0 : i32
      %dma_start3A_67 = arith.constant 1 : i32
      %dma_start3A_68 = arith.constant 0 : i32
      %dma_start3A_69 = arith.constant 0 : i32
      %dma_start3A_70 = arith.constant 0 : i32
      %dma_start3A_71 = arith.constant 0 : i32
      %dma_start3A_72 = tpu.memref_slice %arg10[%dma_start3A_66, %dma_start3A_69, %dma_start3A_70, %dma_start3A_71] : memref<2x2x128x128xf32, #tpu.memory_space<vmem>> -> memref<1x2x128x128xf32, #tpu.memory_space<vmem>>
      %dma_start3A_73 = tpu.memref_squeeze %dma_start3A_72 : memref<1x2x128x128xf32, #tpu.memory_space<vmem>> -> memref<2x128x128xf32, #tpu.memory_space<vmem>>
      %dma_start3A_74 = arith.constant 0 : i32
      %dma_start3A_75 = arith.constant 0 : i32
      %dma_start3A_76 = tpu.memref_slice %dma_start3A_73[%dma_start3A_67, %dma_start3A_74, %dma_start3A_75] : memref<2x128x128xf32, #tpu.memory_space<vmem>> -> memref<1x128x128xf32, #tpu.memory_space<vmem>>
      %dma_start3A_77 = tpu.memref_squeeze %dma_start3A_76 : memref<1x128x128xf32, #tpu.memory_space<vmem>> -> memref<128x128xf32, #tpu.memory_space<vmem>>
      %dma_start3A_78 = arith.constant 0 : i32
      %dma_start3A_79 = tpu.memref_slice %arg8[%dma_start3A, %dma_start3A_78] : memref<98x128xi32, #tpu.memory_space<vmem>> -> memref<1x128xi32, #tpu.memory_space<vmem>>
      %dma_start3A_80 = tpu.memref_squeeze %dma_start3A_79 : memref<1x128xi32, #tpu.memory_space<vmem>> -> memref<128xi32, #tpu.memory_space<vmem>>
      %dma_start3A_81 = arith.constant 0 : i32
      %dma_start3A_82 = arith.constant 0 : i32
      %dma_start3A_83 = tpu.memref_slice %arg2[%dma_start3A_81, %dma_start3A_82] : memref<800000x128xf32, #tpu.memory_space<hbm>> -> memref<800000x128xf32, #tpu.memory_space<hbm>>
      %dma_start3A_84 = tpu.memref_slice %arg13[%dma_start3A_68] : memref<2x!tpu.dma_semaphore, #tpu.memory_space<semaphore_mem>> -> memref<1x!tpu.dma_semaphore, #tpu.memory_space<semaphore_mem>>
      %dma_start3A_85 = tpu.memref_squeeze %dma_start3A_84 : memref<1x!tpu.dma_semaphore, #tpu.memory_space<semaphore_mem>> -> memref<!tpu.dma_semaphore, #tpu.memory_space<semaphore_mem>>
      tpu.enqueue_indirect_dma source(%dma_start3A_83 : memref<800000x128xf32, #tpu.memory_space<hbm>>) target(%dma_start3A_77 : memref<128x128xf32, #tpu.memory_space<vmem>>) offsets(%dma_start3A_80 : memref<128xi32, #tpu.memory_space<vmem>>) semaphore(%dma_start3A_85 : memref<!tpu.dma_semaphore, #tpu.memory_space<semaphore_mem>>)
    } else {
    }
    %gt3A_21 = arith.constant 0 : i32
    %gt3A_22 = arith.cmpi sgt, %select_n3A_7, %gt3A_21 : i32
    %convert_element_type3A_23 = arith.extui %gt3A_22 : i1 to i32
    %cond3A_24 = arith.constant 0 : i32
    %cond3A_25 = arith.cmpi ne, %convert_element_type3A_23, %cond3A_24 : i32
    scf.if %cond3A_25 {
      %dma_start3A = arith.constant 0 : i32
      %dma_start3A_66 = arith.constant 0 : i32
      %dma_start3A_67 = arith.constant 0 : i32
      %dma_start3A_68 = tpu.memref_slice %arg11[%dma_start3A_67] : memref<1024xf32, #tpu.memory_space<vmem>> -> memref<128xf32, #tpu.memory_space<vmem>>
      %dma_start3A_69 = arith.constant 0 : i32
      %dma_start3A_70 = tpu.memref_slice %arg9[%dma_start3A, %dma_start3A_69] : memref<293x128xi32, #tpu.memory_space<vmem>> -> memref<1x128xi32, #tpu.memory_space<vmem>>
      %dma_start3A_71 = tpu.memref_squeeze %dma_start3A_70 : memref<1x128xi32, #tpu.memory_space<vmem>> -> memref<128xi32, #tpu.memory_space<vmem>>
      %dma_start3A_72 = arith.constant 0 : i32
      %dma_start3A_73 = tpu.memref_slice %arg3[%dma_start3A_72] : memref<2400000xf32, #tpu.memory_space<hbm>> -> memref<2400000xf32, #tpu.memory_space<hbm>>
      %dma_start3A_74 = tpu.memref_slice %arg15[%dma_start3A_66] : memref<2x!tpu.dma_semaphore, #tpu.memory_space<semaphore_mem>> -> memref<1x!tpu.dma_semaphore, #tpu.memory_space<semaphore_mem>>
      %dma_start3A_75 = tpu.memref_squeeze %dma_start3A_74 : memref<1x!tpu.dma_semaphore, #tpu.memory_space<semaphore_mem>> -> memref<!tpu.dma_semaphore, #tpu.memory_space<semaphore_mem>>
      tpu.enqueue_indirect_dma source(%dma_start3A_73 : memref<2400000xf32, #tpu.memory_space<hbm>>) target(%dma_start3A_68 : memref<128xf32, #tpu.memory_space<vmem>>) offsets(%dma_start3A_71 : memref<128xi32, #tpu.memory_space<vmem>>) semaphore(%dma_start3A_75 : memref<!tpu.dma_semaphore, #tpu.memory_space<semaphore_mem>>)
    } else {
    }
    %gt3A_26 = arith.constant 1 : i32
    %gt3A_27 = arith.cmpi sgt, %select_n3A_7, %gt3A_26 : i32
    %convert_element_type3A_28 = arith.extui %gt3A_27 : i1 to i32
    %cond3A_29 = arith.constant 0 : i32
    %cond3A_30 = arith.cmpi ne, %convert_element_type3A_28, %cond3A_29 : i32
    scf.if %cond3A_30 {
      %dma_start3A = arith.constant 1 : i32
      %dma_start3A_66 = arith.constant 0 : i32
      %dma_start3A_67 = arith.constant 128 : i32
      %dma_start3A_68 = tpu.memref_slice %arg11[%dma_start3A_67] : memref<1024xf32, #tpu.memory_space<vmem>> -> memref<128xf32, #tpu.memory_space<vmem>>
      %dma_start3A_69 = arith.constant 0 : i32
      %dma_start3A_70 = tpu.memref_slice %arg9[%dma_start3A, %dma_start3A_69] : memref<293x128xi32, #tpu.memory_space<vmem>> -> memref<1x128xi32, #tpu.memory_space<vmem>>
      %dma_start3A_71 = tpu.memref_squeeze %dma_start3A_70 : memref<1x128xi32, #tpu.memory_space<vmem>> -> memref<128xi32, #tpu.memory_space<vmem>>
      %dma_start3A_72 = arith.constant 0 : i32
      %dma_start3A_73 = tpu.memref_slice %arg3[%dma_start3A_72] : memref<2400000xf32, #tpu.memory_space<hbm>> -> memref<2400000xf32, #tpu.memory_space<hbm>>
      %dma_start3A_74 = tpu.memref_slice %arg15[%dma_start3A_66] : memref<2x!tpu.dma_semaphore, #tpu.memory_space<semaphore_mem>> -> memref<1x!tpu.dma_semaphore, #tpu.memory_space<semaphore_mem>>
      %dma_start3A_75 = tpu.memref_squeeze %dma_start3A_74 : memref<1x!tpu.dma_semaphore, #tpu.memory_space<semaphore_mem>> -> memref<!tpu.dma_semaphore, #tpu.memory_space<semaphore_mem>>
      tpu.enqueue_indirect_dma source(%dma_start3A_73 : memref<2400000xf32, #tpu.memory_space<hbm>>) target(%dma_start3A_68 : memref<128xf32, #tpu.memory_space<vmem>>) offsets(%dma_start3A_71 : memref<128xi32, #tpu.memory_space<vmem>>) semaphore(%dma_start3A_75 : memref<!tpu.dma_semaphore, #tpu.memory_space<semaphore_mem>>)
    } else {
    }
    %gt3A_31 = arith.constant 2 : i32
    %gt3A_32 = arith.cmpi sgt, %select_n3A_7, %gt3A_31 : i32
    %convert_element_type3A_33 = arith.extui %gt3A_32 : i1 to i32
    %cond3A_34 = arith.constant 0 : i32
    %cond3A_35 = arith.cmpi ne, %convert_element_type3A_33, %cond3A_34 : i32
    scf.if %cond3A_35 {
      %dma_start3A = arith.constant 2 : i32
      %dma_start3A_66 = arith.constant 0 : i32
      %dma_start3A_67 = arith.constant 256 : i32
      %dma_start3A_68 = tpu.memref_slice %arg11[%dma_start3A_67] : memref<1024xf32, #tpu.memory_space<vmem>> -> memref<128xf32, #tpu.memory_space<vmem>>
      %dma_start3A_69 = arith.constant 0 : i32
      %dma_start3A_70 = tpu.memref_slice %arg9[%dma_start3A, %dma_start3A_69] : memref<293x128xi32, #tpu.memory_space<vmem>> -> memref<1x128xi32, #tpu.memory_space<vmem>>
      %dma_start3A_71 = tpu.memref_squeeze %dma_start3A_70 : memref<1x128xi32, #tpu.memory_space<vmem>> -> memref<128xi32, #tpu.memory_space<vmem>>
      %dma_start3A_72 = arith.constant 0 : i32
      %dma_start3A_73 = tpu.memref_slice %arg3[%dma_start3A_72] : memref<2400000xf32, #tpu.memory_space<hbm>> -> memref<2400000xf32, #tpu.memory_space<hbm>>
      %dma_start3A_74 = tpu.memref_slice %arg15[%dma_start3A_66] : memref<2x!tpu.dma_semaphore, #tpu.memory_space<semaphore_mem>> -> memref<1x!tpu.dma_semaphore, #tpu.memory_space<semaphore_mem>>
      %dma_start3A_75 = tpu.memref_squeeze %dma_start3A_74 : memref<1x!tpu.dma_semaphore, #tpu.memory_space<semaphore_mem>> -> memref<!tpu.dma_semaphore, #tpu.memory_space<semaphore_mem>>
      tpu.enqueue_indirect_dma source(%dma_start3A_73 : memref<2400000xf32, #tpu.memory_space<hbm>>) target(%dma_start3A_68 : memref<128xf32, #tpu.memory_space<vmem>>) offsets(%dma_start3A_71 : memref<128xi32, #tpu.memory_space<vmem>>) semaphore(%dma_start3A_75 : memref<!tpu.dma_semaphore, #tpu.memory_space<semaphore_mem>>)
    } else {
    }
    %gt3A_36 = arith.constant 3 : i32
    %gt3A_37 = arith.cmpi sgt, %select_n3A_7, %gt3A_36 : i32
    %convert_element_type3A_38 = arith.extui %gt3A_37 : i1 to i32
    %cond3A_39 = arith.constant 0 : i32
    %cond3A_40 = arith.cmpi ne, %convert_element_type3A_38, %cond3A_39 : i32
    scf.if %cond3A_40 {
      %dma_start3A = arith.constant 3 : i32
      %dma_start3A_66 = arith.constant 0 : i32
      %dma_start3A_67 = arith.constant 384 : i32
      %dma_start3A_68 = tpu.memref_slice %arg11[%dma_start3A_67] : memref<1024xf32, #tpu.memory_space<vmem>> -> memref<128xf32, #tpu.memory_space<vmem>>
      %dma_start3A_69 = arith.constant 0 : i32
      %dma_start3A_70 = tpu.memref_slice %arg9[%dma_start3A, %dma_start3A_69] : memref<293x128xi32, #tpu.memory_space<vmem>> -> memref<1x128xi32, #tpu.memory_space<vmem>>
      %dma_start3A_71 = tpu.memref_squeeze %dma_start3A_70 : memref<1x128xi32, #tpu.memory_space<vmem>> -> memref<128xi32, #tpu.memory_space<vmem>>
      %dma_start3A_72 = arith.constant 0 : i32
      %dma_start3A_73 = tpu.memref_slice %arg3[%dma_start3A_72] : memref<2400000xf32, #tpu.memory_space<hbm>> -> memref<2400000xf32, #tpu.memory_space<hbm>>
      %dma_start3A_74 = tpu.memref_slice %arg15[%dma_start3A_66] : memref<2x!tpu.dma_semaphore, #tpu.memory_space<semaphore_mem>> -> memref<1x!tpu.dma_semaphore, #tpu.memory_space<semaphore_mem>>
      %dma_start3A_75 = tpu.memref_squeeze %dma_start3A_74 : memref<1x!tpu.dma_semaphore, #tpu.memory_space<semaphore_mem>> -> memref<!tpu.dma_semaphore, #tpu.memory_space<semaphore_mem>>
      tpu.enqueue_indirect_dma source(%dma_start3A_73 : memref<2400000xf32, #tpu.memory_space<hbm>>) target(%dma_start3A_68 : memref<128xf32, #tpu.memory_space<vmem>>) offsets(%dma_start3A_71 : memref<128xi32, #tpu.memory_space<vmem>>) semaphore(%dma_start3A_75 : memref<!tpu.dma_semaphore, #tpu.memory_space<semaphore_mem>>)
    } else {
    }
    %gt3A_41 = arith.constant 4 : i32
    %gt3A_42 = arith.cmpi sgt, %select_n3A_7, %gt3A_41 : i32
    %convert_element_type3A_43 = arith.extui %gt3A_42 : i1 to i32
    %cond3A_44 = arith.constant 0 : i32
    %cond3A_45 = arith.cmpi ne, %convert_element_type3A_43, %cond3A_44 : i32
    scf.if %cond3A_45 {
      %dma_start3A = arith.constant 4 : i32
      %dma_start3A_66 = arith.constant 0 : i32
      %dma_start3A_67 = arith.constant 512 : i32
      %dma_start3A_68 = tpu.memref_slice %arg11[%dma_start3A_67] : memref<1024xf32, #tpu.memory_space<vmem>> -> memref<128xf32, #tpu.memory_space<vmem>>
      %dma_start3A_69 = arith.constant 0 : i32
      %dma_start3A_70 = tpu.memref_slice %arg9[%dma_start3A, %dma_start3A_69] : memref<293x128xi32, #tpu.memory_space<vmem>> -> memref<1x128xi32, #tpu.memory_space<vmem>>
      %dma_start3A_71 = tpu.memref_squeeze %dma_start3A_70 : memref<1x128xi32, #tpu.memory_space<vmem>> -> memref<128xi32, #tpu.memory_space<vmem>>
      %dma_start3A_72 = arith.constant 0 : i32
      %dma_start3A_73 = tpu.memref_slice %arg3[%dma_start3A_72] : memref<2400000xf32, #tpu.memory_space<hbm>> -> memref<2400000xf32, #tpu.memory_space<hbm>>
      %dma_start3A_74 = tpu.memref_slice %arg15[%dma_start3A_66] : memref<2x!tpu.dma_semaphore, #tpu.memory_space<semaphore_mem>> -> memref<1x!tpu.dma_semaphore, #tpu.memory_space<semaphore_mem>>
      %dma_start3A_75 = tpu.memref_squeeze %dma_start3A_74 : memref<1x!tpu.dma_semaphore, #tpu.memory_space<semaphore_mem>> -> memref<!tpu.dma_semaphore, #tpu.memory_space<semaphore_mem>>
      tpu.enqueue_indirect_dma source(%dma_start3A_73 : memref<2400000xf32, #tpu.memory_space<hbm>>) target(%dma_start3A_68 : memref<128xf32, #tpu.memory_space<vmem>>) offsets(%dma_start3A_71 : memref<128xi32, #tpu.memory_space<vmem>>) semaphore(%dma_start3A_75 : memref<!tpu.dma_semaphore, #tpu.memory_space<semaphore_mem>>)
    } else {
    }
    %gt3A_46 = arith.constant 5 : i32
    %gt3A_47 = arith.cmpi sgt, %select_n3A_7, %gt3A_46 : i32
    %convert_element_type3A_48 = arith.extui %gt3A_47 : i1 to i32
    %cond3A_49 = arith.constant 0 : i32
    %cond3A_50 = arith.cmpi ne, %convert_element_type3A_48, %cond3A_49 : i32
    scf.if %cond3A_50 {
      %dma_start3A = arith.constant 5 : i32
      %dma_start3A_66 = arith.constant 0 : i32
      %dma_start3A_67 = arith.constant 640 : i32
      %dma_start3A_68 = tpu.memref_slice %arg11[%dma_start3A_67] : memref<1024xf32, #tpu.memory_space<vmem>> -> memref<128xf32, #tpu.memory_space<vmem>>
      %dma_start3A_69 = arith.constant 0 : i32
      %dma_start3A_70 = tpu.memref_slice %arg9[%dma_start3A, %dma_start3A_69] : memref<293x128xi32, #tpu.memory_space<vmem>> -> memref<1x128xi32, #tpu.memory_space<vmem>>
      %dma_start3A_71 = tpu.memref_squeeze %dma_start3A_70 : memref<1x128xi32, #tpu.memory_space<vmem>> -> memref<128xi32, #tpu.memory_space<vmem>>
      %dma_start3A_72 = arith.constant 0 : i32
      %dma_start3A_73 = tpu.memref_slice %arg3[%dma_start3A_72] : memref<2400000xf32, #tpu.memory_space<hbm>> -> memref<2400000xf32, #tpu.memory_space<hbm>>
      %dma_start3A_74 = tpu.memref_slice %arg15[%dma_start3A_66] : memref<2x!tpu.dma_semaphore, #tpu.memory_space<semaphore_mem>> -> memref<1x!tpu.dma_semaphore, #tpu.memory_space<semaphore_mem>>
      %dma_start3A_75 = tpu.memref_squeeze %dma_start3A_74 : memref<1x!tpu.dma_semaphore, #tpu.memory_space<semaphore_mem>> -> memref<!tpu.dma_semaphore, #tpu.memory_space<semaphore_mem>>
      tpu.enqueue_indirect_dma source(%dma_start3A_73 : memref<2400000xf32, #tpu.memory_space<hbm>>) target(%dma_start3A_68 : memref<128xf32, #tpu.memory_space<vmem>>) offsets(%dma_start3A_71 : memref<128xi32, #tpu.memory_space<vmem>>) semaphore(%dma_start3A_75 : memref<!tpu.dma_semaphore, #tpu.memory_space<semaphore_mem>>)
    } else {
    }
    %gt3A_51 = arith.constant 6 : i32
    %gt3A_52 = arith.cmpi sgt, %select_n3A_7, %gt3A_51 : i32
    %convert_element_type3A_53 = arith.extui %gt3A_52 : i1 to i32
    %cond3A_54 = arith.constant 0 : i32
    %cond3A_55 = arith.cmpi ne, %convert_element_type3A_53, %cond3A_54 : i32
    scf.if %cond3A_55 {
      %dma_start3A = arith.constant 6 : i32
      %dma_start3A_66 = arith.constant 0 : i32
      %dma_start3A_67 = arith.constant 768 : i32
      %dma_start3A_68 = tpu.memref_slice %arg11[%dma_start3A_67] : memref<1024xf32, #tpu.memory_space<vmem>> -> memref<128xf32, #tpu.memory_space<vmem>>
      %dma_start3A_69 = arith.constant 0 : i32
      %dma_start3A_70 = tpu.memref_slice %arg9[%dma_start3A, %dma_start3A_69] : memref<293x128xi32, #tpu.memory_space<vmem>> -> memref<1x128xi32, #tpu.memory_space<vmem>>
      %dma_start3A_71 = tpu.memref_squeeze %dma_start3A_70 : memref<1x128xi32, #tpu.memory_space<vmem>> -> memref<128xi32, #tpu.memory_space<vmem>>
      %dma_start3A_72 = arith.constant 0 : i32
      %dma_start3A_73 = tpu.memref_slice %arg3[%dma_start3A_72] : memref<2400000xf32, #tpu.memory_space<hbm>> -> memref<2400000xf32, #tpu.memory_space<hbm>>
      %dma_start3A_74 = tpu.memref_slice %arg15[%dma_start3A_66] : memref<2x!tpu.dma_semaphore, #tpu.memory_space<semaphore_mem>> -> memref<1x!tpu.dma_semaphore, #tpu.memory_space<semaphore_mem>>
      %dma_start3A_75 = tpu.memref_squeeze %dma_start3A_74 : memref<1x!tpu.dma_semaphore, #tpu.memory_space<semaphore_mem>> -> memref<!tpu.dma_semaphore, #tpu.memory_space<semaphore_mem>>
      tpu.enqueue_indirect_dma source(%dma_start3A_73 : memref<2400000xf32, #tpu.memory_space<hbm>>) target(%dma_start3A_68 : memref<128xf32, #tpu.memory_space<vmem>>) offsets(%dma_start3A_71 : memref<128xi32, #tpu.memory_space<vmem>>) semaphore(%dma_start3A_75 : memref<!tpu.dma_semaphore, #tpu.memory_space<semaphore_mem>>)
    } else {
    }
    %gt3A_56 = arith.constant 7 : i32
    %gt3A_57 = arith.cmpi sgt, %select_n3A_7, %gt3A_56 : i32
    %convert_element_type3A_58 = arith.extui %gt3A_57 : i1 to i32
    %cond3A_59 = arith.constant 0 : i32
    %cond3A_60 = arith.cmpi ne, %convert_element_type3A_58, %cond3A_59 : i32
    scf.if %cond3A_60 {
      %dma_start3A = arith.constant 7 : i32
      %dma_start3A_66 = arith.constant 0 : i32
      %dma_start3A_67 = arith.constant 896 : i32
      %dma_start3A_68 = tpu.memref_slice %arg11[%dma_start3A_67] : memref<1024xf32, #tpu.memory_space<vmem>> -> memref<128xf32, #tpu.memory_space<vmem>>
      %dma_start3A_69 = arith.constant 0 : i32
      %dma_start3A_70 = tpu.memref_slice %arg9[%dma_start3A, %dma_start3A_69] : memref<293x128xi32, #tpu.memory_space<vmem>> -> memref<1x128xi32, #tpu.memory_space<vmem>>
      %dma_start3A_71 = tpu.memref_squeeze %dma_start3A_70 : memref<1x128xi32, #tpu.memory_space<vmem>> -> memref<128xi32, #tpu.memory_space<vmem>>
      %dma_start3A_72 = arith.constant 0 : i32
      %dma_start3A_73 = tpu.memref_slice %arg3[%dma_start3A_72] : memref<2400000xf32, #tpu.memory_space<hbm>> -> memref<2400000xf32, #tpu.memory_space<hbm>>
      %dma_start3A_74 = tpu.memref_slice %arg15[%dma_start3A_66] : memref<2x!tpu.dma_semaphore, #tpu.memory_space<semaphore_mem>> -> memref<1x!tpu.dma_semaphore, #tpu.memory_space<semaphore_mem>>
      %dma_start3A_75 = tpu.memref_squeeze %dma_start3A_74 : memref<1x!tpu.dma_semaphore, #tpu.memory_space<semaphore_mem>> -> memref<!tpu.dma_semaphore, #tpu.memory_space<semaphore_mem>>
      tpu.enqueue_indirect_dma source(%dma_start3A_73 : memref<2400000xf32, #tpu.memory_space<hbm>>) target(%dma_start3A_68 : memref<128xf32, #tpu.memory_space<vmem>>) offsets(%dma_start3A_71 : memref<128xi32, #tpu.memory_space<vmem>>) semaphore(%dma_start3A_75 : memref<!tpu.dma_semaphore, #tpu.memory_space<semaphore_mem>>)
    } else {
    }
    %scan3A = arith.constant 0 : i32
    %scan3A_61 = arith.constant 0 : i32
    %scan3A_62 = arith.constant 25 : i32
    %scan3A_63 = arith.addi %scan3A_61, %scan3A_62 : i32
    %scan3A_64 = arith.constant 1 : i32
    scf.for %scan3A_66 = %scan3A_61 to %scan3A_63 step %scan3A_64  : i32 {
      %mul3A_67 = arith.constant 2 : i32
      %mul3A_68 = arith.muli %mul3A_67, %scan3A_66 : i32
      %mul3A_69 = arith.constant 2 : i32
      %mul3A_70 = arith.muli %mul3A_68, %mul3A_69 : i32
      %add3A_71 = arith.constant 0 : i32
      %add3A_72 = arith.addi %mul3A_70, %add3A_71 : i32
      %lt3A = arith.cmpi slt, %add3A_72, %select_n3A : i32
      %convert_element_type3A_73 = arith.extui %lt3A : i1 to i32
      %cond3A_74 = arith.constant 0 : i32
      %cond3A_75 = arith.cmpi ne, %convert_element_type3A_73, %cond3A_74 : i32
      scf.if %cond3A_75 {
        %dma_wait3A = arith.constant 0 : i32
        %dma_wait3A_941 = arith.constant 0 : i32
        %dma_wait3A_942 = arith.constant 0 : i32
        %dma_wait3A_943 = arith.constant 0 : i32
        %dma_wait3A_944 = arith.constant 0 : i32
        %dma_wait3A_945 = arith.constant 0 : i32
        %dma_wait3A_946 = tpu.memref_slice %arg10[%dma_wait3A, %dma_wait3A_943, %dma_wait3A_944, %dma_wait3A_945] : memref<2x2x128x128xf32, #tpu.memory_space<vmem>> -> memref<1x2x128x128xf32, #tpu.memory_space<vmem>>
        %dma_wait3A_947 = tpu.memref_squeeze %dma_wait3A_946 : memref<1x2x128x128xf32, #tpu.memory_space<vmem>> -> memref<2x128x128xf32, #tpu.memory_space<vmem>>
        %dma_wait3A_948 = arith.constant 0 : i32
        %dma_wait3A_949 = arith.constant 0 : i32
        %dma_wait3A_950 = tpu.memref_slice %dma_wait3A_947[%dma_wait3A_941, %dma_wait3A_948, %dma_wait3A_949] : memref<2x128x128xf32, #tpu.memory_space<vmem>> -> memref<1x128x128xf32, #tpu.memory_space<vmem>>
        %dma_wait3A_951 = tpu.memref_squeeze %dma_wait3A_950 : memref<1x128x128xf32, #tpu.memory_space<vmem>> -> memref<128x128xf32, #tpu.memory_space<vmem>>
        %dma_wait3A_952 = arith.constant 0 : i32
        %dma_wait3A_953 = tpu.memref_slice %arg8[%add3A_72, %dma_wait3A_952] : memref<98x128xi32, #tpu.memory_space<vmem>> -> memref<1x128xi32, #tpu.memory_space<vmem>>
        %dma_wait3A_954 = tpu.memref_squeeze %dma_wait3A_953 : memref<1x128xi32, #tpu.memory_space<vmem>> -> memref<128xi32, #tpu.memory_space<vmem>>
        %dma_wait3A_955 = arith.constant 0 : i32
        %dma_wait3A_956 = arith.constant 0 : i32
        %dma_wait3A_957 = tpu.memref_slice %arg2[%dma_wait3A_955, %dma_wait3A_956] : memref<800000x128xf32, #tpu.memory_space<hbm>> -> memref<800000x128xf32, #tpu.memory_space<hbm>>
        %dma_wait3A_958 = tpu.memref_slice %arg13[%dma_wait3A_942] : memref<2x!tpu.dma_semaphore, #tpu.memory_space<semaphore_mem>> -> memref<1x!tpu.dma_semaphore, #tpu.memory_space<semaphore_mem>>
        %dma_wait3A_959 = tpu.memref_squeeze %dma_wait3A_958 : memref<1x!tpu.dma_semaphore, #tpu.memory_space<semaphore_mem>> -> memref<!tpu.dma_semaphore, #tpu.memory_space<semaphore_mem>>
        tpu.wait_indirect_dma semaphore(%dma_wait3A_959 : memref<!tpu.dma_semaphore, #tpu.memory_space<semaphore_mem>>) src(%dma_wait3A_957 : memref<800000x128xf32, #tpu.memory_space<hbm>>) dst(%dma_wait3A_951 : memref<128x128xf32, #tpu.memory_space<vmem>>)
      } else {
      }
      %mul3A_76 = arith.constant 2 : i32
      %mul3A_77 = arith.muli %mul3A_68, %mul3A_76 : i32
      %add3A_78 = arith.constant 1 : i32
      %add3A_79 = arith.addi %mul3A_77, %add3A_78 : i32
      %lt3A_80 = arith.cmpi slt, %add3A_79, %select_n3A : i32
      %convert_element_type3A_81 = arith.extui %lt3A_80 : i1 to i32
      %cond3A_82 = arith.constant 0 : i32
      %cond3A_83 = arith.cmpi ne, %convert_element_type3A_81, %cond3A_82 : i32
      scf.if %cond3A_83 {
        %dma_wait3A = arith.constant 0 : i32
        %dma_wait3A_941 = arith.constant 1 : i32
        %dma_wait3A_942 = arith.constant 0 : i32
        %dma_wait3A_943 = arith.constant 0 : i32
        %dma_wait3A_944 = arith.constant 0 : i32
        %dma_wait3A_945 = arith.constant 0 : i32
        %dma_wait3A_946 = tpu.memref_slice %arg10[%dma_wait3A, %dma_wait3A_943, %dma_wait3A_944, %dma_wait3A_945] : memref<2x2x128x128xf32, #tpu.memory_space<vmem>> -> memref<1x2x128x128xf32, #tpu.memory_space<vmem>>
        %dma_wait3A_947 = tpu.memref_squeeze %dma_wait3A_946 : memref<1x2x128x128xf32, #tpu.memory_space<vmem>> -> memref<2x128x128xf32, #tpu.memory_space<vmem>>
        %dma_wait3A_948 = arith.constant 0 : i32
        %dma_wait3A_949 = arith.constant 0 : i32
        %dma_wait3A_950 = tpu.memref_slice %dma_wait3A_947[%dma_wait3A_941, %dma_wait3A_948, %dma_wait3A_949] : memref<2x128x128xf32, #tpu.memory_space<vmem>> -> memref<1x128x128xf32, #tpu.memory_space<vmem>>
        %dma_wait3A_951 = tpu.memref_squeeze %dma_wait3A_950 : memref<1x128x128xf32, #tpu.memory_space<vmem>> -> memref<128x128xf32, #tpu.memory_space<vmem>>
        %dma_wait3A_952 = arith.constant 0 : i32
        %dma_wait3A_953 = tpu.memref_slice %arg8[%add3A_79, %dma_wait3A_952] : memref<98x128xi32, #tpu.memory_space<vmem>> -> memref<1x128xi32, #tpu.memory_space<vmem>>
        %dma_wait3A_954 = tpu.memref_squeeze %dma_wait3A_953 : memref<1x128xi32, #tpu.memory_space<vmem>> -> memref<128xi32, #tpu.memory_space<vmem>>
        %dma_wait3A_955 = arith.constant 0 : i32
        %dma_wait3A_956 = arith.constant 0 : i32
        %dma_wait3A_957 = tpu.memref_slice %arg2[%dma_wait3A_955, %dma_wait3A_956] : memref<800000x128xf32, #tpu.memory_space<hbm>> -> memref<800000x128xf32, #tpu.memory_space<hbm>>
        %dma_wait3A_958 = tpu.memref_slice %arg13[%dma_wait3A_942] : memref<2x!tpu.dma_semaphore, #tpu.memory_space<semaphore_mem>> -> memref<1x!tpu.dma_semaphore, #tpu.memory_space<semaphore_mem>>
        %dma_wait3A_959 = tpu.memref_squeeze %dma_wait3A_958 : memref<1x!tpu.dma_semaphore, #tpu.memory_space<semaphore_mem>> -> memref<!tpu.dma_semaphore, #tpu.memory_space<semaphore_mem>>
        tpu.wait_indirect_dma semaphore(%dma_wait3A_959 : memref<!tpu.dma_semaphore, #tpu.memory_space<semaphore_mem>>) src(%dma_wait3A_957 : memref<800000x128xf32, #tpu.memory_space<hbm>>) dst(%dma_wait3A_951 : memref<128x128xf32, #tpu.memory_space<vmem>>)
      } else {
      }
      %mul3A_84 = arith.constant 2 : i32
      %mul3A_85 = arith.muli %mul3A_68, %mul3A_84 : i32
      %add3A_86 = arith.constant 0 : i32
      %add3A_87 = arith.addi %mul3A_85, %add3A_86 : i32
      %lt3A_88 = arith.cmpi slt, %add3A_87, %select_n3A : i32
      %convert_element_type3A_89 = arith.extui %lt3A_88 : i1 to i32
      %cond3A_90 = arith.constant 0 : i32
      %cond3A_91 = arith.cmpi ne, %convert_element_type3A_89, %cond3A_90 : i32
      scf.if %cond3A_91 {
        %add3A_941 = arith.addi %mul3A_9, %add3A_87 : i32
        %mul3A_942 = arith.constant 128 : i32
        %mul3A_943 = arith.muli %add3A_941, %mul3A_942 : i32
        %dma_start3A = arith.constant 0 : i32
        %dma_start3A_944 = arith.constant 0 : i32
        %dma_start3A_945 = arith.constant 0 : i32
        %dma_start3A_946 = arith.constant 0 : i32
        %dma_start3A_947 = arith.constant 0 : i32
        %dma_start3A_948 = arith.constant 0 : i32
        %dma_start3A_949 = tpu.memref_slice %arg10[%dma_start3A, %dma_start3A_946, %dma_start3A_947, %dma_start3A_948] : memref<2x2x128x128xf32, #tpu.memory_space<vmem>> -> memref<1x2x128x128xf32, #tpu.memory_space<vmem>>
        %dma_start3A_950 = tpu.memref_squeeze %dma_start3A_949 : memref<1x2x128x128xf32, #tpu.memory_space<vmem>> -> memref<2x128x128xf32, #tpu.memory_space<vmem>>
        %dma_start3A_951 = arith.constant 0 : i32
        %dma_start3A_952 = arith.constant 0 : i32
        %dma_start3A_953 = tpu.memref_slice %dma_start3A_950[%dma_start3A_944, %dma_start3A_951, %dma_start3A_952] : memref<2x128x128xf32, #tpu.memory_space<vmem>> -> memref<1x128x128xf32, #tpu.memory_space<vmem>>
        %dma_start3A_954 = tpu.memref_squeeze %dma_start3A_953 : memref<1x128x128xf32, #tpu.memory_space<vmem>> -> memref<128x128xf32, #tpu.memory_space<vmem>>
        %dma_start3A_955 = arith.constant 0 : i32
        %dma_start3A_956 = tpu.memref_slice %arg6[%mul3A_943, %dma_start3A_955] : memref<400000x128xf32, #tpu.memory_space<hbm>> -> memref<128x128xf32, #tpu.memory_space<hbm>>
        %dma_start3A_957 = tpu.memref_slice %arg14[%dma_start3A_945] : memref<2x!tpu.dma_semaphore, #tpu.memory_space<semaphore_mem>> -> memref<1x!tpu.dma_semaphore, #tpu.memory_space<semaphore_mem>>
        %dma_start3A_958 = tpu.memref_squeeze %dma_start3A_957 : memref<1x!tpu.dma_semaphore, #tpu.memory_space<semaphore_mem>> -> memref<!tpu.dma_semaphore, #tpu.memory_space<semaphore_mem>>
        %dma_start3A_959 = arith.constant 0 : i32
        %dma_start3A_960 = tpu.memref_slice %arg6[%mul3A_943, %dma_start3A_959] : memref<400000x128xf32, #tpu.memory_space<hbm>> -> memref<128x128xf32, #tpu.memory_space<hbm>>
        %dma_start3A_961 = arith.constant 0 : i32
        %dma_start3A_962 = arith.constant 0 : i32
        %dma_start3A_963 = arith.constant 0 : i32
        %dma_start3A_964 = tpu.memref_slice %arg10[%dma_start3A, %dma_start3A_961, %dma_start3A_962, %dma_start3A_963] : memref<2x2x128x128xf32, #tpu.memory_space<vmem>> -> memref<1x2x128x128xf32, #tpu.memory_space<vmem>>
        %dma_start3A_965 = tpu.memref_squeeze %dma_start3A_964 : memref<1x2x128x128xf32, #tpu.memory_space<vmem>> -> memref<2x128x128xf32, #tpu.memory_space<vmem>>
        %dma_start3A_966 = arith.constant 0 : i32
        %dma_start3A_967 = arith.constant 0 : i32
        %dma_start3A_968 = tpu.memref_slice %dma_start3A_965[%dma_start3A_944, %dma_start3A_966, %dma_start3A_967] : memref<2x128x128xf32, #tpu.memory_space<vmem>> -> memref<1x128x128xf32, #tpu.memory_space<vmem>>
        %dma_start3A_969 = tpu.memref_squeeze %dma_start3A_968 : memref<1x128x128xf32, #tpu.memory_space<vmem>> -> memref<128x128xf32, #tpu.memory_space<vmem>>
        tpu.enqueue_dma source(%dma_start3A_969 : memref<128x128xf32, #tpu.memory_space<vmem>>) target(%dma_start3A_960 : memref<128x128xf32, #tpu.memory_space<hbm>>) target_semaphore(%dma_start3A_958 : memref<!tpu.dma_semaphore, #tpu.memory_space<semaphore_mem>>)
      } else {
      }
      %mul3A_92 = arith.constant 2 : i32
      %mul3A_93 = arith.muli %mul3A_68, %mul3A_92 : i32
      %add3A_94 = arith.constant 1 : i32
      %add3A_95 = arith.addi %mul3A_93, %add3A_94 : i32
      %lt3A_96 = arith.cmpi slt, %add3A_95, %select_n3A : i32
      %convert_element_type3A_97 = arith.extui %lt3A_96 : i1 to i32
      %cond3A_98 = arith.constant 0 : i32
      %cond3A_99 = arith.cmpi ne, %convert_element_type3A_97, %cond3A_98 : i32
      scf.if %cond3A_99 {
        %add3A_941 = arith.addi %mul3A_9, %add3A_95 : i32
        %mul3A_942 = arith.constant 128 : i32
        %mul3A_943 = arith.muli %add3A_941, %mul3A_942 : i32
        %dma_start3A = arith.constant 0 : i32
        %dma_start3A_944 = arith.constant 1 : i32
        %dma_start3A_945 = arith.constant 0 : i32
        %dma_start3A_946 = arith.constant 0 : i32
        %dma_start3A_947 = arith.constant 0 : i32
        %dma_start3A_948 = arith.constant 0 : i32
        %dma_start3A_949 = tpu.memref_slice %arg10[%dma_start3A, %dma_start3A_946, %dma_start3A_947, %dma_start3A_948] : memref<2x2x128x128xf32, #tpu.memory_space<vmem>> -> memref<1x2x128x128xf32, #tpu.memory_space<vmem>>
        %dma_start3A_950 = tpu.memref_squeeze %dma_start3A_949 : memref<1x2x128x128xf32, #tpu.memory_space<vmem>> -> memref<2x128x128xf32, #tpu.memory_space<vmem>>
        %dma_start3A_951 = arith.constant 0 : i32
        %dma_start3A_952 = arith.constant 0 : i32
        %dma_start3A_953 = tpu.memref_slice %dma_start3A_950[%dma_start3A_944, %dma_start3A_951, %dma_start3A_952] : memref<2x128x128xf32, #tpu.memory_space<vmem>> -> memref<1x128x128xf32, #tpu.memory_space<vmem>>
        %dma_start3A_954 = tpu.memref_squeeze %dma_start3A_953 : memref<1x128x128xf32, #tpu.memory_space<vmem>> -> memref<128x128xf32, #tpu.memory_space<vmem>>
        %dma_start3A_955 = arith.constant 0 : i32
        %dma_start3A_956 = tpu.memref_slice %arg6[%mul3A_943, %dma_start3A_955] : memref<400000x128xf32, #tpu.memory_space<hbm>> -> memref<128x128xf32, #tpu.memory_space<hbm>>
        %dma_start3A_957 = tpu.memref_slice %arg14[%dma_start3A_945] : memref<2x!tpu.dma_semaphore, #tpu.memory_space<semaphore_mem>> -> memref<1x!tpu.dma_semaphore, #tpu.memory_space<semaphore_mem>>
        %dma_start3A_958 = tpu.memref_squeeze %dma_start3A_957 : memref<1x!tpu.dma_semaphore, #tpu.memory_space<semaphore_mem>> -> memref<!tpu.dma_semaphore, #tpu.memory_space<semaphore_mem>>
        %dma_start3A_959 = arith.constant 0 : i32
        %dma_start3A_960 = tpu.memref_slice %arg6[%mul3A_943, %dma_start3A_959] : memref<400000x128xf32, #tpu.memory_space<hbm>> -> memref<128x128xf32, #tpu.memory_space<hbm>>
        %dma_start3A_961 = arith.constant 0 : i32
        %dma_start3A_962 = arith.constant 0 : i32
        %dma_start3A_963 = arith.constant 0 : i32
        %dma_start3A_964 = tpu.memref_slice %arg10[%dma_start3A, %dma_start3A_961, %dma_start3A_962, %dma_start3A_963] : memref<2x2x128x128xf32, #tpu.memory_space<vmem>> -> memref<1x2x128x128xf32, #tpu.memory_space<vmem>>
        %dma_start3A_965 = tpu.memref_squeeze %dma_start3A_964 : memref<1x2x128x128xf32, #tpu.memory_space<vmem>> -> memref<2x128x128xf32, #tpu.memory_space<vmem>>
        %dma_start3A_966 = arith.constant 0 : i32
        %dma_start3A_967 = arith.constant 0 : i32
        %dma_start3A_968 = tpu.memref_slice %dma_start3A_965[%dma_start3A_944, %dma_start3A_966, %dma_start3A_967] : memref<2x128x128xf32, #tpu.memory_space<vmem>> -> memref<1x128x128xf32, #tpu.memory_space<vmem>>
        %dma_start3A_969 = tpu.memref_squeeze %dma_start3A_968 : memref<1x128x128xf32, #tpu.memory_space<vmem>> -> memref<128x128xf32, #tpu.memory_space<vmem>>
        tpu.enqueue_dma source(%dma_start3A_969 : memref<128x128xf32, #tpu.memory_space<vmem>>) target(%dma_start3A_960 : memref<128x128xf32, #tpu.memory_space<hbm>>) target_semaphore(%dma_start3A_958 : memref<!tpu.dma_semaphore, #tpu.memory_space<semaphore_mem>>)
      } else {
      }
      %sub3A = arith.constant 1 : i32
      %sub3A_100 = arith.subi %mul3A_68, %sub3A : i32
      %mul3A_101 = arith.constant 2 : i32
      %mul3A_102 = arith.muli %sub3A_100, %mul3A_101 : i32
      %add3A_103 = arith.constant 0 : i32
      %add3A_104 = arith.addi %mul3A_102, %add3A_103 : i32
      %ge3A = arith.constant 1 : i32
      %ge3A_105 = arith.cmpi sge, %mul3A_68, %ge3A : i32
      %lt3A_106 = arith.cmpi slt, %add3A_104, %select_n3A : i32
      %and3A = arith.andi %ge3A_105, %lt3A_106 : i1
      %convert_element_type3A_107 = arith.extui %and3A : i1 to i32
      %cond3A_108 = arith.constant 0 : i32
      %cond3A_109 = arith.cmpi ne, %convert_element_type3A_107, %cond3A_108 : i32
      scf.if %cond3A_109 {
        %add3A_941 = arith.addi %mul3A_9, %add3A_104 : i32
        %mul3A_942 = arith.constant 128 : i32
        %mul3A_943 = arith.muli %add3A_941, %mul3A_942 : i32
        %dma_wait3A = arith.constant 1 : i32
        %dma_wait3A_944 = arith.constant 0 : i32
        %dma_wait3A_945 = arith.constant 1 : i32
        %dma_wait3A_946 = arith.constant 0 : i32
        %dma_wait3A_947 = arith.constant 0 : i32
        %dma_wait3A_948 = arith.constant 0 : i32
        %dma_wait3A_949 = tpu.memref_slice %arg10[%dma_wait3A, %dma_wait3A_946, %dma_wait3A_947, %dma_wait3A_948] : memref<2x2x128x128xf32, #tpu.memory_space<vmem>> -> memref<1x2x128x128xf32, #tpu.memory_space<vmem>>
        %dma_wait3A_950 = tpu.memref_squeeze %dma_wait3A_949 : memref<1x2x128x128xf32, #tpu.memory_space<vmem>> -> memref<2x128x128xf32, #tpu.memory_space<vmem>>
        %dma_wait3A_951 = arith.constant 0 : i32
        %dma_wait3A_952 = arith.constant 0 : i32
        %dma_wait3A_953 = tpu.memref_slice %dma_wait3A_950[%dma_wait3A_944, %dma_wait3A_951, %dma_wait3A_952] : memref<2x128x128xf32, #tpu.memory_space<vmem>> -> memref<1x128x128xf32, #tpu.memory_space<vmem>>
        %dma_wait3A_954 = tpu.memref_squeeze %dma_wait3A_953 : memref<1x128x128xf32, #tpu.memory_space<vmem>> -> memref<128x128xf32, #tpu.memory_space<vmem>>
        %dma_wait3A_955 = arith.constant 0 : i32
        %dma_wait3A_956 = tpu.memref_slice %arg6[%mul3A_943, %dma_wait3A_955] : memref<400000x128xf32, #tpu.memory_space<hbm>> -> memref<128x128xf32, #tpu.memory_space<hbm>>
        %dma_wait3A_957 = tpu.memref_slice %arg14[%dma_wait3A_945] : memref<2x!tpu.dma_semaphore, #tpu.memory_space<semaphore_mem>> -> memref<1x!tpu.dma_semaphore, #tpu.memory_space<semaphore_mem>>
        %dma_wait3A_958 = tpu.memref_squeeze %dma_wait3A_957 : memref<1x!tpu.dma_semaphore, #tpu.memory_space<semaphore_mem>> -> memref<!tpu.dma_semaphore, #tpu.memory_space<semaphore_mem>>
        %dma_wait3A_959 = arith.constant 0 : i32
        %dma_wait3A_960 = tpu.memref_slice %arg6[%mul3A_943, %dma_wait3A_959] : memref<400000x128xf32, #tpu.memory_space<hbm>> -> memref<128x128xf32, #tpu.memory_space<hbm>>
        %dma_wait3A_961 = arith.constant 0 : i32
        %dma_wait3A_962 = arith.constant 0 : i32
        %dma_wait3A_963 = arith.constant 0 : i32
        %dma_wait3A_964 = tpu.memref_slice %arg10[%dma_wait3A, %dma_wait3A_961, %dma_wait3A_962, %dma_wait3A_963] : memref<2x2x128x128xf32, #tpu.memory_space<vmem>> -> memref<1x2x128x128xf32, #tpu.memory_space<vmem>>
        %dma_wait3A_965 = tpu.memref_squeeze %dma_wait3A_964 : memref<1x2x128x128xf32, #tpu.memory_space<vmem>> -> memref<2x128x128xf32, #tpu.memory_space<vmem>>
        %dma_wait3A_966 = arith.constant 0 : i32
        %dma_wait3A_967 = arith.constant 0 : i32
        %dma_wait3A_968 = tpu.memref_slice %dma_wait3A_965[%dma_wait3A_944, %dma_wait3A_966, %dma_wait3A_967] : memref<2x128x128xf32, #tpu.memory_space<vmem>> -> memref<1x128x128xf32, #tpu.memory_space<vmem>>
        %dma_wait3A_969 = tpu.memref_squeeze %dma_wait3A_968 : memref<1x128x128xf32, #tpu.memory_space<vmem>> -> memref<128x128xf32, #tpu.memory_space<vmem>>
        tpu.wait_dma2 semaphore(%dma_wait3A_958 : memref<!tpu.dma_semaphore, #tpu.memory_space<semaphore_mem>>) src(%dma_wait3A_969 : memref<128x128xf32, #tpu.memory_space<vmem>>) dst(%dma_wait3A_960 : memref<128x128xf32, #tpu.memory_space<hbm>>)
      } else {
      }
      %sub3A_110 = arith.constant 1 : i32
      %sub3A_111 = arith.subi %mul3A_68, %sub3A_110 : i32
      %mul3A_112 = arith.constant 2 : i32
      %mul3A_113 = arith.muli %sub3A_111, %mul3A_112 : i32
      %add3A_114 = arith.constant 1 : i32
      %add3A_115 = arith.addi %mul3A_113, %add3A_114 : i32
      %ge3A_116 = arith.constant 1 : i32
      %ge3A_117 = arith.cmpi sge, %mul3A_68, %ge3A_116 : i32
      %lt3A_118 = arith.cmpi slt, %add3A_115, %select_n3A : i32
      %and3A_119 = arith.andi %ge3A_117, %lt3A_118 : i1
      %convert_element_type3A_120 = arith.extui %and3A_119 : i1 to i32
      %cond3A_121 = arith.constant 0 : i32
      %cond3A_122 = arith.cmpi ne, %convert_element_type3A_120, %cond3A_121 : i32
      scf.if %cond3A_122 {
        %add3A_941 = arith.addi %mul3A_9, %add3A_115 : i32
        %mul3A_942 = arith.constant 128 : i32
        %mul3A_943 = arith.muli %add3A_941, %mul3A_942 : i32
        %dma_wait3A = arith.constant 1 : i32
        %dma_wait3A_944 = arith.constant 1 : i32
        %dma_wait3A_945 = arith.constant 1 : i32
        %dma_wait3A_946 = arith.constant 0 : i32
        %dma_wait3A_947 = arith.constant 0 : i32
        %dma_wait3A_948 = arith.constant 0 : i32
        %dma_wait3A_949 = tpu.memref_slice %arg10[%dma_wait3A, %dma_wait3A_946, %dma_wait3A_947, %dma_wait3A_948] : memref<2x2x128x128xf32, #tpu.memory_space<vmem>> -> memref<1x2x128x128xf32, #tpu.memory_space<vmem>>
        %dma_wait3A_950 = tpu.memref_squeeze %dma_wait3A_949 : memref<1x2x128x128xf32, #tpu.memory_space<vmem>> -> memref<2x128x128xf32, #tpu.memory_space<vmem>>
        %dma_wait3A_951 = arith.constant 0 : i32
        %dma_wait3A_952 = arith.constant 0 : i32
        %dma_wait3A_953 = tpu.memref_slice %dma_wait3A_950[%dma_wait3A_944, %dma_wait3A_951, %dma_wait3A_952] : memref<2x128x128xf32, #tpu.memory_space<vmem>> -> memref<1x128x128xf32, #tpu.memory_space<vmem>>
        %dma_wait3A_954 = tpu.memref_squeeze %dma_wait3A_953 : memref<1x128x128xf32, #tpu.memory_space<vmem>> -> memref<128x128xf32, #tpu.memory_space<vmem>>
        %dma_wait3A_955 = arith.constant 0 : i32
        %dma_wait3A_956 = tpu.memref_slice %arg6[%mul3A_943, %dma_wait3A_955] : memref<400000x128xf32, #tpu.memory_space<hbm>> -> memref<128x128xf32, #tpu.memory_space<hbm>>
        %dma_wait3A_957 = tpu.memref_slice %arg14[%dma_wait3A_945] : memref<2x!tpu.dma_semaphore, #tpu.memory_space<semaphore_mem>> -> memref<1x!tpu.dma_semaphore, #tpu.memory_space<semaphore_mem>>
        %dma_wait3A_958 = tpu.memref_squeeze %dma_wait3A_957 : memref<1x!tpu.dma_semaphore, #tpu.memory_space<semaphore_mem>> -> memref<!tpu.dma_semaphore, #tpu.memory_space<semaphore_mem>>
        %dma_wait3A_959 = arith.constant 0 : i32
        %dma_wait3A_960 = tpu.memref_slice %arg6[%mul3A_943, %dma_wait3A_959] : memref<400000x128xf32, #tpu.memory_space<hbm>> -> memref<128x128xf32, #tpu.memory_space<hbm>>
        %dma_wait3A_961 = arith.constant 0 : i32
        %dma_wait3A_962 = arith.constant 0 : i32
        %dma_wait3A_963 = arith.constant 0 : i32
        %dma_wait3A_964 = tpu.memref_slice %arg10[%dma_wait3A, %dma_wait3A_961, %dma_wait3A_962, %dma_wait3A_963] : memref<2x2x128x128xf32, #tpu.memory_space<vmem>> -> memref<1x2x128x128xf32, #tpu.memory_space<vmem>>
        %dma_wait3A_965 = tpu.memref_squeeze %dma_wait3A_964 : memref<1x2x128x128xf32, #tpu.memory_space<vmem>> -> memref<2x128x128xf32, #tpu.memory_space<vmem>>
        %dma_wait3A_966 = arith.constant 0 : i32
        %dma_wait3A_967 = arith.constant 0 : i32
        %dma_wait3A_968 = tpu.memref_slice %dma_wait3A_965[%dma_wait3A_944, %dma_wait3A_966, %dma_wait3A_967] : memref<2x128x128xf32, #tpu.memory_space<vmem>> -> memref<1x128x128xf32, #tpu.memory_space<vmem>>
        %dma_wait3A_969 = tpu.memref_squeeze %dma_wait3A_968 : memref<1x128x128xf32, #tpu.memory_space<vmem>> -> memref<128x128xf32, #tpu.memory_space<vmem>>
        tpu.wait_dma2 semaphore(%dma_wait3A_958 : memref<!tpu.dma_semaphore, #tpu.memory_space<semaphore_mem>>) src(%dma_wait3A_969 : memref<128x128xf32, #tpu.memory_space<vmem>>) dst(%dma_wait3A_960 : memref<128x128xf32, #tpu.memory_space<hbm>>)
      } else {
      }
      %add3A_123 = arith.constant 1 : i32
      %add3A_124 = arith.addi %mul3A_68, %add3A_123 : i32
      %mul3A_125 = arith.constant 2 : i32
      %mul3A_126 = arith.muli %add3A_124, %mul3A_125 : i32
      %add3A_127 = arith.constant 0 : i32
      %add3A_128 = arith.addi %mul3A_126, %add3A_127 : i32
      %lt3A_129 = arith.cmpi slt, %add3A_128, %select_n3A : i32
      %convert_element_type3A_130 = arith.extui %lt3A_129 : i1 to i32
      %cond3A_131 = arith.constant 0 : i32
      %cond3A_132 = arith.cmpi ne, %convert_element_type3A_130, %cond3A_131 : i32
      scf.if %cond3A_132 {
        %dma_start3A = arith.constant 1 : i32
        %dma_start3A_941 = arith.constant 0 : i32
        %dma_start3A_942 = arith.constant 1 : i32
        %dma_start3A_943 = arith.constant 0 : i32
        %dma_start3A_944 = arith.constant 0 : i32
        %dma_start3A_945 = arith.constant 0 : i32
        %dma_start3A_946 = tpu.memref_slice %arg10[%dma_start3A, %dma_start3A_943, %dma_start3A_944, %dma_start3A_945] : memref<2x2x128x128xf32, #tpu.memory_space<vmem>> -> memref<1x2x128x128xf32, #tpu.memory_space<vmem>>
        %dma_start3A_947 = tpu.memref_squeeze %dma_start3A_946 : memref<1x2x128x128xf32, #tpu.memory_space<vmem>> -> memref<2x128x128xf32, #tpu.memory_space<vmem>>
        %dma_start3A_948 = arith.constant 0 : i32
        %dma_start3A_949 = arith.constant 0 : i32
        %dma_start3A_950 = tpu.memref_slice %dma_start3A_947[%dma_start3A_941, %dma_start3A_948, %dma_start3A_949] : memref<2x128x128xf32, #tpu.memory_space<vmem>> -> memref<1x128x128xf32, #tpu.memory_space<vmem>>
        %dma_start3A_951 = tpu.memref_squeeze %dma_start3A_950 : memref<1x128x128xf32, #tpu.memory_space<vmem>> -> memref<128x128xf32, #tpu.memory_space<vmem>>
        %dma_start3A_952 = arith.constant 0 : i32
        %dma_start3A_953 = tpu.memref_slice %arg8[%add3A_128, %dma_start3A_952] : memref<98x128xi32, #tpu.memory_space<vmem>> -> memref<1x128xi32, #tpu.memory_space<vmem>>
        %dma_start3A_954 = tpu.memref_squeeze %dma_start3A_953 : memref<1x128xi32, #tpu.memory_space<vmem>> -> memref<128xi32, #tpu.memory_space<vmem>>
        %dma_start3A_955 = arith.constant 0 : i32
        %dma_start3A_956 = arith.constant 0 : i32
        %dma_start3A_957 = tpu.memref_slice %arg2[%dma_start3A_955, %dma_start3A_956] : memref<800000x128xf32, #tpu.memory_space<hbm>> -> memref<800000x128xf32, #tpu.memory_space<hbm>>
        %dma_start3A_958 = tpu.memref_slice %arg13[%dma_start3A_942] : memref<2x!tpu.dma_semaphore, #tpu.memory_space<semaphore_mem>> -> memref<1x!tpu.dma_semaphore, #tpu.memory_space<semaphore_mem>>
        %dma_start3A_959 = tpu.memref_squeeze %dma_start3A_958 : memref<1x!tpu.dma_semaphore, #tpu.memory_space<semaphore_mem>> -> memref<!tpu.dma_semaphore, #tpu.memory_space<semaphore_mem>>
        tpu.enqueue_indirect_dma source(%dma_start3A_957 : memref<800000x128xf32, #tpu.memory_space<hbm>>) target(%dma_start3A_951 : memref<128x128xf32, #tpu.memory_space<vmem>>) offsets(%dma_start3A_954 : memref<128xi32, #tpu.memory_space<vmem>>) semaphore(%dma_start3A_959 : memref<!tpu.dma_semaphore, #tpu.memory_space<semaphore_mem>>)
      } else {
      }
      %mul3A_133 = arith.constant 2 : i32
      %mul3A_134 = arith.muli %add3A_124, %mul3A_133 : i32
      %add3A_135 = arith.constant 1 : i32
      %add3A_136 = arith.addi %mul3A_134, %add3A_135 : i32
      %lt3A_137 = arith.cmpi slt, %add3A_136, %select_n3A : i32
      %convert_element_type3A_138 = arith.extui %lt3A_137 : i1 to i32
      %cond3A_139 = arith.constant 0 : i32
      %cond3A_140 = arith.cmpi ne, %convert_element_type3A_138, %cond3A_139 : i32
      scf.if %cond3A_140 {
        %dma_start3A = arith.constant 1 : i32
        %dma_start3A_941 = arith.constant 1 : i32
        %dma_start3A_942 = arith.constant 1 : i32
        %dma_start3A_943 = arith.constant 0 : i32
        %dma_start3A_944 = arith.constant 0 : i32
        %dma_start3A_945 = arith.constant 0 : i32
        %dma_start3A_946 = tpu.memref_slice %arg10[%dma_start3A, %dma_start3A_943, %dma_start3A_944, %dma_start3A_945] : memref<2x2x128x128xf32, #tpu.memory_space<vmem>> -> memref<1x2x128x128xf32, #tpu.memory_space<vmem>>
        %dma_start3A_947 = tpu.memref_squeeze %dma_start3A_946 : memref<1x2x128x128xf32, #tpu.memory_space<vmem>> -> memref<2x128x128xf32, #tpu.memory_space<vmem>>
        %dma_start3A_948 = arith.constant 0 : i32
        %dma_start3A_949 = arith.constant 0 : i32
        %dma_start3A_950 = tpu.memref_slice %dma_start3A_947[%dma_start3A_941, %dma_start3A_948, %dma_start3A_949] : memref<2x128x128xf32, #tpu.memory_space<vmem>> -> memref<1x128x128xf32, #tpu.memory_space<vmem>>
        %dma_start3A_951 = tpu.memref_squeeze %dma_start3A_950 : memref<1x128x128xf32, #tpu.memory_space<vmem>> -> memref<128x128xf32, #tpu.memory_space<vmem>>
        %dma_start3A_952 = arith.constant 0 : i32
        %dma_start3A_953 = tpu.memref_slice %arg8[%add3A_136, %dma_start3A_952] : memref<98x128xi32, #tpu.memory_space<vmem>> -> memref<1x128xi32, #tpu.memory_space<vmem>>
        %dma_start3A_954 = tpu.memref_squeeze %dma_start3A_953 : memref<1x128xi32, #tpu.memory_space<vmem>> -> memref<128xi32, #tpu.memory_space<vmem>>
        %dma_start3A_955 = arith.constant 0 : i32
        %dma_start3A_956 = arith.constant 0 : i32
        %dma_start3A_957 = tpu.memref_slice %arg2[%dma_start3A_955, %dma_start3A_956] : memref<800000x128xf32, #tpu.memory_space<hbm>> -> memref<800000x128xf32, #tpu.memory_space<hbm>>
        %dma_start3A_958 = tpu.memref_slice %arg13[%dma_start3A_942] : memref<2x!tpu.dma_semaphore, #tpu.memory_space<semaphore_mem>> -> memref<1x!tpu.dma_semaphore, #tpu.memory_space<semaphore_mem>>
        %dma_start3A_959 = tpu.memref_squeeze %dma_start3A_958 : memref<1x!tpu.dma_semaphore, #tpu.memory_space<semaphore_mem>> -> memref<!tpu.dma_semaphore, #tpu.memory_space<semaphore_mem>>
        tpu.enqueue_indirect_dma source(%dma_start3A_957 : memref<800000x128xf32, #tpu.memory_space<hbm>>) target(%dma_start3A_951 : memref<128x128xf32, #tpu.memory_space<vmem>>) offsets(%dma_start3A_954 : memref<128xi32, #tpu.memory_space<vmem>>) semaphore(%dma_start3A_959 : memref<!tpu.dma_semaphore, #tpu.memory_space<semaphore_mem>>)
      } else {
      }
      %mul3A_141 = arith.constant 8 : i32
      %mul3A_142 = arith.muli %mul3A_68, %mul3A_141 : i32
      %add3A_143 = arith.constant 0 : i32
      %add3A_144 = arith.addi %mul3A_142, %add3A_143 : i32
      %lt3A_145 = arith.cmpi slt, %add3A_144, %select_n3A_7 : i32
      %convert_element_type3A_146 = arith.extui %lt3A_145 : i1 to i32
      %cond3A_147 = arith.constant 0 : i32
      %cond3A_148 = arith.cmpi ne, %convert_element_type3A_146, %cond3A_147 : i32
      scf.if %cond3A_148 {
        %dma_wait3A = arith.constant 0 : i32
        %dma_wait3A_941 = arith.constant 0 : i32
        %dma_wait3A_942 = tpu.memref_slice %arg11[%dma_wait3A_941] : memref<1024xf32, #tpu.memory_space<vmem>> -> memref<128xf32, #tpu.memory_space<vmem>>
        %dma_wait3A_943 = arith.constant 0 : i32
        %dma_wait3A_944 = tpu.memref_slice %arg9[%add3A_144, %dma_wait3A_943] : memref<293x128xi32, #tpu.memory_space<vmem>> -> memref<1x128xi32, #tpu.memory_space<vmem>>
        %dma_wait3A_945 = tpu.memref_squeeze %dma_wait3A_944 : memref<1x128xi32, #tpu.memory_space<vmem>> -> memref<128xi32, #tpu.memory_space<vmem>>
        %dma_wait3A_946 = arith.constant 0 : i32
        %dma_wait3A_947 = tpu.memref_slice %arg3[%dma_wait3A_946] : memref<2400000xf32, #tpu.memory_space<hbm>> -> memref<2400000xf32, #tpu.memory_space<hbm>>
        %dma_wait3A_948 = tpu.memref_slice %arg15[%dma_wait3A] : memref<2x!tpu.dma_semaphore, #tpu.memory_space<semaphore_mem>> -> memref<1x!tpu.dma_semaphore, #tpu.memory_space<semaphore_mem>>
        %dma_wait3A_949 = tpu.memref_squeeze %dma_wait3A_948 : memref<1x!tpu.dma_semaphore, #tpu.memory_space<semaphore_mem>> -> memref<!tpu.dma_semaphore, #tpu.memory_space<semaphore_mem>>
        tpu.wait_indirect_dma semaphore(%dma_wait3A_949 : memref<!tpu.dma_semaphore, #tpu.memory_space<semaphore_mem>>) src(%dma_wait3A_947 : memref<2400000xf32, #tpu.memory_space<hbm>>) dst(%dma_wait3A_942 : memref<128xf32, #tpu.memory_space<vmem>>)
      } else {
      }
      %mul3A_149 = arith.constant 8 : i32
      %mul3A_150 = arith.muli %mul3A_68, %mul3A_149 : i32
      %add3A_151 = arith.constant 1 : i32
      %add3A_152 = arith.addi %mul3A_150, %add3A_151 : i32
      %lt3A_153 = arith.cmpi slt, %add3A_152, %select_n3A_7 : i32
      %convert_element_type3A_154 = arith.extui %lt3A_153 : i1 to i32
      %cond3A_155 = arith.constant 0 : i32
      %cond3A_156 = arith.cmpi ne, %convert_element_type3A_154, %cond3A_155 : i32
      scf.if %cond3A_156 {
        %dma_wait3A = arith.constant 0 : i32
        %dma_wait3A_941 = arith.constant 128 : i32
        %dma_wait3A_942 = tpu.memref_slice %arg11[%dma_wait3A_941] : memref<1024xf32, #tpu.memory_space<vmem>> -> memref<128xf32, #tpu.memory_space<vmem>>
        %dma_wait3A_943 = arith.constant 0 : i32
        %dma_wait3A_944 = tpu.memref_slice %arg9[%add3A_152, %dma_wait3A_943] : memref<293x128xi32, #tpu.memory_space<vmem>> -> memref<1x128xi32, #tpu.memory_space<vmem>>
        %dma_wait3A_945 = tpu.memref_squeeze %dma_wait3A_944 : memref<1x128xi32, #tpu.memory_space<vmem>> -> memref<128xi32, #tpu.memory_space<vmem>>
        %dma_wait3A_946 = arith.constant 0 : i32
        %dma_wait3A_947 = tpu.memref_slice %arg3[%dma_wait3A_946] : memref<2400000xf32, #tpu.memory_space<hbm>> -> memref<2400000xf32, #tpu.memory_space<hbm>>
        %dma_wait3A_948 = tpu.memref_slice %arg15[%dma_wait3A] : memref<2x!tpu.dma_semaphore, #tpu.memory_space<semaphore_mem>> -> memref<1x!tpu.dma_semaphore, #tpu.memory_space<semaphore_mem>>
        %dma_wait3A_949 = tpu.memref_squeeze %dma_wait3A_948 : memref<1x!tpu.dma_semaphore, #tpu.memory_space<semaphore_mem>> -> memref<!tpu.dma_semaphore, #tpu.memory_space<semaphore_mem>>
        tpu.wait_indirect_dma semaphore(%dma_wait3A_949 : memref<!tpu.dma_semaphore, #tpu.memory_space<semaphore_mem>>) src(%dma_wait3A_947 : memref<2400000xf32, #tpu.memory_space<hbm>>) dst(%dma_wait3A_942 : memref<128xf32, #tpu.memory_space<vmem>>)
      } else {
      }
      %mul3A_157 = arith.constant 8 : i32
      %mul3A_158 = arith.muli %mul3A_68, %mul3A_157 : i32
      %add3A_159 = arith.constant 2 : i32
      %add3A_160 = arith.addi %mul3A_158, %add3A_159 : i32
      %lt3A_161 = arith.cmpi slt, %add3A_160, %select_n3A_7 : i32
      %convert_element_type3A_162 = arith.extui %lt3A_161 : i1 to i32
      %cond3A_163 = arith.constant 0 : i32
      %cond3A_164 = arith.cmpi ne, %convert_element_type3A_162, %cond3A_163 : i32
      scf.if %cond3A_164 {
        %dma_wait3A = arith.constant 0 : i32
        %dma_wait3A_941 = arith.constant 256 : i32
        %dma_wait3A_942 = tpu.memref_slice %arg11[%dma_wait3A_941] : memref<1024xf32, #tpu.memory_space<vmem>> -> memref<128xf32, #tpu.memory_space<vmem>>
        %dma_wait3A_943 = arith.constant 0 : i32
        %dma_wait3A_944 = tpu.memref_slice %arg9[%add3A_160, %dma_wait3A_943] : memref<293x128xi32, #tpu.memory_space<vmem>> -> memref<1x128xi32, #tpu.memory_space<vmem>>
        %dma_wait3A_945 = tpu.memref_squeeze %dma_wait3A_944 : memref<1x128xi32, #tpu.memory_space<vmem>> -> memref<128xi32, #tpu.memory_space<vmem>>
        %dma_wait3A_946 = arith.constant 0 : i32
        %dma_wait3A_947 = tpu.memref_slice %arg3[%dma_wait3A_946] : memref<2400000xf32, #tpu.memory_space<hbm>> -> memref<2400000xf32, #tpu.memory_space<hbm>>
        %dma_wait3A_948 = tpu.memref_slice %arg15[%dma_wait3A] : memref<2x!tpu.dma_semaphore, #tpu.memory_space<semaphore_mem>> -> memref<1x!tpu.dma_semaphore, #tpu.memory_space<semaphore_mem>>
        %dma_wait3A_949 = tpu.memref_squeeze %dma_wait3A_948 : memref<1x!tpu.dma_semaphore, #tpu.memory_space<semaphore_mem>> -> memref<!tpu.dma_semaphore, #tpu.memory_space<semaphore_mem>>
        tpu.wait_indirect_dma semaphore(%dma_wait3A_949 : memref<!tpu.dma_semaphore, #tpu.memory_space<semaphore_mem>>) src(%dma_wait3A_947 : memref<2400000xf32, #tpu.memory_space<hbm>>) dst(%dma_wait3A_942 : memref<128xf32, #tpu.memory_space<vmem>>)
      } else {
      }
      %mul3A_165 = arith.constant 8 : i32
      %mul3A_166 = arith.muli %mul3A_68, %mul3A_165 : i32
      %add3A_167 = arith.constant 3 : i32
      %add3A_168 = arith.addi %mul3A_166, %add3A_167 : i32
      %lt3A_169 = arith.cmpi slt, %add3A_168, %select_n3A_7 : i32
      %convert_element_type3A_170 = arith.extui %lt3A_169 : i1 to i32
      %cond3A_171 = arith.constant 0 : i32
      %cond3A_172 = arith.cmpi ne, %convert_element_type3A_170, %cond3A_171 : i32
      scf.if %cond3A_172 {
        %dma_wait3A = arith.constant 0 : i32
        %dma_wait3A_941 = arith.constant 384 : i32
        %dma_wait3A_942 = tpu.memref_slice %arg11[%dma_wait3A_941] : memref<1024xf32, #tpu.memory_space<vmem>> -> memref<128xf32, #tpu.memory_space<vmem>>
        %dma_wait3A_943 = arith.constant 0 : i32
        %dma_wait3A_944 = tpu.memref_slice %arg9[%add3A_168, %dma_wait3A_943] : memref<293x128xi32, #tpu.memory_space<vmem>> -> memref<1x128xi32, #tpu.memory_space<vmem>>
        %dma_wait3A_945 = tpu.memref_squeeze %dma_wait3A_944 : memref<1x128xi32, #tpu.memory_space<vmem>> -> memref<128xi32, #tpu.memory_space<vmem>>
        %dma_wait3A_946 = arith.constant 0 : i32
        %dma_wait3A_947 = tpu.memref_slice %arg3[%dma_wait3A_946] : memref<2400000xf32, #tpu.memory_space<hbm>> -> memref<2400000xf32, #tpu.memory_space<hbm>>
        %dma_wait3A_948 = tpu.memref_slice %arg15[%dma_wait3A] : memref<2x!tpu.dma_semaphore, #tpu.memory_space<semaphore_mem>> -> memref<1x!tpu.dma_semaphore, #tpu.memory_space<semaphore_mem>>
        %dma_wait3A_949 = tpu.memref_squeeze %dma_wait3A_948 : memref<1x!tpu.dma_semaphore, #tpu.memory_space<semaphore_mem>> -> memref<!tpu.dma_semaphore, #tpu.memory_space<semaphore_mem>>
        tpu.wait_indirect_dma semaphore(%dma_wait3A_949 : memref<!tpu.dma_semaphore, #tpu.memory_space<semaphore_mem>>) src(%dma_wait3A_947 : memref<2400000xf32, #tpu.memory_space<hbm>>) dst(%dma_wait3A_942 : memref<128xf32, #tpu.memory_space<vmem>>)
      } else {
      }
      %mul3A_173 = arith.constant 8 : i32
      %mul3A_174 = arith.muli %mul3A_68, %mul3A_173 : i32
      %add3A_175 = arith.constant 4 : i32
      %add3A_176 = arith.addi %mul3A_174, %add3A_175 : i32
      %lt3A_177 = arith.cmpi slt, %add3A_176, %select_n3A_7 : i32
      %convert_element_type3A_178 = arith.extui %lt3A_177 : i1 to i32
      %cond3A_179 = arith.constant 0 : i32
      %cond3A_180 = arith.cmpi ne, %convert_element_type3A_178, %cond3A_179 : i32
      scf.if %cond3A_180 {
        %dma_wait3A = arith.constant 0 : i32
        %dma_wait3A_941 = arith.constant 512 : i32
        %dma_wait3A_942 = tpu.memref_slice %arg11[%dma_wait3A_941] : memref<1024xf32, #tpu.memory_space<vmem>> -> memref<128xf32, #tpu.memory_space<vmem>>
        %dma_wait3A_943 = arith.constant 0 : i32
        %dma_wait3A_944 = tpu.memref_slice %arg9[%add3A_176, %dma_wait3A_943] : memref<293x128xi32, #tpu.memory_space<vmem>> -> memref<1x128xi32, #tpu.memory_space<vmem>>
        %dma_wait3A_945 = tpu.memref_squeeze %dma_wait3A_944 : memref<1x128xi32, #tpu.memory_space<vmem>> -> memref<128xi32, #tpu.memory_space<vmem>>
        %dma_wait3A_946 = arith.constant 0 : i32
        %dma_wait3A_947 = tpu.memref_slice %arg3[%dma_wait3A_946] : memref<2400000xf32, #tpu.memory_space<hbm>> -> memref<2400000xf32, #tpu.memory_space<hbm>>
        %dma_wait3A_948 = tpu.memref_slice %arg15[%dma_wait3A] : memref<2x!tpu.dma_semaphore, #tpu.memory_space<semaphore_mem>> -> memref<1x!tpu.dma_semaphore, #tpu.memory_space<semaphore_mem>>
        %dma_wait3A_949 = tpu.memref_squeeze %dma_wait3A_948 : memref<1x!tpu.dma_semaphore, #tpu.memory_space<semaphore_mem>> -> memref<!tpu.dma_semaphore, #tpu.memory_space<semaphore_mem>>
        tpu.wait_indirect_dma semaphore(%dma_wait3A_949 : memref<!tpu.dma_semaphore, #tpu.memory_space<semaphore_mem>>) src(%dma_wait3A_947 : memref<2400000xf32, #tpu.memory_space<hbm>>) dst(%dma_wait3A_942 : memref<128xf32, #tpu.memory_space<vmem>>)
      } else {
      }
      %mul3A_181 = arith.constant 8 : i32
      %mul3A_182 = arith.muli %mul3A_68, %mul3A_181 : i32
      %add3A_183 = arith.constant 5 : i32
      %add3A_184 = arith.addi %mul3A_182, %add3A_183 : i32
      %lt3A_185 = arith.cmpi slt, %add3A_184, %select_n3A_7 : i32
      %convert_element_type3A_186 = arith.extui %lt3A_185 : i1 to i32
      %cond3A_187 = arith.constant 0 : i32
      %cond3A_188 = arith.cmpi ne, %convert_element_type3A_186, %cond3A_187 : i32
      scf.if %cond3A_188 {
        %dma_wait3A = arith.constant 0 : i32
        %dma_wait3A_941 = arith.constant 640 : i32
        %dma_wait3A_942 = tpu.memref_slice %arg11[%dma_wait3A_941] : memref<1024xf32, #tpu.memory_space<vmem>> -> memref<128xf32, #tpu.memory_space<vmem>>
        %dma_wait3A_943 = arith.constant 0 : i32
        %dma_wait3A_944 = tpu.memref_slice %arg9[%add3A_184, %dma_wait3A_943] : memref<293x128xi32, #tpu.memory_space<vmem>> -> memref<1x128xi32, #tpu.memory_space<vmem>>
        %dma_wait3A_945 = tpu.memref_squeeze %dma_wait3A_944 : memref<1x128xi32, #tpu.memory_space<vmem>> -> memref<128xi32, #tpu.memory_space<vmem>>
        %dma_wait3A_946 = arith.constant 0 : i32
        %dma_wait3A_947 = tpu.memref_slice %arg3[%dma_wait3A_946] : memref<2400000xf32, #tpu.memory_space<hbm>> -> memref<2400000xf32, #tpu.memory_space<hbm>>
        %dma_wait3A_948 = tpu.memref_slice %arg15[%dma_wait3A] : memref<2x!tpu.dma_semaphore, #tpu.memory_space<semaphore_mem>> -> memref<1x!tpu.dma_semaphore, #tpu.memory_space<semaphore_mem>>
        %dma_wait3A_949 = tpu.memref_squeeze %dma_wait3A_948 : memref<1x!tpu.dma_semaphore, #tpu.memory_space<semaphore_mem>> -> memref<!tpu.dma_semaphore, #tpu.memory_space<semaphore_mem>>
        tpu.wait_indirect_dma semaphore(%dma_wait3A_949 : memref<!tpu.dma_semaphore, #tpu.memory_space<semaphore_mem>>) src(%dma_wait3A_947 : memref<2400000xf32, #tpu.memory_space<hbm>>) dst(%dma_wait3A_942 : memref<128xf32, #tpu.memory_space<vmem>>)
      } else {
      }
      %mul3A_189 = arith.constant 8 : i32
      %mul3A_190 = arith.muli %mul3A_68, %mul3A_189 : i32
      %add3A_191 = arith.constant 6 : i32
      %add3A_192 = arith.addi %mul3A_190, %add3A_191 : i32
      %lt3A_193 = arith.cmpi slt, %add3A_192, %select_n3A_7 : i32
      %convert_element_type3A_194 = arith.extui %lt3A_193 : i1 to i32
      %cond3A_195 = arith.constant 0 : i32
      %cond3A_196 = arith.cmpi ne, %convert_element_type3A_194, %cond3A_195 : i32
      scf.if %cond3A_196 {
        %dma_wait3A = arith.constant 0 : i32
        %dma_wait3A_941 = arith.constant 768 : i32
        %dma_wait3A_942 = tpu.memref_slice %arg11[%dma_wait3A_941] : memref<1024xf32, #tpu.memory_space<vmem>> -> memref<128xf32, #tpu.memory_space<vmem>>
        %dma_wait3A_943 = arith.constant 0 : i32
        %dma_wait3A_944 = tpu.memref_slice %arg9[%add3A_192, %dma_wait3A_943] : memref<293x128xi32, #tpu.memory_space<vmem>> -> memref<1x128xi32, #tpu.memory_space<vmem>>
        %dma_wait3A_945 = tpu.memref_squeeze %dma_wait3A_944 : memref<1x128xi32, #tpu.memory_space<vmem>> -> memref<128xi32, #tpu.memory_space<vmem>>
        %dma_wait3A_946 = arith.constant 0 : i32
        %dma_wait3A_947 = tpu.memref_slice %arg3[%dma_wait3A_946] : memref<2400000xf32, #tpu.memory_space<hbm>> -> memref<2400000xf32, #tpu.memory_space<hbm>>
        %dma_wait3A_948 = tpu.memref_slice %arg15[%dma_wait3A] : memref<2x!tpu.dma_semaphore, #tpu.memory_space<semaphore_mem>> -> memref<1x!tpu.dma_semaphore, #tpu.memory_space<semaphore_mem>>
        %dma_wait3A_949 = tpu.memref_squeeze %dma_wait3A_948 : memref<1x!tpu.dma_semaphore, #tpu.memory_space<semaphore_mem>> -> memref<!tpu.dma_semaphore, #tpu.memory_space<semaphore_mem>>
        tpu.wait_indirect_dma semaphore(%dma_wait3A_949 : memref<!tpu.dma_semaphore, #tpu.memory_space<semaphore_mem>>) src(%dma_wait3A_947 : memref<2400000xf32, #tpu.memory_space<hbm>>) dst(%dma_wait3A_942 : memref<128xf32, #tpu.memory_space<vmem>>)
      } else {
      }
      %mul3A_197 = arith.constant 8 : i32
      %mul3A_198 = arith.muli %mul3A_68, %mul3A_197 : i32
      %add3A_199 = arith.constant 7 : i32
      %add3A_200 = arith.addi %mul3A_198, %add3A_199 : i32
      %lt3A_201 = arith.cmpi slt, %add3A_200, %select_n3A_7 : i32
      %convert_element_type3A_202 = arith.extui %lt3A_201 : i1 to i32
      %cond3A_203 = arith.constant 0 : i32
      %cond3A_204 = arith.cmpi ne, %convert_element_type3A_202, %cond3A_203 : i32
      scf.if %cond3A_204 {
        %dma_wait3A = arith.constant 0 : i32
        %dma_wait3A_941 = arith.constant 896 : i32
        %dma_wait3A_942 = tpu.memref_slice %arg11[%dma_wait3A_941] : memref<1024xf32, #tpu.memory_space<vmem>> -> memref<128xf32, #tpu.memory_space<vmem>>
        %dma_wait3A_943 = arith.constant 0 : i32
        %dma_wait3A_944 = tpu.memref_slice %arg9[%add3A_200, %dma_wait3A_943] : memref<293x128xi32, #tpu.memory_space<vmem>> -> memref<1x128xi32, #tpu.memory_space<vmem>>
        %dma_wait3A_945 = tpu.memref_squeeze %dma_wait3A_944 : memref<1x128xi32, #tpu.memory_space<vmem>> -> memref<128xi32, #tpu.memory_space<vmem>>
        %dma_wait3A_946 = arith.constant 0 : i32
        %dma_wait3A_947 = tpu.memref_slice %arg3[%dma_wait3A_946] : memref<2400000xf32, #tpu.memory_space<hbm>> -> memref<2400000xf32, #tpu.memory_space<hbm>>
        %dma_wait3A_948 = tpu.memref_slice %arg15[%dma_wait3A] : memref<2x!tpu.dma_semaphore, #tpu.memory_space<semaphore_mem>> -> memref<1x!tpu.dma_semaphore, #tpu.memory_space<semaphore_mem>>
        %dma_wait3A_949 = tpu.memref_squeeze %dma_wait3A_948 : memref<1x!tpu.dma_semaphore, #tpu.memory_space<semaphore_mem>> -> memref<!tpu.dma_semaphore, #tpu.memory_space<semaphore_mem>>
        tpu.wait_indirect_dma semaphore(%dma_wait3A_949 : memref<!tpu.dma_semaphore, #tpu.memory_space<semaphore_mem>>) src(%dma_wait3A_947 : memref<2400000xf32, #tpu.memory_space<hbm>>) dst(%dma_wait3A_942 : memref<128xf32, #tpu.memory_space<vmem>>)
      } else {
      }
      %mul3A_205 = arith.constant 8 : i32
      %mul3A_206 = arith.muli %mul3A_68, %mul3A_205 : i32
      %add3A_207 = arith.constant 8 : i32
      %add3A_208 = arith.addi %mul3A_206, %add3A_207 : i32
      %le3A = arith.cmpi sle, %add3A_208, %select_n3A_7 : i32
      %mul3A_209 = arith.constant 8 : i32
      %mul3A_210 = arith.muli %mul3A_68, %mul3A_209 : i32
      %lt3A_211 = arith.cmpi slt, %mul3A_210, %select_n3A_7 : i32
      %and3A_212 = arith.andi %lt3A_211, %le3A : i1
      %convert_element_type3A_213 = arith.extui %and3A_212 : i1 to i32
      %cond3A_214 = arith.constant 0 : i32
      %cond3A_215 = arith.cmpi ne, %convert_element_type3A_213, %cond3A_214 : i32
      scf.if %cond3A_215 {
        %mul3A_941 = arith.constant 8 : i32
        %mul3A_942 = arith.muli %mul3A_68, %mul3A_941 : i32
        %mul3A_943 = arith.constant 128 : i32
        %mul3A_944 = arith.muli %mul3A_942, %mul3A_943 : i32
        %add3A_945 = arith.addi %mul3A_13, %mul3A_944 : i32
        %dma_start3A = arith.constant 0 : i32
        %dma_start3A_946 = tpu.memref_slice %arg7[%add3A_945] : memref<1200000xf32, #tpu.memory_space<hbm>> -> memref<1024xf32, #tpu.memory_space<hbm>>
        %dma_start3A_947 = tpu.memref_slice %arg16[%dma_start3A] : memref<2x!tpu.dma_semaphore, #tpu.memory_space<semaphore_mem>> -> memref<1x!tpu.dma_semaphore, #tpu.memory_space<semaphore_mem>>
        %dma_start3A_948 = tpu.memref_squeeze %dma_start3A_947 : memref<1x!tpu.dma_semaphore, #tpu.memory_space<semaphore_mem>> -> memref<!tpu.dma_semaphore, #tpu.memory_space<semaphore_mem>>
        %dma_start3A_949 = tpu.memref_slice %arg7[%add3A_945] : memref<1200000xf32, #tpu.memory_space<hbm>> -> memref<1024xf32, #tpu.memory_space<hbm>>
        tpu.enqueue_dma source(%arg11 : memref<1024xf32, #tpu.memory_space<vmem>>) target(%dma_start3A_949 : memref<1024xf32, #tpu.memory_space<hbm>>) target_semaphore(%dma_start3A_948 : memref<!tpu.dma_semaphore, #tpu.memory_space<semaphore_mem>>)
      } else {
      }
      %mul3A_216 = arith.constant 8 : i32
      %mul3A_217 = arith.muli %mul3A_68, %mul3A_216 : i32
      %add3A_218 = arith.constant 0 : i32
      %add3A_219 = arith.addi %mul3A_217, %add3A_218 : i32
      %not3A = arith.constant true
      %not3A_220 = arith.xori %le3A, %not3A : i1
      %lt3A_221 = arith.cmpi slt, %add3A_219, %select_n3A_7 : i32
      %and3A_222 = arith.andi %not3A_220, %lt3A_221 : i1
      %convert_element_type3A_223 = arith.extui %and3A_222 : i1 to i32
      %cond3A_224 = arith.constant 0 : i32
      %cond3A_225 = arith.cmpi ne, %convert_element_type3A_223, %cond3A_224 : i32
      scf.if %cond3A_225 {
        %mul3A_941 = arith.constant 128 : i32
        %mul3A_942 = arith.muli %add3A_219, %mul3A_941 : i32
        %add3A_943 = arith.addi %mul3A_13, %mul3A_942 : i32
        %dma_start3A = arith.constant 0 : i32
        %dma_start3A_944 = arith.constant 0 : i32
        %dma_start3A_945 = tpu.memref_slice %arg11[%dma_start3A_944] : memref<1024xf32, #tpu.memory_space<vmem>> -> memref<128xf32, #tpu.memory_space<vmem>>
        %dma_start3A_946 = tpu.memref_slice %arg7[%add3A_943] : memref<1200000xf32, #tpu.memory_space<hbm>> -> memref<128xf32, #tpu.memory_space<hbm>>
        %dma_start3A_947 = tpu.memref_slice %arg16[%dma_start3A] : memref<2x!tpu.dma_semaphore, #tpu.memory_space<semaphore_mem>> -> memref<1x!tpu.dma_semaphore, #tpu.memory_space<semaphore_mem>>
        %dma_start3A_948 = tpu.memref_squeeze %dma_start3A_947 : memref<1x!tpu.dma_semaphore, #tpu.memory_space<semaphore_mem>> -> memref<!tpu.dma_semaphore, #tpu.memory_space<semaphore_mem>>
        %dma_start3A_949 = tpu.memref_slice %arg7[%add3A_943] : memref<1200000xf32, #tpu.memory_space<hbm>> -> memref<128xf32, #tpu.memory_space<hbm>>
        %dma_start3A_950 = arith.constant 0 : i32
        %dma_start3A_951 = tpu.memref_slice %arg11[%dma_start3A_950] : memref<1024xf32, #tpu.memory_space<vmem>> -> memref<128xf32, #tpu.memory_space<vmem>>
        tpu.enqueue_dma source(%dma_start3A_951 : memref<128xf32, #tpu.memory_space<vmem>>) target(%dma_start3A_949 : memref<128xf32, #tpu.memory_space<hbm>>) target_semaphore(%dma_start3A_948 : memref<!tpu.dma_semaphore, #tpu.memory_space<semaphore_mem>>)
      } else {
      }
      %mul3A_226 = arith.constant 8 : i32
      %mul3A_227 = arith.muli %mul3A_68, %mul3A_226 : i32
      %add3A_228 = arith.constant 1 : i32
      %add3A_229 = arith.addi %mul3A_227, %add3A_228 : i32
      %not3A_230 = arith.constant true
      %not3A_231 = arith.xori %le3A, %not3A_230 : i1
      %lt3A_232 = arith.cmpi slt, %add3A_229, %select_n3A_7 : i32
      %and3A_233 = arith.andi %not3A_231, %lt3A_232 : i1
      %convert_element_type3A_234 = arith.extui %and3A_233 : i1 to i32
      %cond3A_235 = arith.constant 0 : i32
      %cond3A_236 = arith.cmpi ne, %convert_element_type3A_234, %cond3A_235 : i32
      scf.if %cond3A_236 {
        %mul3A_941 = arith.constant 128 : i32
        %mul3A_942 = arith.muli %add3A_229, %mul3A_941 : i32
        %add3A_943 = arith.addi %mul3A_13, %mul3A_942 : i32
        %dma_start3A = arith.constant 0 : i32
        %dma_start3A_944 = arith.constant 128 : i32
        %dma_start3A_945 = tpu.memref_slice %arg11[%dma_start3A_944] : memref<1024xf32, #tpu.memory_space<vmem>> -> memref<128xf32, #tpu.memory_space<vmem>>
        %dma_start3A_946 = tpu.memref_slice %arg7[%add3A_943] : memref<1200000xf32, #tpu.memory_space<hbm>> -> memref<128xf32, #tpu.memory_space<hbm>>
        %dma_start3A_947 = tpu.memref_slice %arg16[%dma_start3A] : memref<2x!tpu.dma_semaphore, #tpu.memory_space<semaphore_mem>> -> memref<1x!tpu.dma_semaphore, #tpu.memory_space<semaphore_mem>>
        %dma_start3A_948 = tpu.memref_squeeze %dma_start3A_947 : memref<1x!tpu.dma_semaphore, #tpu.memory_space<semaphore_mem>> -> memref<!tpu.dma_semaphore, #tpu.memory_space<semaphore_mem>>
        %dma_start3A_949 = tpu.memref_slice %arg7[%add3A_943] : memref<1200000xf32, #tpu.memory_space<hbm>> -> memref<128xf32, #tpu.memory_space<hbm>>
        %dma_start3A_950 = arith.constant 128 : i32
        %dma_start3A_951 = tpu.memref_slice %arg11[%dma_start3A_950] : memref<1024xf32, #tpu.memory_space<vmem>> -> memref<128xf32, #tpu.memory_space<vmem>>
        tpu.enqueue_dma source(%dma_start3A_951 : memref<128xf32, #tpu.memory_space<vmem>>) target(%dma_start3A_949 : memref<128xf32, #tpu.memory_space<hbm>>) target_semaphore(%dma_start3A_948 : memref<!tpu.dma_semaphore, #tpu.memory_space<semaphore_mem>>)
      } else {
      }
      %mul3A_237 = arith.constant 8 : i32
      %mul3A_238 = arith.muli %mul3A_68, %mul3A_237 : i32
      %add3A_239 = arith.constant 2 : i32
      %add3A_240 = arith.addi %mul3A_238, %add3A_239 : i32
      %not3A_241 = arith.constant true
      %not3A_242 = arith.xori %le3A, %not3A_241 : i1
      %lt3A_243 = arith.cmpi slt, %add3A_240, %select_n3A_7 : i32
      %and3A_244 = arith.andi %not3A_242, %lt3A_243 : i1
      %convert_element_type3A_245 = arith.extui %and3A_244 : i1 to i32
      %cond3A_246 = arith.constant 0 : i32
      %cond3A_247 = arith.cmpi ne, %convert_element_type3A_245, %cond3A_246 : i32
      scf.if %cond3A_247 {
        %mul3A_941 = arith.constant 128 : i32
        %mul3A_942 = arith.muli %add3A_240, %mul3A_941 : i32
        %add3A_943 = arith.addi %mul3A_13, %mul3A_942 : i32
        %dma_start3A = arith.constant 0 : i32
        %dma_start3A_944 = arith.constant 256 : i32
        %dma_start3A_945 = tpu.memref_slice %arg11[%dma_start3A_944] : memref<1024xf32, #tpu.memory_space<vmem>> -> memref<128xf32, #tpu.memory_space<vmem>>
        %dma_start3A_946 = tpu.memref_slice %arg7[%add3A_943] : memref<1200000xf32, #tpu.memory_space<hbm>> -> memref<128xf32, #tpu.memory_space<hbm>>
        %dma_start3A_947 = tpu.memref_slice %arg16[%dma_start3A] : memref<2x!tpu.dma_semaphore, #tpu.memory_space<semaphore_mem>> -> memref<1x!tpu.dma_semaphore, #tpu.memory_space<semaphore_mem>>
        %dma_start3A_948 = tpu.memref_squeeze %dma_start3A_947 : memref<1x!tpu.dma_semaphore, #tpu.memory_space<semaphore_mem>> -> memref<!tpu.dma_semaphore, #tpu.memory_space<semaphore_mem>>
        %dma_start3A_949 = tpu.memref_slice %arg7[%add3A_943] : memref<1200000xf32, #tpu.memory_space<hbm>> -> memref<128xf32, #tpu.memory_space<hbm>>
        %dma_start3A_950 = arith.constant 256 : i32
        %dma_start3A_951 = tpu.memref_slice %arg11[%dma_start3A_950] : memref<1024xf32, #tpu.memory_space<vmem>> -> memref<128xf32, #tpu.memory_space<vmem>>
        tpu.enqueue_dma source(%dma_start3A_951 : memref<128xf32, #tpu.memory_space<vmem>>) target(%dma_start3A_949 : memref<128xf32, #tpu.memory_space<hbm>>) target_semaphore(%dma_start3A_948 : memref<!tpu.dma_semaphore, #tpu.memory_space<semaphore_mem>>)
      } else {
      }
      %mul3A_248 = arith.constant 8 : i32
      %mul3A_249 = arith.muli %mul3A_68, %mul3A_248 : i32
      %add3A_250 = arith.constant 3 : i32
      %add3A_251 = arith.addi %mul3A_249, %add3A_250 : i32
      %not3A_252 = arith.constant true
      %not3A_253 = arith.xori %le3A, %not3A_252 : i1
      %lt3A_254 = arith.cmpi slt, %add3A_251, %select_n3A_7 : i32
      %and3A_255 = arith.andi %not3A_253, %lt3A_254 : i1
      %convert_element_type3A_256 = arith.extui %and3A_255 : i1 to i32
      %cond3A_257 = arith.constant 0 : i32
      %cond3A_258 = arith.cmpi ne, %convert_element_type3A_256, %cond3A_257 : i32
      scf.if %cond3A_258 {
        %mul3A_941 = arith.constant 128 : i32
        %mul3A_942 = arith.muli %add3A_251, %mul3A_941 : i32
        %add3A_943 = arith.addi %mul3A_13, %mul3A_942 : i32
        %dma_start3A = arith.constant 0 : i32
        %dma_start3A_944 = arith.constant 384 : i32
        %dma_start3A_945 = tpu.memref_slice %arg11[%dma_start3A_944] : memref<1024xf32, #tpu.memory_space<vmem>> -> memref<128xf32, #tpu.memory_space<vmem>>
        %dma_start3A_946 = tpu.memref_slice %arg7[%add3A_943] : memref<1200000xf32, #tpu.memory_space<hbm>> -> memref<128xf32, #tpu.memory_space<hbm>>
        %dma_start3A_947 = tpu.memref_slice %arg16[%dma_start3A] : memref<2x!tpu.dma_semaphore, #tpu.memory_space<semaphore_mem>> -> memref<1x!tpu.dma_semaphore, #tpu.memory_space<semaphore_mem>>
        %dma_start3A_948 = tpu.memref_squeeze %dma_start3A_947 : memref<1x!tpu.dma_semaphore, #tpu.memory_space<semaphore_mem>> -> memref<!tpu.dma_semaphore, #tpu.memory_space<semaphore_mem>>
        %dma_start3A_949 = tpu.memref_slice %arg7[%add3A_943] : memref<1200000xf32, #tpu.memory_space<hbm>> -> memref<128xf32, #tpu.memory_space<hbm>>
        %dma_start3A_950 = arith.constant 384 : i32
        %dma_start3A_951 = tpu.memref_slice %arg11[%dma_start3A_950] : memref<1024xf32, #tpu.memory_space<vmem>> -> memref<128xf32, #tpu.memory_space<vmem>>
        tpu.enqueue_dma source(%dma_start3A_951 : memref<128xf32, #tpu.memory_space<vmem>>) target(%dma_start3A_949 : memref<128xf32, #tpu.memory_space<hbm>>) target_semaphore(%dma_start3A_948 : memref<!tpu.dma_semaphore, #tpu.memory_space<semaphore_mem>>)
      } else {
      }
      %mul3A_259 = arith.constant 8 : i32
      %mul3A_260 = arith.muli %mul3A_68, %mul3A_259 : i32
      %add3A_261 = arith.constant 4 : i32
      %add3A_262 = arith.addi %mul3A_260, %add3A_261 : i32
      %not3A_263 = arith.constant true
      %not3A_264 = arith.xori %le3A, %not3A_263 : i1
      %lt3A_265 = arith.cmpi slt, %add3A_262, %select_n3A_7 : i32
      %and3A_266 = arith.andi %not3A_264, %lt3A_265 : i1
      %convert_element_type3A_267 = arith.extui %and3A_266 : i1 to i32
      %cond3A_268 = arith.constant 0 : i32
      %cond3A_269 = arith.cmpi ne, %convert_element_type3A_267, %cond3A_268 : i32
      scf.if %cond3A_269 {
        %mul3A_941 = arith.constant 128 : i32
        %mul3A_942 = arith.muli %add3A_262, %mul3A_941 : i32
        %add3A_943 = arith.addi %mul3A_13, %mul3A_942 : i32
        %dma_start3A = arith.constant 0 : i32
        %dma_start3A_944 = arith.constant 512 : i32
        %dma_start3A_945 = tpu.memref_slice %arg11[%dma_start3A_944] : memref<1024xf32, #tpu.memory_space<vmem>> -> memref<128xf32, #tpu.memory_space<vmem>>
        %dma_start3A_946 = tpu.memref_slice %arg7[%add3A_943] : memref<1200000xf32, #tpu.memory_space<hbm>> -> memref<128xf32, #tpu.memory_space<hbm>>
        %dma_start3A_947 = tpu.memref_slice %arg16[%dma_start3A] : memref<2x!tpu.dma_semaphore, #tpu.memory_space<semaphore_mem>> -> memref<1x!tpu.dma_semaphore, #tpu.memory_space<semaphore_mem>>
        %dma_start3A_948 = tpu.memref_squeeze %dma_start3A_947 : memref<1x!tpu.dma_semaphore, #tpu.memory_space<semaphore_mem>> -> memref<!tpu.dma_semaphore, #tpu.memory_space<semaphore_mem>>
        %dma_start3A_949 = tpu.memref_slice %arg7[%add3A_943] : memref<1200000xf32, #tpu.memory_space<hbm>> -> memref<128xf32, #tpu.memory_space<hbm>>
        %dma_start3A_950 = arith.constant 512 : i32
        %dma_start3A_951 = tpu.memref_slice %arg11[%dma_start3A_950] : memref<1024xf32, #tpu.memory_space<vmem>> -> memref<128xf32, #tpu.memory_space<vmem>>
        tpu.enqueue_dma source(%dma_start3A_951 : memref<128xf32, #tpu.memory_space<vmem>>) target(%dma_start3A_949 : memref<128xf32, #tpu.memory_space<hbm>>) target_semaphore(%dma_start3A_948 : memref<!tpu.dma_semaphore, #tpu.memory_space<semaphore_mem>>)
      } else {
      }
      %mul3A_270 = arith.constant 8 : i32
      %mul3A_271 = arith.muli %mul3A_68, %mul3A_270 : i32
      %add3A_272 = arith.constant 5 : i32
      %add3A_273 = arith.addi %mul3A_271, %add3A_272 : i32
      %not3A_274 = arith.constant true
      %not3A_275 = arith.xori %le3A, %not3A_274 : i1
      %lt3A_276 = arith.cmpi slt, %add3A_273, %select_n3A_7 : i32
      %and3A_277 = arith.andi %not3A_275, %lt3A_276 : i1
      %convert_element_type3A_278 = arith.extui %and3A_277 : i1 to i32
      %cond3A_279 = arith.constant 0 : i32
      %cond3A_280 = arith.cmpi ne, %convert_element_type3A_278, %cond3A_279 : i32
      scf.if %cond3A_280 {
        %mul3A_941 = arith.constant 128 : i32
        %mul3A_942 = arith.muli %add3A_273, %mul3A_941 : i32
        %add3A_943 = arith.addi %mul3A_13, %mul3A_942 : i32
        %dma_start3A = arith.constant 0 : i32
        %dma_start3A_944 = arith.constant 640 : i32
        %dma_start3A_945 = tpu.memref_slice %arg11[%dma_start3A_944] : memref<1024xf32, #tpu.memory_space<vmem>> -> memref<128xf32, #tpu.memory_space<vmem>>
        %dma_start3A_946 = tpu.memref_slice %arg7[%add3A_943] : memref<1200000xf32, #tpu.memory_space<hbm>> -> memref<128xf32, #tpu.memory_space<hbm>>
        %dma_start3A_947 = tpu.memref_slice %arg16[%dma_start3A] : memref<2x!tpu.dma_semaphore, #tpu.memory_space<semaphore_mem>> -> memref<1x!tpu.dma_semaphore, #tpu.memory_space<semaphore_mem>>
        %dma_start3A_948 = tpu.memref_squeeze %dma_start3A_947 : memref<1x!tpu.dma_semaphore, #tpu.memory_space<semaphore_mem>> -> memref<!tpu.dma_semaphore, #tpu.memory_space<semaphore_mem>>
        %dma_start3A_949 = tpu.memref_slice %arg7[%add3A_943] : memref<1200000xf32, #tpu.memory_space<hbm>> -> memref<128xf32, #tpu.memory_space<hbm>>
        %dma_start3A_950 = arith.constant 640 : i32
        %dma_start3A_951 = tpu.memref_slice %arg11[%dma_start3A_950] : memref<1024xf32, #tpu.memory_space<vmem>> -> memref<128xf32, #tpu.memory_space<vmem>>
        tpu.enqueue_dma source(%dma_start3A_951 : memref<128xf32, #tpu.memory_space<vmem>>) target(%dma_start3A_949 : memref<128xf32, #tpu.memory_space<hbm>>) target_semaphore(%dma_start3A_948 : memref<!tpu.dma_semaphore, #tpu.memory_space<semaphore_mem>>)
      } else {
      }
      %mul3A_281 = arith.constant 8 : i32
      %mul3A_282 = arith.muli %mul3A_68, %mul3A_281 : i32
      %add3A_283 = arith.constant 6 : i32
      %add3A_284 = arith.addi %mul3A_282, %add3A_283 : i32
      %not3A_285 = arith.constant true
      %not3A_286 = arith.xori %le3A, %not3A_285 : i1
      %lt3A_287 = arith.cmpi slt, %add3A_284, %select_n3A_7 : i32
      %and3A_288 = arith.andi %not3A_286, %lt3A_287 : i1
      %convert_element_type3A_289 = arith.extui %and3A_288 : i1 to i32
      %cond3A_290 = arith.constant 0 : i32
      %cond3A_291 = arith.cmpi ne, %convert_element_type3A_289, %cond3A_290 : i32
      scf.if %cond3A_291 {
        %mul3A_941 = arith.constant 128 : i32
        %mul3A_942 = arith.muli %add3A_284, %mul3A_941 : i32
        %add3A_943 = arith.addi %mul3A_13, %mul3A_942 : i32
        %dma_start3A = arith.constant 0 : i32
        %dma_start3A_944 = arith.constant 768 : i32
        %dma_start3A_945 = tpu.memref_slice %arg11[%dma_start3A_944] : memref<1024xf32, #tpu.memory_space<vmem>> -> memref<128xf32, #tpu.memory_space<vmem>>
        %dma_start3A_946 = tpu.memref_slice %arg7[%add3A_943] : memref<1200000xf32, #tpu.memory_space<hbm>> -> memref<128xf32, #tpu.memory_space<hbm>>
        %dma_start3A_947 = tpu.memref_slice %arg16[%dma_start3A] : memref<2x!tpu.dma_semaphore, #tpu.memory_space<semaphore_mem>> -> memref<1x!tpu.dma_semaphore, #tpu.memory_space<semaphore_mem>>
        %dma_start3A_948 = tpu.memref_squeeze %dma_start3A_947 : memref<1x!tpu.dma_semaphore, #tpu.memory_space<semaphore_mem>> -> memref<!tpu.dma_semaphore, #tpu.memory_space<semaphore_mem>>
        %dma_start3A_949 = tpu.memref_slice %arg7[%add3A_943] : memref<1200000xf32, #tpu.memory_space<hbm>> -> memref<128xf32, #tpu.memory_space<hbm>>
        %dma_start3A_950 = arith.constant 768 : i32
        %dma_start3A_951 = tpu.memref_slice %arg11[%dma_start3A_950] : memref<1024xf32, #tpu.memory_space<vmem>> -> memref<128xf32, #tpu.memory_space<vmem>>
        tpu.enqueue_dma source(%dma_start3A_951 : memref<128xf32, #tpu.memory_space<vmem>>) target(%dma_start3A_949 : memref<128xf32, #tpu.memory_space<hbm>>) target_semaphore(%dma_start3A_948 : memref<!tpu.dma_semaphore, #tpu.memory_space<semaphore_mem>>)
      } else {
      }
      %mul3A_292 = arith.constant 8 : i32
      %mul3A_293 = arith.muli %mul3A_68, %mul3A_292 : i32
      %add3A_294 = arith.constant 7 : i32
      %add3A_295 = arith.addi %mul3A_293, %add3A_294 : i32
      %not3A_296 = arith.constant true
      %not3A_297 = arith.xori %le3A, %not3A_296 : i1
      %lt3A_298 = arith.cmpi slt, %add3A_295, %select_n3A_7 : i32
      %and3A_299 = arith.andi %not3A_297, %lt3A_298 : i1
      %convert_element_type3A_300 = arith.extui %and3A_299 : i1 to i32
      %cond3A_301 = arith.constant 0 : i32
      %cond3A_302 = arith.cmpi ne, %convert_element_type3A_300, %cond3A_301 : i32
      scf.if %cond3A_302 {
        %mul3A_941 = arith.constant 128 : i32
        %mul3A_942 = arith.muli %add3A_295, %mul3A_941 : i32
        %add3A_943 = arith.addi %mul3A_13, %mul3A_942 : i32
        %dma_start3A = arith.constant 0 : i32
        %dma_start3A_944 = arith.constant 896 : i32
        %dma_start3A_945 = tpu.memref_slice %arg11[%dma_start3A_944] : memref<1024xf32, #tpu.memory_space<vmem>> -> memref<128xf32, #tpu.memory_space<vmem>>
        %dma_start3A_946 = tpu.memref_slice %arg7[%add3A_943] : memref<1200000xf32, #tpu.memory_space<hbm>> -> memref<128xf32, #tpu.memory_space<hbm>>
        %dma_start3A_947 = tpu.memref_slice %arg16[%dma_start3A] : memref<2x!tpu.dma_semaphore, #tpu.memory_space<semaphore_mem>> -> memref<1x!tpu.dma_semaphore, #tpu.memory_space<semaphore_mem>>
        %dma_start3A_948 = tpu.memref_squeeze %dma_start3A_947 : memref<1x!tpu.dma_semaphore, #tpu.memory_space<semaphore_mem>> -> memref<!tpu.dma_semaphore, #tpu.memory_space<semaphore_mem>>
        %dma_start3A_949 = tpu.memref_slice %arg7[%add3A_943] : memref<1200000xf32, #tpu.memory_space<hbm>> -> memref<128xf32, #tpu.memory_space<hbm>>
        %dma_start3A_950 = arith.constant 896 : i32
        %dma_start3A_951 = tpu.memref_slice %arg11[%dma_start3A_950] : memref<1024xf32, #tpu.memory_space<vmem>> -> memref<128xf32, #tpu.memory_space<vmem>>
        tpu.enqueue_dma source(%dma_start3A_951 : memref<128xf32, #tpu.memory_space<vmem>>) target(%dma_start3A_949 : memref<128xf32, #tpu.memory_space<hbm>>) target_semaphore(%dma_start3A_948 : memref<!tpu.dma_semaphore, #tpu.memory_space<semaphore_mem>>)
      } else {
      }
      %sub3A_303 = arith.constant 1 : i32
      %sub3A_304 = arith.subi %mul3A_68, %sub3A_303 : i32
      %mul3A_305 = arith.constant 8 : i32
      %mul3A_306 = arith.muli %sub3A_304, %mul3A_305 : i32
      %add3A_307 = arith.constant 8 : i32
      %add3A_308 = arith.addi %mul3A_306, %add3A_307 : i32
      %le3A_309 = arith.cmpi sle, %add3A_308, %select_n3A_7 : i32
      %ge3A_310 = arith.constant 1 : i32
      %ge3A_311 = arith.cmpi sge, %mul3A_68, %ge3A_310 : i32
      %sub3A_312 = arith.constant 1 : i32
      %sub3A_313 = arith.subi %mul3A_68, %sub3A_312 : i32
      %mul3A_314 = arith.constant 8 : i32
      %mul3A_315 = arith.muli %sub3A_313, %mul3A_314 : i32
      %lt3A_316 = arith.cmpi slt, %mul3A_315, %select_n3A_7 : i32
      %and3A_317 = arith.andi %ge3A_311, %lt3A_316 : i1
      %and3A_318 = arith.andi %and3A_317, %le3A_309 : i1
      %convert_element_type3A_319 = arith.extui %and3A_318 : i1 to i32
      %cond3A_320 = arith.constant 0 : i32
      %cond3A_321 = arith.cmpi ne, %convert_element_type3A_319, %cond3A_320 : i32
      scf.if %cond3A_321 {
        %sub3A_941 = arith.constant 1 : i32
        %sub3A_942 = arith.subi %mul3A_68, %sub3A_941 : i32
        %mul3A_943 = arith.constant 8 : i32
        %mul3A_944 = arith.muli %sub3A_942, %mul3A_943 : i32
        %mul3A_945 = arith.constant 128 : i32
        %mul3A_946 = arith.muli %mul3A_944, %mul3A_945 : i32
        %add3A_947 = arith.addi %mul3A_13, %mul3A_946 : i32
        %dma_wait3A = arith.constant 1 : i32
        %dma_wait3A_948 = tpu.memref_slice %arg7[%add3A_947] : memref<1200000xf32, #tpu.memory_space<hbm>> -> memref<1024xf32, #tpu.memory_space<hbm>>
        %dma_wait3A_949 = tpu.memref_slice %arg16[%dma_wait3A] : memref<2x!tpu.dma_semaphore, #tpu.memory_space<semaphore_mem>> -> memref<1x!tpu.dma_semaphore, #tpu.memory_space<semaphore_mem>>
        %dma_wait3A_950 = tpu.memref_squeeze %dma_wait3A_949 : memref<1x!tpu.dma_semaphore, #tpu.memory_space<semaphore_mem>> -> memref<!tpu.dma_semaphore, #tpu.memory_space<semaphore_mem>>
        %dma_wait3A_951 = tpu.memref_slice %arg7[%add3A_947] : memref<1200000xf32, #tpu.memory_space<hbm>> -> memref<1024xf32, #tpu.memory_space<hbm>>
        tpu.wait_dma2 semaphore(%dma_wait3A_950 : memref<!tpu.dma_semaphore, #tpu.memory_space<semaphore_mem>>) src(%arg12 : memref<1024xf32, #tpu.memory_space<vmem>>) dst(%dma_wait3A_951 : memref<1024xf32, #tpu.memory_space<hbm>>)
      } else {
      }
      %sub3A_322 = arith.constant 1 : i32
      %sub3A_323 = arith.subi %mul3A_68, %sub3A_322 : i32
      %mul3A_324 = arith.constant 8 : i32
      %mul3A_325 = arith.muli %sub3A_323, %mul3A_324 : i32
      %add3A_326 = arith.constant 0 : i32
      %add3A_327 = arith.addi %mul3A_325, %add3A_326 : i32
      %not3A_328 = arith.constant true
      %not3A_329 = arith.xori %le3A_309, %not3A_328 : i1
      %and3A_330 = arith.andi %and3A_317, %not3A_329 : i1
      %lt3A_331 = arith.cmpi slt, %add3A_327, %select_n3A_7 : i32
      %and3A_332 = arith.andi %and3A_330, %lt3A_331 : i1
      %convert_element_type3A_333 = arith.extui %and3A_332 : i1 to i32
      %cond3A_334 = arith.constant 0 : i32
      %cond3A_335 = arith.cmpi ne, %convert_element_type3A_333, %cond3A_334 : i32
      scf.if %cond3A_335 {
        %mul3A_941 = arith.constant 128 : i32
        %mul3A_942 = arith.muli %add3A_327, %mul3A_941 : i32
        %add3A_943 = arith.addi %mul3A_13, %mul3A_942 : i32
        %dma_wait3A = arith.constant 1 : i32
        %dma_wait3A_944 = arith.constant 0 : i32
        %dma_wait3A_945 = tpu.memref_slice %arg12[%dma_wait3A_944] : memref<1024xf32, #tpu.memory_space<vmem>> -> memref<128xf32, #tpu.memory_space<vmem>>
        %dma_wait3A_946 = tpu.memref_slice %arg7[%add3A_943] : memref<1200000xf32, #tpu.memory_space<hbm>> -> memref<128xf32, #tpu.memory_space<hbm>>
        %dma_wait3A_947 = tpu.memref_slice %arg16[%dma_wait3A] : memref<2x!tpu.dma_semaphore, #tpu.memory_space<semaphore_mem>> -> memref<1x!tpu.dma_semaphore, #tpu.memory_space<semaphore_mem>>
        %dma_wait3A_948 = tpu.memref_squeeze %dma_wait3A_947 : memref<1x!tpu.dma_semaphore, #tpu.memory_space<semaphore_mem>> -> memref<!tpu.dma_semaphore, #tpu.memory_space<semaphore_mem>>
        %dma_wait3A_949 = tpu.memref_slice %arg7[%add3A_943] : memref<1200000xf32, #tpu.memory_space<hbm>> -> memref<128xf32, #tpu.memory_space<hbm>>
        %dma_wait3A_950 = arith.constant 0 : i32
        %dma_wait3A_951 = tpu.memref_slice %arg12[%dma_wait3A_950] : memref<1024xf32, #tpu.memory_space<vmem>> -> memref<128xf32, #tpu.memory_space<vmem>>
        tpu.wait_dma2 semaphore(%dma_wait3A_948 : memref<!tpu.dma_semaphore, #tpu.memory_space<semaphore_mem>>) src(%dma_wait3A_951 : memref<128xf32, #tpu.memory_space<vmem>>) dst(%dma_wait3A_949 : memref<128xf32, #tpu.memory_space<hbm>>)
      } else {
      }
      %sub3A_336 = arith.constant 1 : i32
      %sub3A_337 = arith.subi %mul3A_68, %sub3A_336 : i32
      %mul3A_338 = arith.constant 8 : i32
      %mul3A_339 = arith.muli %sub3A_337, %mul3A_338 : i32
      %add3A_340 = arith.constant 1 : i32
      %add3A_341 = arith.addi %mul3A_339, %add3A_340 : i32
      %not3A_342 = arith.constant true
      %not3A_343 = arith.xori %le3A_309, %not3A_342 : i1
      %and3A_344 = arith.andi %and3A_317, %not3A_343 : i1
      %lt3A_345 = arith.cmpi slt, %add3A_341, %select_n3A_7 : i32
      %and3A_346 = arith.andi %and3A_344, %lt3A_345 : i1
      %convert_element_type3A_347 = arith.extui %and3A_346 : i1 to i32
      %cond3A_348 = arith.constant 0 : i32
      %cond3A_349 = arith.cmpi ne, %convert_element_type3A_347, %cond3A_348 : i32
      scf.if %cond3A_349 {
        %mul3A_941 = arith.constant 128 : i32
        %mul3A_942 = arith.muli %add3A_341, %mul3A_941 : i32
        %add3A_943 = arith.addi %mul3A_13, %mul3A_942 : i32
        %dma_wait3A = arith.constant 1 : i32
        %dma_wait3A_944 = arith.constant 128 : i32
        %dma_wait3A_945 = tpu.memref_slice %arg12[%dma_wait3A_944] : memref<1024xf32, #tpu.memory_space<vmem>> -> memref<128xf32, #tpu.memory_space<vmem>>
        %dma_wait3A_946 = tpu.memref_slice %arg7[%add3A_943] : memref<1200000xf32, #tpu.memory_space<hbm>> -> memref<128xf32, #tpu.memory_space<hbm>>
        %dma_wait3A_947 = tpu.memref_slice %arg16[%dma_wait3A] : memref<2x!tpu.dma_semaphore, #tpu.memory_space<semaphore_mem>> -> memref<1x!tpu.dma_semaphore, #tpu.memory_space<semaphore_mem>>
        %dma_wait3A_948 = tpu.memref_squeeze %dma_wait3A_947 : memref<1x!tpu.dma_semaphore, #tpu.memory_space<semaphore_mem>> -> memref<!tpu.dma_semaphore, #tpu.memory_space<semaphore_mem>>
        %dma_wait3A_949 = tpu.memref_slice %arg7[%add3A_943] : memref<1200000xf32, #tpu.memory_space<hbm>> -> memref<128xf32, #tpu.memory_space<hbm>>
        %dma_wait3A_950 = arith.constant 128 : i32
        %dma_wait3A_951 = tpu.memref_slice %arg12[%dma_wait3A_950] : memref<1024xf32, #tpu.memory_space<vmem>> -> memref<128xf32, #tpu.memory_space<vmem>>
        tpu.wait_dma2 semaphore(%dma_wait3A_948 : memref<!tpu.dma_semaphore, #tpu.memory_space<semaphore_mem>>) src(%dma_wait3A_951 : memref<128xf32, #tpu.memory_space<vmem>>) dst(%dma_wait3A_949 : memref<128xf32, #tpu.memory_space<hbm>>)
      } else {
      }
      %sub3A_350 = arith.constant 1 : i32
      %sub3A_351 = arith.subi %mul3A_68, %sub3A_350 : i32
      %mul3A_352 = arith.constant 8 : i32
      %mul3A_353 = arith.muli %sub3A_351, %mul3A_352 : i32
      %add3A_354 = arith.constant 2 : i32
      %add3A_355 = arith.addi %mul3A_353, %add3A_354 : i32
      %not3A_356 = arith.constant true
      %not3A_357 = arith.xori %le3A_309, %not3A_356 : i1
      %and3A_358 = arith.andi %and3A_317, %not3A_357 : i1
      %lt3A_359 = arith.cmpi slt, %add3A_355, %select_n3A_7 : i32
      %and3A_360 = arith.andi %and3A_358, %lt3A_359 : i1
      %convert_element_type3A_361 = arith.extui %and3A_360 : i1 to i32
      %cond3A_362 = arith.constant 0 : i32
      %cond3A_363 = arith.cmpi ne, %convert_element_type3A_361, %cond3A_362 : i32
      scf.if %cond3A_363 {
        %mul3A_941 = arith.constant 128 : i32
        %mul3A_942 = arith.muli %add3A_355, %mul3A_941 : i32
        %add3A_943 = arith.addi %mul3A_13, %mul3A_942 : i32
        %dma_wait3A = arith.constant 1 : i32
        %dma_wait3A_944 = arith.constant 256 : i32
        %dma_wait3A_945 = tpu.memref_slice %arg12[%dma_wait3A_944] : memref<1024xf32, #tpu.memory_space<vmem>> -> memref<128xf32, #tpu.memory_space<vmem>>
        %dma_wait3A_946 = tpu.memref_slice %arg7[%add3A_943] : memref<1200000xf32, #tpu.memory_space<hbm>> -> memref<128xf32, #tpu.memory_space<hbm>>
        %dma_wait3A_947 = tpu.memref_slice %arg16[%dma_wait3A] : memref<2x!tpu.dma_semaphore, #tpu.memory_space<semaphore_mem>> -> memref<1x!tpu.dma_semaphore, #tpu.memory_space<semaphore_mem>>
        %dma_wait3A_948 = tpu.memref_squeeze %dma_wait3A_947 : memref<1x!tpu.dma_semaphore, #tpu.memory_space<semaphore_mem>> -> memref<!tpu.dma_semaphore, #tpu.memory_space<semaphore_mem>>
        %dma_wait3A_949 = tpu.memref_slice %arg7[%add3A_943] : memref<1200000xf32, #tpu.memory_space<hbm>> -> memref<128xf32, #tpu.memory_space<hbm>>
        %dma_wait3A_950 = arith.constant 256 : i32
        %dma_wait3A_951 = tpu.memref_slice %arg12[%dma_wait3A_950] : memref<1024xf32, #tpu.memory_space<vmem>> -> memref<128xf32, #tpu.memory_space<vmem>>
        tpu.wait_dma2 semaphore(%dma_wait3A_948 : memref<!tpu.dma_semaphore, #tpu.memory_space<semaphore_mem>>) src(%dma_wait3A_951 : memref<128xf32, #tpu.memory_space<vmem>>) dst(%dma_wait3A_949 : memref<128xf32, #tpu.memory_space<hbm>>)
      } else {
      }
      %sub3A_364 = arith.constant 1 : i32
      %sub3A_365 = arith.subi %mul3A_68, %sub3A_364 : i32
      %mul3A_366 = arith.constant 8 : i32
      %mul3A_367 = arith.muli %sub3A_365, %mul3A_366 : i32
      %add3A_368 = arith.constant 3 : i32
      %add3A_369 = arith.addi %mul3A_367, %add3A_368 : i32
      %not3A_370 = arith.constant true
      %not3A_371 = arith.xori %le3A_309, %not3A_370 : i1
      %and3A_372 = arith.andi %and3A_317, %not3A_371 : i1
      %lt3A_373 = arith.cmpi slt, %add3A_369, %select_n3A_7 : i32
      %and3A_374 = arith.andi %and3A_372, %lt3A_373 : i1
      %convert_element_type3A_375 = arith.extui %and3A_374 : i1 to i32
      %cond3A_376 = arith.constant 0 : i32
      %cond3A_377 = arith.cmpi ne, %convert_element_type3A_375, %cond3A_376 : i32
      scf.if %cond3A_377 {
        %mul3A_941 = arith.constant 128 : i32
        %mul3A_942 = arith.muli %add3A_369, %mul3A_941 : i32
        %add3A_943 = arith.addi %mul3A_13, %mul3A_942 : i32
        %dma_wait3A = arith.constant 1 : i32
        %dma_wait3A_944 = arith.constant 384 : i32
        %dma_wait3A_945 = tpu.memref_slice %arg12[%dma_wait3A_944] : memref<1024xf32, #tpu.memory_space<vmem>> -> memref<128xf32, #tpu.memory_space<vmem>>
        %dma_wait3A_946 = tpu.memref_slice %arg7[%add3A_943] : memref<1200000xf32, #tpu.memory_space<hbm>> -> memref<128xf32, #tpu.memory_space<hbm>>
        %dma_wait3A_947 = tpu.memref_slice %arg16[%dma_wait3A] : memref<2x!tpu.dma_semaphore, #tpu.memory_space<semaphore_mem>> -> memref<1x!tpu.dma_semaphore, #tpu.memory_space<semaphore_mem>>
        %dma_wait3A_948 = tpu.memref_squeeze %dma_wait3A_947 : memref<1x!tpu.dma_semaphore, #tpu.memory_space<semaphore_mem>> -> memref<!tpu.dma_semaphore, #tpu.memory_space<semaphore_mem>>
        %dma_wait3A_949 = tpu.memref_slice %arg7[%add3A_943] : memref<1200000xf32, #tpu.memory_space<hbm>> -> memref<128xf32, #tpu.memory_space<hbm>>
        %dma_wait3A_950 = arith.constant 384 : i32
        %dma_wait3A_951 = tpu.memref_slice %arg12[%dma_wait3A_950] : memref<1024xf32, #tpu.memory_space<vmem>> -> memref<128xf32, #tpu.memory_space<vmem>>
        tpu.wait_dma2 semaphore(%dma_wait3A_948 : memref<!tpu.dma_semaphore, #tpu.memory_space<semaphore_mem>>) src(%dma_wait3A_951 : memref<128xf32, #tpu.memory_space<vmem>>) dst(%dma_wait3A_949 : memref<128xf32, #tpu.memory_space<hbm>>)
      } else {
      }
      %sub3A_378 = arith.constant 1 : i32
      %sub3A_379 = arith.subi %mul3A_68, %sub3A_378 : i32
      %mul3A_380 = arith.constant 8 : i32
      %mul3A_381 = arith.muli %sub3A_379, %mul3A_380 : i32
      %add3A_382 = arith.constant 4 : i32
      %add3A_383 = arith.addi %mul3A_381, %add3A_382 : i32
      %not3A_384 = arith.constant true
      %not3A_385 = arith.xori %le3A_309, %not3A_384 : i1
      %and3A_386 = arith.andi %and3A_317, %not3A_385 : i1
      %lt3A_387 = arith.cmpi slt, %add3A_383, %select_n3A_7 : i32
      %and3A_388 = arith.andi %and3A_386, %lt3A_387 : i1
      %convert_element_type3A_389 = arith.extui %and3A_388 : i1 to i32
      %cond3A_390 = arith.constant 0 : i32
      %cond3A_391 = arith.cmpi ne, %convert_element_type3A_389, %cond3A_390 : i32
      scf.if %cond3A_391 {
        %mul3A_941 = arith.constant 128 : i32
        %mul3A_942 = arith.muli %add3A_383, %mul3A_941 : i32
        %add3A_943 = arith.addi %mul3A_13, %mul3A_942 : i32
        %dma_wait3A = arith.constant 1 : i32
        %dma_wait3A_944 = arith.constant 512 : i32
        %dma_wait3A_945 = tpu.memref_slice %arg12[%dma_wait3A_944] : memref<1024xf32, #tpu.memory_space<vmem>> -> memref<128xf32, #tpu.memory_space<vmem>>
        %dma_wait3A_946 = tpu.memref_slice %arg7[%add3A_943] : memref<1200000xf32, #tpu.memory_space<hbm>> -> memref<128xf32, #tpu.memory_space<hbm>>
        %dma_wait3A_947 = tpu.memref_slice %arg16[%dma_wait3A] : memref<2x!tpu.dma_semaphore, #tpu.memory_space<semaphore_mem>> -> memref<1x!tpu.dma_semaphore, #tpu.memory_space<semaphore_mem>>
        %dma_wait3A_948 = tpu.memref_squeeze %dma_wait3A_947 : memref<1x!tpu.dma_semaphore, #tpu.memory_space<semaphore_mem>> -> memref<!tpu.dma_semaphore, #tpu.memory_space<semaphore_mem>>
        %dma_wait3A_949 = tpu.memref_slice %arg7[%add3A_943] : memref<1200000xf32, #tpu.memory_space<hbm>> -> memref<128xf32, #tpu.memory_space<hbm>>
        %dma_wait3A_950 = arith.constant 512 : i32
        %dma_wait3A_951 = tpu.memref_slice %arg12[%dma_wait3A_950] : memref<1024xf32, #tpu.memory_space<vmem>> -> memref<128xf32, #tpu.memory_space<vmem>>
        tpu.wait_dma2 semaphore(%dma_wait3A_948 : memref<!tpu.dma_semaphore, #tpu.memory_space<semaphore_mem>>) src(%dma_wait3A_951 : memref<128xf32, #tpu.memory_space<vmem>>) dst(%dma_wait3A_949 : memref<128xf32, #tpu.memory_space<hbm>>)
      } else {
      }
      %sub3A_392 = arith.constant 1 : i32
      %sub3A_393 = arith.subi %mul3A_68, %sub3A_392 : i32
      %mul3A_394 = arith.constant 8 : i32
      %mul3A_395 = arith.muli %sub3A_393, %mul3A_394 : i32
      %add3A_396 = arith.constant 5 : i32
      %add3A_397 = arith.addi %mul3A_395, %add3A_396 : i32
      %not3A_398 = arith.constant true
      %not3A_399 = arith.xori %le3A_309, %not3A_398 : i1
      %and3A_400 = arith.andi %and3A_317, %not3A_399 : i1
      %lt3A_401 = arith.cmpi slt, %add3A_397, %select_n3A_7 : i32
      %and3A_402 = arith.andi %and3A_400, %lt3A_401 : i1
      %convert_element_type3A_403 = arith.extui %and3A_402 : i1 to i32
      %cond3A_404 = arith.constant 0 : i32
      %cond3A_405 = arith.cmpi ne, %convert_element_type3A_403, %cond3A_404 : i32
      scf.if %cond3A_405 {
        %mul3A_941 = arith.constant 128 : i32
        %mul3A_942 = arith.muli %add3A_397, %mul3A_941 : i32
        %add3A_943 = arith.addi %mul3A_13, %mul3A_942 : i32
        %dma_wait3A = arith.constant 1 : i32
        %dma_wait3A_944 = arith.constant 640 : i32
        %dma_wait3A_945 = tpu.memref_slice %arg12[%dma_wait3A_944] : memref<1024xf32, #tpu.memory_space<vmem>> -> memref<128xf32, #tpu.memory_space<vmem>>
        %dma_wait3A_946 = tpu.memref_slice %arg7[%add3A_943] : memref<1200000xf32, #tpu.memory_space<hbm>> -> memref<128xf32, #tpu.memory_space<hbm>>
        %dma_wait3A_947 = tpu.memref_slice %arg16[%dma_wait3A] : memref<2x!tpu.dma_semaphore, #tpu.memory_space<semaphore_mem>> -> memref<1x!tpu.dma_semaphore, #tpu.memory_space<semaphore_mem>>
        %dma_wait3A_948 = tpu.memref_squeeze %dma_wait3A_947 : memref<1x!tpu.dma_semaphore, #tpu.memory_space<semaphore_mem>> -> memref<!tpu.dma_semaphore, #tpu.memory_space<semaphore_mem>>
        %dma_wait3A_949 = tpu.memref_slice %arg7[%add3A_943] : memref<1200000xf32, #tpu.memory_space<hbm>> -> memref<128xf32, #tpu.memory_space<hbm>>
        %dma_wait3A_950 = arith.constant 640 : i32
        %dma_wait3A_951 = tpu.memref_slice %arg12[%dma_wait3A_950] : memref<1024xf32, #tpu.memory_space<vmem>> -> memref<128xf32, #tpu.memory_space<vmem>>
        tpu.wait_dma2 semaphore(%dma_wait3A_948 : memref<!tpu.dma_semaphore, #tpu.memory_space<semaphore_mem>>) src(%dma_wait3A_951 : memref<128xf32, #tpu.memory_space<vmem>>) dst(%dma_wait3A_949 : memref<128xf32, #tpu.memory_space<hbm>>)
      } else {
      }
      %sub3A_406 = arith.constant 1 : i32
      %sub3A_407 = arith.subi %mul3A_68, %sub3A_406 : i32
      %mul3A_408 = arith.constant 8 : i32
      %mul3A_409 = arith.muli %sub3A_407, %mul3A_408 : i32
      %add3A_410 = arith.constant 6 : i32
      %add3A_411 = arith.addi %mul3A_409, %add3A_410 : i32
      %not3A_412 = arith.constant true
      %not3A_413 = arith.xori %le3A_309, %not3A_412 : i1
      %and3A_414 = arith.andi %and3A_317, %not3A_413 : i1
      %lt3A_415 = arith.cmpi slt, %add3A_411, %select_n3A_7 : i32
      %and3A_416 = arith.andi %and3A_414, %lt3A_415 : i1
      %convert_element_type3A_417 = arith.extui %and3A_416 : i1 to i32
      %cond3A_418 = arith.constant 0 : i32
      %cond3A_419 = arith.cmpi ne, %convert_element_type3A_417, %cond3A_418 : i32
      scf.if %cond3A_419 {
        %mul3A_941 = arith.constant 128 : i32
        %mul3A_942 = arith.muli %add3A_411, %mul3A_941 : i32
        %add3A_943 = arith.addi %mul3A_13, %mul3A_942 : i32
        %dma_wait3A = arith.constant 1 : i32
        %dma_wait3A_944 = arith.constant 768 : i32
        %dma_wait3A_945 = tpu.memref_slice %arg12[%dma_wait3A_944] : memref<1024xf32, #tpu.memory_space<vmem>> -> memref<128xf32, #tpu.memory_space<vmem>>
        %dma_wait3A_946 = tpu.memref_slice %arg7[%add3A_943] : memref<1200000xf32, #tpu.memory_space<hbm>> -> memref<128xf32, #tpu.memory_space<hbm>>
        %dma_wait3A_947 = tpu.memref_slice %arg16[%dma_wait3A] : memref<2x!tpu.dma_semaphore, #tpu.memory_space<semaphore_mem>> -> memref<1x!tpu.dma_semaphore, #tpu.memory_space<semaphore_mem>>
        %dma_wait3A_948 = tpu.memref_squeeze %dma_wait3A_947 : memref<1x!tpu.dma_semaphore, #tpu.memory_space<semaphore_mem>> -> memref<!tpu.dma_semaphore, #tpu.memory_space<semaphore_mem>>
        %dma_wait3A_949 = tpu.memref_slice %arg7[%add3A_943] : memref<1200000xf32, #tpu.memory_space<hbm>> -> memref<128xf32, #tpu.memory_space<hbm>>
        %dma_wait3A_950 = arith.constant 768 : i32
        %dma_wait3A_951 = tpu.memref_slice %arg12[%dma_wait3A_950] : memref<1024xf32, #tpu.memory_space<vmem>> -> memref<128xf32, #tpu.memory_space<vmem>>
        tpu.wait_dma2 semaphore(%dma_wait3A_948 : memref<!tpu.dma_semaphore, #tpu.memory_space<semaphore_mem>>) src(%dma_wait3A_951 : memref<128xf32, #tpu.memory_space<vmem>>) dst(%dma_wait3A_949 : memref<128xf32, #tpu.memory_space<hbm>>)
      } else {
      }
      %sub3A_420 = arith.constant 1 : i32
      %sub3A_421 = arith.subi %mul3A_68, %sub3A_420 : i32
      %mul3A_422 = arith.constant 8 : i32
      %mul3A_423 = arith.muli %sub3A_421, %mul3A_422 : i32
      %add3A_424 = arith.constant 7 : i32
      %add3A_425 = arith.addi %mul3A_423, %add3A_424 : i32
      %not3A_426 = arith.constant true
      %not3A_427 = arith.xori %le3A_309, %not3A_426 : i1
      %and3A_428 = arith.andi %and3A_317, %not3A_427 : i1
      %lt3A_429 = arith.cmpi slt, %add3A_425, %select_n3A_7 : i32
      %and3A_430 = arith.andi %and3A_428, %lt3A_429 : i1
      %convert_element_type3A_431 = arith.extui %and3A_430 : i1 to i32
      %cond3A_432 = arith.constant 0 : i32
      %cond3A_433 = arith.cmpi ne, %convert_element_type3A_431, %cond3A_432 : i32
      scf.if %cond3A_433 {
        %mul3A_941 = arith.constant 128 : i32
        %mul3A_942 = arith.muli %add3A_425, %mul3A_941 : i32
        %add3A_943 = arith.addi %mul3A_13, %mul3A_942 : i32
        %dma_wait3A = arith.constant 1 : i32
        %dma_wait3A_944 = arith.constant 896 : i32
        %dma_wait3A_945 = tpu.memref_slice %arg12[%dma_wait3A_944] : memref<1024xf32, #tpu.memory_space<vmem>> -> memref<128xf32, #tpu.memory_space<vmem>>
        %dma_wait3A_946 = tpu.memref_slice %arg7[%add3A_943] : memref<1200000xf32, #tpu.memory_space<hbm>> -> memref<128xf32, #tpu.memory_space<hbm>>
        %dma_wait3A_947 = tpu.memref_slice %arg16[%dma_wait3A] : memref<2x!tpu.dma_semaphore, #tpu.memory_space<semaphore_mem>> -> memref<1x!tpu.dma_semaphore, #tpu.memory_space<semaphore_mem>>
        %dma_wait3A_948 = tpu.memref_squeeze %dma_wait3A_947 : memref<1x!tpu.dma_semaphore, #tpu.memory_space<semaphore_mem>> -> memref<!tpu.dma_semaphore, #tpu.memory_space<semaphore_mem>>
        %dma_wait3A_949 = tpu.memref_slice %arg7[%add3A_943] : memref<1200000xf32, #tpu.memory_space<hbm>> -> memref<128xf32, #tpu.memory_space<hbm>>
        %dma_wait3A_950 = arith.constant 896 : i32
        %dma_wait3A_951 = tpu.memref_slice %arg12[%dma_wait3A_950] : memref<1024xf32, #tpu.memory_space<vmem>> -> memref<128xf32, #tpu.memory_space<vmem>>
        tpu.wait_dma2 semaphore(%dma_wait3A_948 : memref<!tpu.dma_semaphore, #tpu.memory_space<semaphore_mem>>) src(%dma_wait3A_951 : memref<128xf32, #tpu.memory_space<vmem>>) dst(%dma_wait3A_949 : memref<128xf32, #tpu.memory_space<hbm>>)
      } else {
      }
      %add3A_434 = arith.constant 1 : i32
      %add3A_435 = arith.addi %mul3A_68, %add3A_434 : i32
      %mul3A_436 = arith.constant 8 : i32
      %mul3A_437 = arith.muli %add3A_435, %mul3A_436 : i32
      %add3A_438 = arith.constant 0 : i32
      %add3A_439 = arith.addi %mul3A_437, %add3A_438 : i32
      %lt3A_440 = arith.cmpi slt, %add3A_439, %select_n3A_7 : i32
      %convert_element_type3A_441 = arith.extui %lt3A_440 : i1 to i32
      %cond3A_442 = arith.constant 0 : i32
      %cond3A_443 = arith.cmpi ne, %convert_element_type3A_441, %cond3A_442 : i32
      scf.if %cond3A_443 {
        %dma_start3A = arith.constant 1 : i32
        %dma_start3A_941 = arith.constant 0 : i32
        %dma_start3A_942 = tpu.memref_slice %arg12[%dma_start3A_941] : memref<1024xf32, #tpu.memory_space<vmem>> -> memref<128xf32, #tpu.memory_space<vmem>>
        %dma_start3A_943 = arith.constant 0 : i32
        %dma_start3A_944 = tpu.memref_slice %arg9[%add3A_439, %dma_start3A_943] : memref<293x128xi32, #tpu.memory_space<vmem>> -> memref<1x128xi32, #tpu.memory_space<vmem>>
        %dma_start3A_945 = tpu.memref_squeeze %dma_start3A_944 : memref<1x128xi32, #tpu.memory_space<vmem>> -> memref<128xi32, #tpu.memory_space<vmem>>
        %dma_start3A_946 = arith.constant 0 : i32
        %dma_start3A_947 = tpu.memref_slice %arg3[%dma_start3A_946] : memref<2400000xf32, #tpu.memory_space<hbm>> -> memref<2400000xf32, #tpu.memory_space<hbm>>
        %dma_start3A_948 = tpu.memref_slice %arg15[%dma_start3A] : memref<2x!tpu.dma_semaphore, #tpu.memory_space<semaphore_mem>> -> memref<1x!tpu.dma_semaphore, #tpu.memory_space<semaphore_mem>>
        %dma_start3A_949 = tpu.memref_squeeze %dma_start3A_948 : memref<1x!tpu.dma_semaphore, #tpu.memory_space<semaphore_mem>> -> memref<!tpu.dma_semaphore, #tpu.memory_space<semaphore_mem>>
        tpu.enqueue_indirect_dma source(%dma_start3A_947 : memref<2400000xf32, #tpu.memory_space<hbm>>) target(%dma_start3A_942 : memref<128xf32, #tpu.memory_space<vmem>>) offsets(%dma_start3A_945 : memref<128xi32, #tpu.memory_space<vmem>>) semaphore(%dma_start3A_949 : memref<!tpu.dma_semaphore, #tpu.memory_space<semaphore_mem>>)
      } else {
      }
      %mul3A_444 = arith.constant 8 : i32
      %mul3A_445 = arith.muli %add3A_435, %mul3A_444 : i32
      %add3A_446 = arith.constant 1 : i32
      %add3A_447 = arith.addi %mul3A_445, %add3A_446 : i32
      %lt3A_448 = arith.cmpi slt, %add3A_447, %select_n3A_7 : i32
      %convert_element_type3A_449 = arith.extui %lt3A_448 : i1 to i32
      %cond3A_450 = arith.constant 0 : i32
      %cond3A_451 = arith.cmpi ne, %convert_element_type3A_449, %cond3A_450 : i32
      scf.if %cond3A_451 {
        %dma_start3A = arith.constant 1 : i32
        %dma_start3A_941 = arith.constant 128 : i32
        %dma_start3A_942 = tpu.memref_slice %arg12[%dma_start3A_941] : memref<1024xf32, #tpu.memory_space<vmem>> -> memref<128xf32, #tpu.memory_space<vmem>>
        %dma_start3A_943 = arith.constant 0 : i32
        %dma_start3A_944 = tpu.memref_slice %arg9[%add3A_447, %dma_start3A_943] : memref<293x128xi32, #tpu.memory_space<vmem>> -> memref<1x128xi32, #tpu.memory_space<vmem>>
        %dma_start3A_945 = tpu.memref_squeeze %dma_start3A_944 : memref<1x128xi32, #tpu.memory_space<vmem>> -> memref<128xi32, #tpu.memory_space<vmem>>
        %dma_start3A_946 = arith.constant 0 : i32
        %dma_start3A_947 = tpu.memref_slice %arg3[%dma_start3A_946] : memref<2400000xf32, #tpu.memory_space<hbm>> -> memref<2400000xf32, #tpu.memory_space<hbm>>
        %dma_start3A_948 = tpu.memref_slice %arg15[%dma_start3A] : memref<2x!tpu.dma_semaphore, #tpu.memory_space<semaphore_mem>> -> memref<1x!tpu.dma_semaphore, #tpu.memory_space<semaphore_mem>>
        %dma_start3A_949 = tpu.memref_squeeze %dma_start3A_948 : memref<1x!tpu.dma_semaphore, #tpu.memory_space<semaphore_mem>> -> memref<!tpu.dma_semaphore, #tpu.memory_space<semaphore_mem>>
        tpu.enqueue_indirect_dma source(%dma_start3A_947 : memref<2400000xf32, #tpu.memory_space<hbm>>) target(%dma_start3A_942 : memref<128xf32, #tpu.memory_space<vmem>>) offsets(%dma_start3A_945 : memref<128xi32, #tpu.memory_space<vmem>>) semaphore(%dma_start3A_949 : memref<!tpu.dma_semaphore, #tpu.memory_space<semaphore_mem>>)
      } else {
      }
      %mul3A_452 = arith.constant 8 : i32
      %mul3A_453 = arith.muli %add3A_435, %mul3A_452 : i32
      %add3A_454 = arith.constant 2 : i32
      %add3A_455 = arith.addi %mul3A_453, %add3A_454 : i32
      %lt3A_456 = arith.cmpi slt, %add3A_455, %select_n3A_7 : i32
      %convert_element_type3A_457 = arith.extui %lt3A_456 : i1 to i32
      %cond3A_458 = arith.constant 0 : i32
      %cond3A_459 = arith.cmpi ne, %convert_element_type3A_457, %cond3A_458 : i32
      scf.if %cond3A_459 {
        %dma_start3A = arith.constant 1 : i32
        %dma_start3A_941 = arith.constant 256 : i32
        %dma_start3A_942 = tpu.memref_slice %arg12[%dma_start3A_941] : memref<1024xf32, #tpu.memory_space<vmem>> -> memref<128xf32, #tpu.memory_space<vmem>>
        %dma_start3A_943 = arith.constant 0 : i32
        %dma_start3A_944 = tpu.memref_slice %arg9[%add3A_455, %dma_start3A_943] : memref<293x128xi32, #tpu.memory_space<vmem>> -> memref<1x128xi32, #tpu.memory_space<vmem>>
        %dma_start3A_945 = tpu.memref_squeeze %dma_start3A_944 : memref<1x128xi32, #tpu.memory_space<vmem>> -> memref<128xi32, #tpu.memory_space<vmem>>
        %dma_start3A_946 = arith.constant 0 : i32
        %dma_start3A_947 = tpu.memref_slice %arg3[%dma_start3A_946] : memref<2400000xf32, #tpu.memory_space<hbm>> -> memref<2400000xf32, #tpu.memory_space<hbm>>
        %dma_start3A_948 = tpu.memref_slice %arg15[%dma_start3A] : memref<2x!tpu.dma_semaphore, #tpu.memory_space<semaphore_mem>> -> memref<1x!tpu.dma_semaphore, #tpu.memory_space<semaphore_mem>>
        %dma_start3A_949 = tpu.memref_squeeze %dma_start3A_948 : memref<1x!tpu.dma_semaphore, #tpu.memory_space<semaphore_mem>> -> memref<!tpu.dma_semaphore, #tpu.memory_space<semaphore_mem>>
        tpu.enqueue_indirect_dma source(%dma_start3A_947 : memref<2400000xf32, #tpu.memory_space<hbm>>) target(%dma_start3A_942 : memref<128xf32, #tpu.memory_space<vmem>>) offsets(%dma_start3A_945 : memref<128xi32, #tpu.memory_space<vmem>>) semaphore(%dma_start3A_949 : memref<!tpu.dma_semaphore, #tpu.memory_space<semaphore_mem>>)
      } else {
      }
      %mul3A_460 = arith.constant 8 : i32
      %mul3A_461 = arith.muli %add3A_435, %mul3A_460 : i32
      %add3A_462 = arith.constant 3 : i32
      %add3A_463 = arith.addi %mul3A_461, %add3A_462 : i32
      %lt3A_464 = arith.cmpi slt, %add3A_463, %select_n3A_7 : i32
      %convert_element_type3A_465 = arith.extui %lt3A_464 : i1 to i32
      %cond3A_466 = arith.constant 0 : i32
      %cond3A_467 = arith.cmpi ne, %convert_element_type3A_465, %cond3A_466 : i32
      scf.if %cond3A_467 {
        %dma_start3A = arith.constant 1 : i32
        %dma_start3A_941 = arith.constant 384 : i32
        %dma_start3A_942 = tpu.memref_slice %arg12[%dma_start3A_941] : memref<1024xf32, #tpu.memory_space<vmem>> -> memref<128xf32, #tpu.memory_space<vmem>>
        %dma_start3A_943 = arith.constant 0 : i32
        %dma_start3A_944 = tpu.memref_slice %arg9[%add3A_463, %dma_start3A_943] : memref<293x128xi32, #tpu.memory_space<vmem>> -> memref<1x128xi32, #tpu.memory_space<vmem>>
        %dma_start3A_945 = tpu.memref_squeeze %dma_start3A_944 : memref<1x128xi32, #tpu.memory_space<vmem>> -> memref<128xi32, #tpu.memory_space<vmem>>
        %dma_start3A_946 = arith.constant 0 : i32
        %dma_start3A_947 = tpu.memref_slice %arg3[%dma_start3A_946] : memref<2400000xf32, #tpu.memory_space<hbm>> -> memref<2400000xf32, #tpu.memory_space<hbm>>
        %dma_start3A_948 = tpu.memref_slice %arg15[%dma_start3A] : memref<2x!tpu.dma_semaphore, #tpu.memory_space<semaphore_mem>> -> memref<1x!tpu.dma_semaphore, #tpu.memory_space<semaphore_mem>>
        %dma_start3A_949 = tpu.memref_squeeze %dma_start3A_948 : memref<1x!tpu.dma_semaphore, #tpu.memory_space<semaphore_mem>> -> memref<!tpu.dma_semaphore, #tpu.memory_space<semaphore_mem>>
        tpu.enqueue_indirect_dma source(%dma_start3A_947 : memref<2400000xf32, #tpu.memory_space<hbm>>) target(%dma_start3A_942 : memref<128xf32, #tpu.memory_space<vmem>>) offsets(%dma_start3A_945 : memref<128xi32, #tpu.memory_space<vmem>>) semaphore(%dma_start3A_949 : memref<!tpu.dma_semaphore, #tpu.memory_space<semaphore_mem>>)
      } else {
      }
      %mul3A_468 = arith.constant 8 : i32
      %mul3A_469 = arith.muli %add3A_435, %mul3A_468 : i32
      %add3A_470 = arith.constant 4 : i32
      %add3A_471 = arith.addi %mul3A_469, %add3A_470 : i32
      %lt3A_472 = arith.cmpi slt, %add3A_471, %select_n3A_7 : i32
      %convert_element_type3A_473 = arith.extui %lt3A_472 : i1 to i32
      %cond3A_474 = arith.constant 0 : i32
      %cond3A_475 = arith.cmpi ne, %convert_element_type3A_473, %cond3A_474 : i32
      scf.if %cond3A_475 {
        %dma_start3A = arith.constant 1 : i32
        %dma_start3A_941 = arith.constant 512 : i32
        %dma_start3A_942 = tpu.memref_slice %arg12[%dma_start3A_941] : memref<1024xf32, #tpu.memory_space<vmem>> -> memref<128xf32, #tpu.memory_space<vmem>>
        %dma_start3A_943 = arith.constant 0 : i32
        %dma_start3A_944 = tpu.memref_slice %arg9[%add3A_471, %dma_start3A_943] : memref<293x128xi32, #tpu.memory_space<vmem>> -> memref<1x128xi32, #tpu.memory_space<vmem>>
        %dma_start3A_945 = tpu.memref_squeeze %dma_start3A_944 : memref<1x128xi32, #tpu.memory_space<vmem>> -> memref<128xi32, #tpu.memory_space<vmem>>
        %dma_start3A_946 = arith.constant 0 : i32
        %dma_start3A_947 = tpu.memref_slice %arg3[%dma_start3A_946] : memref<2400000xf32, #tpu.memory_space<hbm>> -> memref<2400000xf32, #tpu.memory_space<hbm>>
        %dma_start3A_948 = tpu.memref_slice %arg15[%dma_start3A] : memref<2x!tpu.dma_semaphore, #tpu.memory_space<semaphore_mem>> -> memref<1x!tpu.dma_semaphore, #tpu.memory_space<semaphore_mem>>
        %dma_start3A_949 = tpu.memref_squeeze %dma_start3A_948 : memref<1x!tpu.dma_semaphore, #tpu.memory_space<semaphore_mem>> -> memref<!tpu.dma_semaphore, #tpu.memory_space<semaphore_mem>>
        tpu.enqueue_indirect_dma source(%dma_start3A_947 : memref<2400000xf32, #tpu.memory_space<hbm>>) target(%dma_start3A_942 : memref<128xf32, #tpu.memory_space<vmem>>) offsets(%dma_start3A_945 : memref<128xi32, #tpu.memory_space<vmem>>) semaphore(%dma_start3A_949 : memref<!tpu.dma_semaphore, #tpu.memory_space<semaphore_mem>>)
      } else {
      }
      %mul3A_476 = arith.constant 8 : i32
      %mul3A_477 = arith.muli %add3A_435, %mul3A_476 : i32
      %add3A_478 = arith.constant 5 : i32
      %add3A_479 = arith.addi %mul3A_477, %add3A_478 : i32
      %lt3A_480 = arith.cmpi slt, %add3A_479, %select_n3A_7 : i32
      %convert_element_type3A_481 = arith.extui %lt3A_480 : i1 to i32
      %cond3A_482 = arith.constant 0 : i32
      %cond3A_483 = arith.cmpi ne, %convert_element_type3A_481, %cond3A_482 : i32
      scf.if %cond3A_483 {
        %dma_start3A = arith.constant 1 : i32
        %dma_start3A_941 = arith.constant 640 : i32
        %dma_start3A_942 = tpu.memref_slice %arg12[%dma_start3A_941] : memref<1024xf32, #tpu.memory_space<vmem>> -> memref<128xf32, #tpu.memory_space<vmem>>
        %dma_start3A_943 = arith.constant 0 : i32
        %dma_start3A_944 = tpu.memref_slice %arg9[%add3A_479, %dma_start3A_943] : memref<293x128xi32, #tpu.memory_space<vmem>> -> memref<1x128xi32, #tpu.memory_space<vmem>>
        %dma_start3A_945 = tpu.memref_squeeze %dma_start3A_944 : memref<1x128xi32, #tpu.memory_space<vmem>> -> memref<128xi32, #tpu.memory_space<vmem>>
        %dma_start3A_946 = arith.constant 0 : i32
        %dma_start3A_947 = tpu.memref_slice %arg3[%dma_start3A_946] : memref<2400000xf32, #tpu.memory_space<hbm>> -> memref<2400000xf32, #tpu.memory_space<hbm>>
        %dma_start3A_948 = tpu.memref_slice %arg15[%dma_start3A] : memref<2x!tpu.dma_semaphore, #tpu.memory_space<semaphore_mem>> -> memref<1x!tpu.dma_semaphore, #tpu.memory_space<semaphore_mem>>
        %dma_start3A_949 = tpu.memref_squeeze %dma_start3A_948 : memref<1x!tpu.dma_semaphore, #tpu.memory_space<semaphore_mem>> -> memref<!tpu.dma_semaphore, #tpu.memory_space<semaphore_mem>>
        tpu.enqueue_indirect_dma source(%dma_start3A_947 : memref<2400000xf32, #tpu.memory_space<hbm>>) target(%dma_start3A_942 : memref<128xf32, #tpu.memory_space<vmem>>) offsets(%dma_start3A_945 : memref<128xi32, #tpu.memory_space<vmem>>) semaphore(%dma_start3A_949 : memref<!tpu.dma_semaphore, #tpu.memory_space<semaphore_mem>>)
      } else {
      }
      %mul3A_484 = arith.constant 8 : i32
      %mul3A_485 = arith.muli %add3A_435, %mul3A_484 : i32
      %add3A_486 = arith.constant 6 : i32
      %add3A_487 = arith.addi %mul3A_485, %add3A_486 : i32
      %lt3A_488 = arith.cmpi slt, %add3A_487, %select_n3A_7 : i32
      %convert_element_type3A_489 = arith.extui %lt3A_488 : i1 to i32
      %cond3A_490 = arith.constant 0 : i32
      %cond3A_491 = arith.cmpi ne, %convert_element_type3A_489, %cond3A_490 : i32
      scf.if %cond3A_491 {
        %dma_start3A = arith.constant 1 : i32
        %dma_start3A_941 = arith.constant 768 : i32
        %dma_start3A_942 = tpu.memref_slice %arg12[%dma_start3A_941] : memref<1024xf32, #tpu.memory_space<vmem>> -> memref<128xf32, #tpu.memory_space<vmem>>
        %dma_start3A_943 = arith.constant 0 : i32
        %dma_start3A_944 = tpu.memref_slice %arg9[%add3A_487, %dma_start3A_943] : memref<293x128xi32, #tpu.memory_space<vmem>> -> memref<1x128xi32, #tpu.memory_space<vmem>>
        %dma_start3A_945 = tpu.memref_squeeze %dma_start3A_944 : memref<1x128xi32, #tpu.memory_space<vmem>> -> memref<128xi32, #tpu.memory_space<vmem>>
        %dma_start3A_946 = arith.constant 0 : i32
        %dma_start3A_947 = tpu.memref_slice %arg3[%dma_start3A_946] : memref<2400000xf32, #tpu.memory_space<hbm>> -> memref<2400000xf32, #tpu.memory_space<hbm>>
        %dma_start3A_948 = tpu.memref_slice %arg15[%dma_start3A] : memref<2x!tpu.dma_semaphore, #tpu.memory_space<semaphore_mem>> -> memref<1x!tpu.dma_semaphore, #tpu.memory_space<semaphore_mem>>
        %dma_start3A_949 = tpu.memref_squeeze %dma_start3A_948 : memref<1x!tpu.dma_semaphore, #tpu.memory_space<semaphore_mem>> -> memref<!tpu.dma_semaphore, #tpu.memory_space<semaphore_mem>>
        tpu.enqueue_indirect_dma source(%dma_start3A_947 : memref<2400000xf32, #tpu.memory_space<hbm>>) target(%dma_start3A_942 : memref<128xf32, #tpu.memory_space<vmem>>) offsets(%dma_start3A_945 : memref<128xi32, #tpu.memory_space<vmem>>) semaphore(%dma_start3A_949 : memref<!tpu.dma_semaphore, #tpu.memory_space<semaphore_mem>>)
      } else {
      }
      %mul3A_492 = arith.constant 8 : i32
      %mul3A_493 = arith.muli %add3A_435, %mul3A_492 : i32
      %add3A_494 = arith.constant 7 : i32
      %add3A_495 = arith.addi %mul3A_493, %add3A_494 : i32
      %lt3A_496 = arith.cmpi slt, %add3A_495, %select_n3A_7 : i32
      %convert_element_type3A_497 = arith.extui %lt3A_496 : i1 to i32
      %cond3A_498 = arith.constant 0 : i32
      %cond3A_499 = arith.cmpi ne, %convert_element_type3A_497, %cond3A_498 : i32
      scf.if %cond3A_499 {
        %dma_start3A = arith.constant 1 : i32
        %dma_start3A_941 = arith.constant 896 : i32
        %dma_start3A_942 = tpu.memref_slice %arg12[%dma_start3A_941] : memref<1024xf32, #tpu.memory_space<vmem>> -> memref<128xf32, #tpu.memory_space<vmem>>
        %dma_start3A_943 = arith.constant 0 : i32
        %dma_start3A_944 = tpu.memref_slice %arg9[%add3A_495, %dma_start3A_943] : memref<293x128xi32, #tpu.memory_space<vmem>> -> memref<1x128xi32, #tpu.memory_space<vmem>>
        %dma_start3A_945 = tpu.memref_squeeze %dma_start3A_944 : memref<1x128xi32, #tpu.memory_space<vmem>> -> memref<128xi32, #tpu.memory_space<vmem>>
        %dma_start3A_946 = arith.constant 0 : i32
        %dma_start3A_947 = tpu.memref_slice %arg3[%dma_start3A_946] : memref<2400000xf32, #tpu.memory_space<hbm>> -> memref<2400000xf32, #tpu.memory_space<hbm>>
        %dma_start3A_948 = tpu.memref_slice %arg15[%dma_start3A] : memref<2x!tpu.dma_semaphore, #tpu.memory_space<semaphore_mem>> -> memref<1x!tpu.dma_semaphore, #tpu.memory_space<semaphore_mem>>
        %dma_start3A_949 = tpu.memref_squeeze %dma_start3A_948 : memref<1x!tpu.dma_semaphore, #tpu.memory_space<semaphore_mem>> -> memref<!tpu.dma_semaphore, #tpu.memory_space<semaphore_mem>>
        tpu.enqueue_indirect_dma source(%dma_start3A_947 : memref<2400000xf32, #tpu.memory_space<hbm>>) target(%dma_start3A_942 : memref<128xf32, #tpu.memory_space<vmem>>) offsets(%dma_start3A_945 : memref<128xi32, #tpu.memory_space<vmem>>) semaphore(%dma_start3A_949 : memref<!tpu.dma_semaphore, #tpu.memory_space<semaphore_mem>>)
      } else {
      }
      %mul3A_500 = arith.constant 2 : i32
      %mul3A_501 = arith.muli %mul3A_500, %scan3A_66 : i32
      %add3A_502 = arith.constant 1 : i32
      %add3A_503 = arith.addi %mul3A_501, %add3A_502 : i32
      %mul3A_504 = arith.constant 2 : i32
      %mul3A_505 = arith.muli %add3A_503, %mul3A_504 : i32
      %add3A_506 = arith.constant 0 : i32
      %add3A_507 = arith.addi %mul3A_505, %add3A_506 : i32
      %lt3A_508 = arith.cmpi slt, %add3A_507, %select_n3A : i32
      %convert_element_type3A_509 = arith.extui %lt3A_508 : i1 to i32
      %cond3A_510 = arith.constant 0 : i32
      %cond3A_511 = arith.cmpi ne, %convert_element_type3A_509, %cond3A_510 : i32
      scf.if %cond3A_511 {
        %dma_wait3A = arith.constant 1 : i32
        %dma_wait3A_941 = arith.constant 0 : i32
        %dma_wait3A_942 = arith.constant 1 : i32
        %dma_wait3A_943 = arith.constant 0 : i32
        %dma_wait3A_944 = arith.constant 0 : i32
        %dma_wait3A_945 = arith.constant 0 : i32
        %dma_wait3A_946 = tpu.memref_slice %arg10[%dma_wait3A, %dma_wait3A_943, %dma_wait3A_944, %dma_wait3A_945] : memref<2x2x128x128xf32, #tpu.memory_space<vmem>> -> memref<1x2x128x128xf32, #tpu.memory_space<vmem>>
        %dma_wait3A_947 = tpu.memref_squeeze %dma_wait3A_946 : memref<1x2x128x128xf32, #tpu.memory_space<vmem>> -> memref<2x128x128xf32, #tpu.memory_space<vmem>>
        %dma_wait3A_948 = arith.constant 0 : i32
        %dma_wait3A_949 = arith.constant 0 : i32
        %dma_wait3A_950 = tpu.memref_slice %dma_wait3A_947[%dma_wait3A_941, %dma_wait3A_948, %dma_wait3A_949] : memref<2x128x128xf32, #tpu.memory_space<vmem>> -> memref<1x128x128xf32, #tpu.memory_space<vmem>>
        %dma_wait3A_951 = tpu.memref_squeeze %dma_wait3A_950 : memref<1x128x128xf32, #tpu.memory_space<vmem>> -> memref<128x128xf32, #tpu.memory_space<vmem>>
        %dma_wait3A_952 = arith.constant 0 : i32
        %dma_wait3A_953 = tpu.memref_slice %arg8[%add3A_507, %dma_wait3A_952] : memref<98x128xi32, #tpu.memory_space<vmem>> -> memref<1x128xi32, #tpu.memory_space<vmem>>
        %dma_wait3A_954 = tpu.memref_squeeze %dma_wait3A_953 : memref<1x128xi32, #tpu.memory_space<vmem>> -> memref<128xi32, #tpu.memory_space<vmem>>
        %dma_wait3A_955 = arith.constant 0 : i32
        %dma_wait3A_956 = arith.constant 0 : i32
        %dma_wait3A_957 = tpu.memref_slice %arg2[%dma_wait3A_955, %dma_wait3A_956] : memref<800000x128xf32, #tpu.memory_space<hbm>> -> memref<800000x128xf32, #tpu.memory_space<hbm>>
        %dma_wait3A_958 = tpu.memref_slice %arg13[%dma_wait3A_942] : memref<2x!tpu.dma_semaphore, #tpu.memory_space<semaphore_mem>> -> memref<1x!tpu.dma_semaphore, #tpu.memory_space<semaphore_mem>>
        %dma_wait3A_959 = tpu.memref_squeeze %dma_wait3A_958 : memref<1x!tpu.dma_semaphore, #tpu.memory_space<semaphore_mem>> -> memref<!tpu.dma_semaphore, #tpu.memory_space<semaphore_mem>>
        tpu.wait_indirect_dma semaphore(%dma_wait3A_959 : memref<!tpu.dma_semaphore, #tpu.memory_space<semaphore_mem>>) src(%dma_wait3A_957 : memref<800000x128xf32, #tpu.memory_space<hbm>>) dst(%dma_wait3A_951 : memref<128x128xf32, #tpu.memory_space<vmem>>)
      } else {
      }
      %mul3A_512 = arith.constant 2 : i32
      %mul3A_513 = arith.muli %add3A_503, %mul3A_512 : i32
      %add3A_514 = arith.constant 1 : i32
      %add3A_515 = arith.addi %mul3A_513, %add3A_514 : i32
      %lt3A_516 = arith.cmpi slt, %add3A_515, %select_n3A : i32
      %convert_element_type3A_517 = arith.extui %lt3A_516 : i1 to i32
      %cond3A_518 = arith.constant 0 : i32
      %cond3A_519 = arith.cmpi ne, %convert_element_type3A_517, %cond3A_518 : i32
      scf.if %cond3A_519 {
        %dma_wait3A = arith.constant 1 : i32
        %dma_wait3A_941 = arith.constant 1 : i32
        %dma_wait3A_942 = arith.constant 1 : i32
        %dma_wait3A_943 = arith.constant 0 : i32
        %dma_wait3A_944 = arith.constant 0 : i32
        %dma_wait3A_945 = arith.constant 0 : i32
        %dma_wait3A_946 = tpu.memref_slice %arg10[%dma_wait3A, %dma_wait3A_943, %dma_wait3A_944, %dma_wait3A_945] : memref<2x2x128x128xf32, #tpu.memory_space<vmem>> -> memref<1x2x128x128xf32, #tpu.memory_space<vmem>>
        %dma_wait3A_947 = tpu.memref_squeeze %dma_wait3A_946 : memref<1x2x128x128xf32, #tpu.memory_space<vmem>> -> memref<2x128x128xf32, #tpu.memory_space<vmem>>
        %dma_wait3A_948 = arith.constant 0 : i32
        %dma_wait3A_949 = arith.constant 0 : i32
        %dma_wait3A_950 = tpu.memref_slice %dma_wait3A_947[%dma_wait3A_941, %dma_wait3A_948, %dma_wait3A_949] : memref<2x128x128xf32, #tpu.memory_space<vmem>> -> memref<1x128x128xf32, #tpu.memory_space<vmem>>
        %dma_wait3A_951 = tpu.memref_squeeze %dma_wait3A_950 : memref<1x128x128xf32, #tpu.memory_space<vmem>> -> memref<128x128xf32, #tpu.memory_space<vmem>>
        %dma_wait3A_952 = arith.constant 0 : i32
        %dma_wait3A_953 = tpu.memref_slice %arg8[%add3A_515, %dma_wait3A_952] : memref<98x128xi32, #tpu.memory_space<vmem>> -> memref<1x128xi32, #tpu.memory_space<vmem>>
        %dma_wait3A_954 = tpu.memref_squeeze %dma_wait3A_953 : memref<1x128xi32, #tpu.memory_space<vmem>> -> memref<128xi32, #tpu.memory_space<vmem>>
        %dma_wait3A_955 = arith.constant 0 : i32
        %dma_wait3A_956 = arith.constant 0 : i32
        %dma_wait3A_957 = tpu.memref_slice %arg2[%dma_wait3A_955, %dma_wait3A_956] : memref<800000x128xf32, #tpu.memory_space<hbm>> -> memref<800000x128xf32, #tpu.memory_space<hbm>>
        %dma_wait3A_958 = tpu.memref_slice %arg13[%dma_wait3A_942] : memref<2x!tpu.dma_semaphore, #tpu.memory_space<semaphore_mem>> -> memref<1x!tpu.dma_semaphore, #tpu.memory_space<semaphore_mem>>
        %dma_wait3A_959 = tpu.memref_squeeze %dma_wait3A_958 : memref<1x!tpu.dma_semaphore, #tpu.memory_space<semaphore_mem>> -> memref<!tpu.dma_semaphore, #tpu.memory_space<semaphore_mem>>
        tpu.wait_indirect_dma semaphore(%dma_wait3A_959 : memref<!tpu.dma_semaphore, #tpu.memory_space<semaphore_mem>>) src(%dma_wait3A_957 : memref<800000x128xf32, #tpu.memory_space<hbm>>) dst(%dma_wait3A_951 : memref<128x128xf32, #tpu.memory_space<vmem>>)
      } else {
      }
      %mul3A_520 = arith.constant 2 : i32
      %mul3A_521 = arith.muli %add3A_503, %mul3A_520 : i32
      %add3A_522 = arith.constant 0 : i32
      %add3A_523 = arith.addi %mul3A_521, %add3A_522 : i32
      %lt3A_524 = arith.cmpi slt, %add3A_523, %select_n3A : i32
      %convert_element_type3A_525 = arith.extui %lt3A_524 : i1 to i32
      %cond3A_526 = arith.constant 0 : i32
      %cond3A_527 = arith.cmpi ne, %convert_element_type3A_525, %cond3A_526 : i32
      scf.if %cond3A_527 {
        %add3A_941 = arith.addi %mul3A_9, %add3A_523 : i32
        %mul3A_942 = arith.constant 128 : i32
        %mul3A_943 = arith.muli %add3A_941, %mul3A_942 : i32
        %dma_start3A = arith.constant 1 : i32
        %dma_start3A_944 = arith.constant 0 : i32
        %dma_start3A_945 = arith.constant 1 : i32
        %dma_start3A_946 = arith.constant 0 : i32
        %dma_start3A_947 = arith.constant 0 : i32
        %dma_start3A_948 = arith.constant 0 : i32
        %dma_start3A_949 = tpu.memref_slice %arg10[%dma_start3A, %dma_start3A_946, %dma_start3A_947, %dma_start3A_948] : memref<2x2x128x128xf32, #tpu.memory_space<vmem>> -> memref<1x2x128x128xf32, #tpu.memory_space<vmem>>
        %dma_start3A_950 = tpu.memref_squeeze %dma_start3A_949 : memref<1x2x128x128xf32, #tpu.memory_space<vmem>> -> memref<2x128x128xf32, #tpu.memory_space<vmem>>
        %dma_start3A_951 = arith.constant 0 : i32
        %dma_start3A_952 = arith.constant 0 : i32
        %dma_start3A_953 = tpu.memref_slice %dma_start3A_950[%dma_start3A_944, %dma_start3A_951, %dma_start3A_952] : memref<2x128x128xf32, #tpu.memory_space<vmem>> -> memref<1x128x128xf32, #tpu.memory_space<vmem>>
        %dma_start3A_954 = tpu.memref_squeeze %dma_start3A_953 : memref<1x128x128xf32, #tpu.memory_space<vmem>> -> memref<128x128xf32, #tpu.memory_space<vmem>>
        %dma_start3A_955 = arith.constant 0 : i32
        %dma_start3A_956 = tpu.memref_slice %arg6[%mul3A_943, %dma_start3A_955] : memref<400000x128xf32, #tpu.memory_space<hbm>> -> memref<128x128xf32, #tpu.memory_space<hbm>>
        %dma_start3A_957 = tpu.memref_slice %arg14[%dma_start3A_945] : memref<2x!tpu.dma_semaphore, #tpu.memory_space<semaphore_mem>> -> memref<1x!tpu.dma_semaphore, #tpu.memory_space<semaphore_mem>>
        %dma_start3A_958 = tpu.memref_squeeze %dma_start3A_957 : memref<1x!tpu.dma_semaphore, #tpu.memory_space<semaphore_mem>> -> memref<!tpu.dma_semaphore, #tpu.memory_space<semaphore_mem>>
        %dma_start3A_959 = arith.constant 0 : i32
        %dma_start3A_960 = tpu.memref_slice %arg6[%mul3A_943, %dma_start3A_959] : memref<400000x128xf32, #tpu.memory_space<hbm>> -> memref<128x128xf32, #tpu.memory_space<hbm>>
        %dma_start3A_961 = arith.constant 0 : i32
        %dma_start3A_962 = arith.constant 0 : i32
        %dma_start3A_963 = arith.constant 0 : i32
        %dma_start3A_964 = tpu.memref_slice %arg10[%dma_start3A, %dma_start3A_961, %dma_start3A_962, %dma_start3A_963] : memref<2x2x128x128xf32, #tpu.memory_space<vmem>> -> memref<1x2x128x128xf32, #tpu.memory_space<vmem>>
        %dma_start3A_965 = tpu.memref_squeeze %dma_start3A_964 : memref<1x2x128x128xf32, #tpu.memory_space<vmem>> -> memref<2x128x128xf32, #tpu.memory_space<vmem>>
        %dma_start3A_966 = arith.constant 0 : i32
        %dma_start3A_967 = arith.constant 0 : i32
        %dma_start3A_968 = tpu.memref_slice %dma_start3A_965[%dma_start3A_944, %dma_start3A_966, %dma_start3A_967] : memref<2x128x128xf32, #tpu.memory_space<vmem>> -> memref<1x128x128xf32, #tpu.memory_space<vmem>>
        %dma_start3A_969 = tpu.memref_squeeze %dma_start3A_968 : memref<1x128x128xf32, #tpu.memory_space<vmem>> -> memref<128x128xf32, #tpu.memory_space<vmem>>
        tpu.enqueue_dma source(%dma_start3A_969 : memref<128x128xf32, #tpu.memory_space<vmem>>) target(%dma_start3A_960 : memref<128x128xf32, #tpu.memory_space<hbm>>) target_semaphore(%dma_start3A_958 : memref<!tpu.dma_semaphore, #tpu.memory_space<semaphore_mem>>)
      } else {
      }
      %mul3A_528 = arith.constant 2 : i32
      %mul3A_529 = arith.muli %add3A_503, %mul3A_528 : i32
      %add3A_530 = arith.constant 1 : i32
      %add3A_531 = arith.addi %mul3A_529, %add3A_530 : i32
      %lt3A_532 = arith.cmpi slt, %add3A_531, %select_n3A : i32
      %convert_element_type3A_533 = arith.extui %lt3A_532 : i1 to i32
      %cond3A_534 = arith.constant 0 : i32
      %cond3A_535 = arith.cmpi ne, %convert_element_type3A_533, %cond3A_534 : i32
      scf.if %cond3A_535 {
        %add3A_941 = arith.addi %mul3A_9, %add3A_531 : i32
        %mul3A_942 = arith.constant 128 : i32
        %mul3A_943 = arith.muli %add3A_941, %mul3A_942 : i32
        %dma_start3A = arith.constant 1 : i32
        %dma_start3A_944 = arith.constant 1 : i32
        %dma_start3A_945 = arith.constant 1 : i32
        %dma_start3A_946 = arith.constant 0 : i32
        %dma_start3A_947 = arith.constant 0 : i32
        %dma_start3A_948 = arith.constant 0 : i32
        %dma_start3A_949 = tpu.memref_slice %arg10[%dma_start3A, %dma_start3A_946, %dma_start3A_947, %dma_start3A_948] : memref<2x2x128x128xf32, #tpu.memory_space<vmem>> -> memref<1x2x128x128xf32, #tpu.memory_space<vmem>>
        %dma_start3A_950 = tpu.memref_squeeze %dma_start3A_949 : memref<1x2x128x128xf32, #tpu.memory_space<vmem>> -> memref<2x128x128xf32, #tpu.memory_space<vmem>>
        %dma_start3A_951 = arith.constant 0 : i32
        %dma_start3A_952 = arith.constant 0 : i32
        %dma_start3A_953 = tpu.memref_slice %dma_start3A_950[%dma_start3A_944, %dma_start3A_951, %dma_start3A_952] : memref<2x128x128xf32, #tpu.memory_space<vmem>> -> memref<1x128x128xf32, #tpu.memory_space<vmem>>
        %dma_start3A_954 = tpu.memref_squeeze %dma_start3A_953 : memref<1x128x128xf32, #tpu.memory_space<vmem>> -> memref<128x128xf32, #tpu.memory_space<vmem>>
        %dma_start3A_955 = arith.constant 0 : i32
        %dma_start3A_956 = tpu.memref_slice %arg6[%mul3A_943, %dma_start3A_955] : memref<400000x128xf32, #tpu.memory_space<hbm>> -> memref<128x128xf32, #tpu.memory_space<hbm>>
        %dma_start3A_957 = tpu.memref_slice %arg14[%dma_start3A_945] : memref<2x!tpu.dma_semaphore, #tpu.memory_space<semaphore_mem>> -> memref<1x!tpu.dma_semaphore, #tpu.memory_space<semaphore_mem>>
        %dma_start3A_958 = tpu.memref_squeeze %dma_start3A_957 : memref<1x!tpu.dma_semaphore, #tpu.memory_space<semaphore_mem>> -> memref<!tpu.dma_semaphore, #tpu.memory_space<semaphore_mem>>
        %dma_start3A_959 = arith.constant 0 : i32
        %dma_start3A_960 = tpu.memref_slice %arg6[%mul3A_943, %dma_start3A_959] : memref<400000x128xf32, #tpu.memory_space<hbm>> -> memref<128x128xf32, #tpu.memory_space<hbm>>
        %dma_start3A_961 = arith.constant 0 : i32
        %dma_start3A_962 = arith.constant 0 : i32
        %dma_start3A_963 = arith.constant 0 : i32
        %dma_start3A_964 = tpu.memref_slice %arg10[%dma_start3A, %dma_start3A_961, %dma_start3A_962, %dma_start3A_963] : memref<2x2x128x128xf32, #tpu.memory_space<vmem>> -> memref<1x2x128x128xf32, #tpu.memory_space<vmem>>
        %dma_start3A_965 = tpu.memref_squeeze %dma_start3A_964 : memref<1x2x128x128xf32, #tpu.memory_space<vmem>> -> memref<2x128x128xf32, #tpu.memory_space<vmem>>
        %dma_start3A_966 = arith.constant 0 : i32
        %dma_start3A_967 = arith.constant 0 : i32
        %dma_start3A_968 = tpu.memref_slice %dma_start3A_965[%dma_start3A_944, %dma_start3A_966, %dma_start3A_967] : memref<2x128x128xf32, #tpu.memory_space<vmem>> -> memref<1x128x128xf32, #tpu.memory_space<vmem>>
        %dma_start3A_969 = tpu.memref_squeeze %dma_start3A_968 : memref<1x128x128xf32, #tpu.memory_space<vmem>> -> memref<128x128xf32, #tpu.memory_space<vmem>>
        tpu.enqueue_dma source(%dma_start3A_969 : memref<128x128xf32, #tpu.memory_space<vmem>>) target(%dma_start3A_960 : memref<128x128xf32, #tpu.memory_space<hbm>>) target_semaphore(%dma_start3A_958 : memref<!tpu.dma_semaphore, #tpu.memory_space<semaphore_mem>>)
      } else {
      }
      %sub3A_536 = arith.constant 1 : i32
      %sub3A_537 = arith.subi %add3A_503, %sub3A_536 : i32
      %mul3A_538 = arith.constant 2 : i32
      %mul3A_539 = arith.muli %sub3A_537, %mul3A_538 : i32
      %add3A_540 = arith.constant 0 : i32
      %add3A_541 = arith.addi %mul3A_539, %add3A_540 : i32
      %ge3A_542 = arith.constant 1 : i32
      %ge3A_543 = arith.cmpi sge, %add3A_503, %ge3A_542 : i32
      %lt3A_544 = arith.cmpi slt, %add3A_541, %select_n3A : i32
      %and3A_545 = arith.andi %ge3A_543, %lt3A_544 : i1
      %convert_element_type3A_546 = arith.extui %and3A_545 : i1 to i32
      %cond3A_547 = arith.constant 0 : i32
      %cond3A_548 = arith.cmpi ne, %convert_element_type3A_546, %cond3A_547 : i32
      scf.if %cond3A_548 {
        %add3A_941 = arith.addi %mul3A_9, %add3A_541 : i32
        %mul3A_942 = arith.constant 128 : i32
        %mul3A_943 = arith.muli %add3A_941, %mul3A_942 : i32
        %dma_wait3A = arith.constant 0 : i32
        %dma_wait3A_944 = arith.constant 0 : i32
        %dma_wait3A_945 = arith.constant 0 : i32
        %dma_wait3A_946 = arith.constant 0 : i32
        %dma_wait3A_947 = arith.constant 0 : i32
        %dma_wait3A_948 = arith.constant 0 : i32
        %dma_wait3A_949 = tpu.memref_slice %arg10[%dma_wait3A, %dma_wait3A_946, %dma_wait3A_947, %dma_wait3A_948] : memref<2x2x128x128xf32, #tpu.memory_space<vmem>> -> memref<1x2x128x128xf32, #tpu.memory_space<vmem>>
        %dma_wait3A_950 = tpu.memref_squeeze %dma_wait3A_949 : memref<1x2x128x128xf32, #tpu.memory_space<vmem>> -> memref<2x128x128xf32, #tpu.memory_space<vmem>>
        %dma_wait3A_951 = arith.constant 0 : i32
        %dma_wait3A_952 = arith.constant 0 : i32
        %dma_wait3A_953 = tpu.memref_slice %dma_wait3A_950[%dma_wait3A_944, %dma_wait3A_951, %dma_wait3A_952] : memref<2x128x128xf32, #tpu.memory_space<vmem>> -> memref<1x128x128xf32, #tpu.memory_space<vmem>>
        %dma_wait3A_954 = tpu.memref_squeeze %dma_wait3A_953 : memref<1x128x128xf32, #tpu.memory_space<vmem>> -> memref<128x128xf32, #tpu.memory_space<vmem>>
        %dma_wait3A_955 = arith.constant 0 : i32
        %dma_wait3A_956 = tpu.memref_slice %arg6[%mul3A_943, %dma_wait3A_955] : memref<400000x128xf32, #tpu.memory_space<hbm>> -> memref<128x128xf32, #tpu.memory_space<hbm>>
        %dma_wait3A_957 = tpu.memref_slice %arg14[%dma_wait3A_945] : memref<2x!tpu.dma_semaphore, #tpu.memory_space<semaphore_mem>> -> memref<1x!tpu.dma_semaphore, #tpu.memory_space<semaphore_mem>>
        %dma_wait3A_958 = tpu.memref_squeeze %dma_wait3A_957 : memref<1x!tpu.dma_semaphore, #tpu.memory_space<semaphore_mem>> -> memref<!tpu.dma_semaphore, #tpu.memory_space<semaphore_mem>>
        %dma_wait3A_959 = arith.constant 0 : i32
        %dma_wait3A_960 = tpu.memref_slice %arg6[%mul3A_943, %dma_wait3A_959] : memref<400000x128xf32, #tpu.memory_space<hbm>> -> memref<128x128xf32, #tpu.memory_space<hbm>>
        %dma_wait3A_961 = arith.constant 0 : i32
        %dma_wait3A_962 = arith.constant 0 : i32
        %dma_wait3A_963 = arith.constant 0 : i32
        %dma_wait3A_964 = tpu.memref_slice %arg10[%dma_wait3A, %dma_wait3A_961, %dma_wait3A_962, %dma_wait3A_963] : memref<2x2x128x128xf32, #tpu.memory_space<vmem>> -> memref<1x2x128x128xf32, #tpu.memory_space<vmem>>
        %dma_wait3A_965 = tpu.memref_squeeze %dma_wait3A_964 : memref<1x2x128x128xf32, #tpu.memory_space<vmem>> -> memref<2x128x128xf32, #tpu.memory_space<vmem>>
        %dma_wait3A_966 = arith.constant 0 : i32
        %dma_wait3A_967 = arith.constant 0 : i32
        %dma_wait3A_968 = tpu.memref_slice %dma_wait3A_965[%dma_wait3A_944, %dma_wait3A_966, %dma_wait3A_967] : memref<2x128x128xf32, #tpu.memory_space<vmem>> -> memref<1x128x128xf32, #tpu.memory_space<vmem>>
        %dma_wait3A_969 = tpu.memref_squeeze %dma_wait3A_968 : memref<1x128x128xf32, #tpu.memory_space<vmem>> -> memref<128x128xf32, #tpu.memory_space<vmem>>
        tpu.wait_dma2 semaphore(%dma_wait3A_958 : memref<!tpu.dma_semaphore, #tpu.memory_space<semaphore_mem>>) src(%dma_wait3A_969 : memref<128x128xf32, #tpu.memory_space<vmem>>) dst(%dma_wait3A_960 : memref<128x128xf32, #tpu.memory_space<hbm>>)
      } else {
      }
      %sub3A_549 = arith.constant 1 : i32
      %sub3A_550 = arith.subi %add3A_503, %sub3A_549 : i32
      %mul3A_551 = arith.constant 2 : i32
      %mul3A_552 = arith.muli %sub3A_550, %mul3A_551 : i32
      %add3A_553 = arith.constant 1 : i32
      %add3A_554 = arith.addi %mul3A_552, %add3A_553 : i32
      %ge3A_555 = arith.constant 1 : i32
      %ge3A_556 = arith.cmpi sge, %add3A_503, %ge3A_555 : i32
      %lt3A_557 = arith.cmpi slt, %add3A_554, %select_n3A : i32
      %and3A_558 = arith.andi %ge3A_556, %lt3A_557 : i1
      %convert_element_type3A_559 = arith.extui %and3A_558 : i1 to i32
      %cond3A_560 = arith.constant 0 : i32
      %cond3A_561 = arith.cmpi ne, %convert_element_type3A_559, %cond3A_560 : i32
      scf.if %cond3A_561 {
        %add3A_941 = arith.addi %mul3A_9, %add3A_554 : i32
        %mul3A_942 = arith.constant 128 : i32
        %mul3A_943 = arith.muli %add3A_941, %mul3A_942 : i32
        %dma_wait3A = arith.constant 0 : i32
        %dma_wait3A_944 = arith.constant 1 : i32
        %dma_wait3A_945 = arith.constant 0 : i32
        %dma_wait3A_946 = arith.constant 0 : i32
        %dma_wait3A_947 = arith.constant 0 : i32
        %dma_wait3A_948 = arith.constant 0 : i32
        %dma_wait3A_949 = tpu.memref_slice %arg10[%dma_wait3A, %dma_wait3A_946, %dma_wait3A_947, %dma_wait3A_948] : memref<2x2x128x128xf32, #tpu.memory_space<vmem>> -> memref<1x2x128x128xf32, #tpu.memory_space<vmem>>
        %dma_wait3A_950 = tpu.memref_squeeze %dma_wait3A_949 : memref<1x2x128x128xf32, #tpu.memory_space<vmem>> -> memref<2x128x128xf32, #tpu.memory_space<vmem>>
        %dma_wait3A_951 = arith.constant 0 : i32
        %dma_wait3A_952 = arith.constant 0 : i32
        %dma_wait3A_953 = tpu.memref_slice %dma_wait3A_950[%dma_wait3A_944, %dma_wait3A_951, %dma_wait3A_952] : memref<2x128x128xf32, #tpu.memory_space<vmem>> -> memref<1x128x128xf32, #tpu.memory_space<vmem>>
        %dma_wait3A_954 = tpu.memref_squeeze %dma_wait3A_953 : memref<1x128x128xf32, #tpu.memory_space<vmem>> -> memref<128x128xf32, #tpu.memory_space<vmem>>
        %dma_wait3A_955 = arith.constant 0 : i32
        %dma_wait3A_956 = tpu.memref_slice %arg6[%mul3A_943, %dma_wait3A_955] : memref<400000x128xf32, #tpu.memory_space<hbm>> -> memref<128x128xf32, #tpu.memory_space<hbm>>
        %dma_wait3A_957 = tpu.memref_slice %arg14[%dma_wait3A_945] : memref<2x!tpu.dma_semaphore, #tpu.memory_space<semaphore_mem>> -> memref<1x!tpu.dma_semaphore, #tpu.memory_space<semaphore_mem>>
        %dma_wait3A_958 = tpu.memref_squeeze %dma_wait3A_957 : memref<1x!tpu.dma_semaphore, #tpu.memory_space<semaphore_mem>> -> memref<!tpu.dma_semaphore, #tpu.memory_space<semaphore_mem>>
        %dma_wait3A_959 = arith.constant 0 : i32
        %dma_wait3A_960 = tpu.memref_slice %arg6[%mul3A_943, %dma_wait3A_959] : memref<400000x128xf32, #tpu.memory_space<hbm>> -> memref<128x128xf32, #tpu.memory_space<hbm>>
        %dma_wait3A_961 = arith.constant 0 : i32
        %dma_wait3A_962 = arith.constant 0 : i32
        %dma_wait3A_963 = arith.constant 0 : i32
        %dma_wait3A_964 = tpu.memref_slice %arg10[%dma_wait3A, %dma_wait3A_961, %dma_wait3A_962, %dma_wait3A_963] : memref<2x2x128x128xf32, #tpu.memory_space<vmem>> -> memref<1x2x128x128xf32, #tpu.memory_space<vmem>>
        %dma_wait3A_965 = tpu.memref_squeeze %dma_wait3A_964 : memref<1x2x128x128xf32, #tpu.memory_space<vmem>> -> memref<2x128x128xf32, #tpu.memory_space<vmem>>
        %dma_wait3A_966 = arith.constant 0 : i32
        %dma_wait3A_967 = arith.constant 0 : i32
        %dma_wait3A_968 = tpu.memref_slice %dma_wait3A_965[%dma_wait3A_944, %dma_wait3A_966, %dma_wait3A_967] : memref<2x128x128xf32, #tpu.memory_space<vmem>> -> memref<1x128x128xf32, #tpu.memory_space<vmem>>
        %dma_wait3A_969 = tpu.memref_squeeze %dma_wait3A_968 : memref<1x128x128xf32, #tpu.memory_space<vmem>> -> memref<128x128xf32, #tpu.memory_space<vmem>>
        tpu.wait_dma2 semaphore(%dma_wait3A_958 : memref<!tpu.dma_semaphore, #tpu.memory_space<semaphore_mem>>) src(%dma_wait3A_969 : memref<128x128xf32, #tpu.memory_space<vmem>>) dst(%dma_wait3A_960 : memref<128x128xf32, #tpu.memory_space<hbm>>)
      } else {
      }
      %add3A_562 = arith.constant 1 : i32
      %add3A_563 = arith.addi %add3A_503, %add3A_562 : i32
      %mul3A_564 = arith.constant 2 : i32
      %mul3A_565 = arith.muli %add3A_563, %mul3A_564 : i32
      %add3A_566 = arith.constant 0 : i32
      %add3A_567 = arith.addi %mul3A_565, %add3A_566 : i32
      %lt3A_568 = arith.cmpi slt, %add3A_567, %select_n3A : i32
      %convert_element_type3A_569 = arith.extui %lt3A_568 : i1 to i32
      %cond3A_570 = arith.constant 0 : i32
      %cond3A_571 = arith.cmpi ne, %convert_element_type3A_569, %cond3A_570 : i32
      scf.if %cond3A_571 {
        %dma_start3A = arith.constant 0 : i32
        %dma_start3A_941 = arith.constant 0 : i32
        %dma_start3A_942 = arith.constant 0 : i32
        %dma_start3A_943 = arith.constant 0 : i32
        %dma_start3A_944 = arith.constant 0 : i32
        %dma_start3A_945 = arith.constant 0 : i32
        %dma_start3A_946 = tpu.memref_slice %arg10[%dma_start3A, %dma_start3A_943, %dma_start3A_944, %dma_start3A_945] : memref<2x2x128x128xf32, #tpu.memory_space<vmem>> -> memref<1x2x128x128xf32, #tpu.memory_space<vmem>>
        %dma_start3A_947 = tpu.memref_squeeze %dma_start3A_946 : memref<1x2x128x128xf32, #tpu.memory_space<vmem>> -> memref<2x128x128xf32, #tpu.memory_space<vmem>>
        %dma_start3A_948 = arith.constant 0 : i32
        %dma_start3A_949 = arith.constant 0 : i32
        %dma_start3A_950 = tpu.memref_slice %dma_start3A_947[%dma_start3A_941, %dma_start3A_948, %dma_start3A_949] : memref<2x128x128xf32, #tpu.memory_space<vmem>> -> memref<1x128x128xf32, #tpu.memory_space<vmem>>
        %dma_start3A_951 = tpu.memref_squeeze %dma_start3A_950 : memref<1x128x128xf32, #tpu.memory_space<vmem>> -> memref<128x128xf32, #tpu.memory_space<vmem>>
        %dma_start3A_952 = arith.constant 0 : i32
        %dma_start3A_953 = tpu.memref_slice %arg8[%add3A_567, %dma_start3A_952] : memref<98x128xi32, #tpu.memory_space<vmem>> -> memref<1x128xi32, #tpu.memory_space<vmem>>
        %dma_start3A_954 = tpu.memref_squeeze %dma_start3A_953 : memref<1x128xi32, #tpu.memory_space<vmem>> -> memref<128xi32, #tpu.memory_space<vmem>>
        %dma_start3A_955 = arith.constant 0 : i32
        %dma_start3A_956 = arith.constant 0 : i32
        %dma_start3A_957 = tpu.memref_slice %arg2[%dma_start3A_955, %dma_start3A_956] : memref<800000x128xf32, #tpu.memory_space<hbm>> -> memref<800000x128xf32, #tpu.memory_space<hbm>>
        %dma_start3A_958 = tpu.memref_slice %arg13[%dma_start3A_942] : memref<2x!tpu.dma_semaphore, #tpu.memory_space<semaphore_mem>> -> memref<1x!tpu.dma_semaphore, #tpu.memory_space<semaphore_mem>>
        %dma_start3A_959 = tpu.memref_squeeze %dma_start3A_958 : memref<1x!tpu.dma_semaphore, #tpu.memory_space<semaphore_mem>> -> memref<!tpu.dma_semaphore, #tpu.memory_space<semaphore_mem>>
        tpu.enqueue_indirect_dma source(%dma_start3A_957 : memref<800000x128xf32, #tpu.memory_space<hbm>>) target(%dma_start3A_951 : memref<128x128xf32, #tpu.memory_space<vmem>>) offsets(%dma_start3A_954 : memref<128xi32, #tpu.memory_space<vmem>>) semaphore(%dma_start3A_959 : memref<!tpu.dma_semaphore, #tpu.memory_space<semaphore_mem>>)
      } else {
      }
      %mul3A_572 = arith.constant 2 : i32
      %mul3A_573 = arith.muli %add3A_563, %mul3A_572 : i32
      %add3A_574 = arith.constant 1 : i32
      %add3A_575 = arith.addi %mul3A_573, %add3A_574 : i32
      %lt3A_576 = arith.cmpi slt, %add3A_575, %select_n3A : i32
      %convert_element_type3A_577 = arith.extui %lt3A_576 : i1 to i32
      %cond3A_578 = arith.constant 0 : i32
      %cond3A_579 = arith.cmpi ne, %convert_element_type3A_577, %cond3A_578 : i32
      scf.if %cond3A_579 {
        %dma_start3A = arith.constant 0 : i32
        %dma_start3A_941 = arith.constant 1 : i32
        %dma_start3A_942 = arith.constant 0 : i32
        %dma_start3A_943 = arith.constant 0 : i32
        %dma_start3A_944 = arith.constant 0 : i32
        %dma_start3A_945 = arith.constant 0 : i32
        %dma_start3A_946 = tpu.memref_slice %arg10[%dma_start3A, %dma_start3A_943, %dma_start3A_944, %dma_start3A_945] : memref<2x2x128x128xf32, #tpu.memory_space<vmem>> -> memref<1x2x128x128xf32, #tpu.memory_space<vmem>>
        %dma_start3A_947 = tpu.memref_squeeze %dma_start3A_946 : memref<1x2x128x128xf32, #tpu.memory_space<vmem>> -> memref<2x128x128xf32, #tpu.memory_space<vmem>>
        %dma_start3A_948 = arith.constant 0 : i32
        %dma_start3A_949 = arith.constant 0 : i32
        %dma_start3A_950 = tpu.memref_slice %dma_start3A_947[%dma_start3A_941, %dma_start3A_948, %dma_start3A_949] : memref<2x128x128xf32, #tpu.memory_space<vmem>> -> memref<1x128x128xf32, #tpu.memory_space<vmem>>
        %dma_start3A_951 = tpu.memref_squeeze %dma_start3A_950 : memref<1x128x128xf32, #tpu.memory_space<vmem>> -> memref<128x128xf32, #tpu.memory_space<vmem>>
        %dma_start3A_952 = arith.constant 0 : i32
        %dma_start3A_953 = tpu.memref_slice %arg8[%add3A_575, %dma_start3A_952] : memref<98x128xi32, #tpu.memory_space<vmem>> -> memref<1x128xi32, #tpu.memory_space<vmem>>
        %dma_start3A_954 = tpu.memref_squeeze %dma_start3A_953 : memref<1x128xi32, #tpu.memory_space<vmem>> -> memref<128xi32, #tpu.memory_space<vmem>>
        %dma_start3A_955 = arith.constant 0 : i32
        %dma_start3A_956 = arith.constant 0 : i32
        %dma_start3A_957 = tpu.memref_slice %arg2[%dma_start3A_955, %dma_start3A_956] : memref<800000x128xf32, #tpu.memory_space<hbm>> -> memref<800000x128xf32, #tpu.memory_space<hbm>>
        %dma_start3A_958 = tpu.memref_slice %arg13[%dma_start3A_942] : memref<2x!tpu.dma_semaphore, #tpu.memory_space<semaphore_mem>> -> memref<1x!tpu.dma_semaphore, #tpu.memory_space<semaphore_mem>>
        %dma_start3A_959 = tpu.memref_squeeze %dma_start3A_958 : memref<1x!tpu.dma_semaphore, #tpu.memory_space<semaphore_mem>> -> memref<!tpu.dma_semaphore, #tpu.memory_space<semaphore_mem>>
        tpu.enqueue_indirect_dma source(%dma_start3A_957 : memref<800000x128xf32, #tpu.memory_space<hbm>>) target(%dma_start3A_951 : memref<128x128xf32, #tpu.memory_space<vmem>>) offsets(%dma_start3A_954 : memref<128xi32, #tpu.memory_space<vmem>>) semaphore(%dma_start3A_959 : memref<!tpu.dma_semaphore, #tpu.memory_space<semaphore_mem>>)
      } else {
      }
      %mul3A_580 = arith.constant 8 : i32
      %mul3A_581 = arith.muli %add3A_503, %mul3A_580 : i32
      %add3A_582 = arith.constant 0 : i32
      %add3A_583 = arith.addi %mul3A_581, %add3A_582 : i32
      %lt3A_584 = arith.cmpi slt, %add3A_583, %select_n3A_7 : i32
      %convert_element_type3A_585 = arith.extui %lt3A_584 : i1 to i32
      %cond3A_586 = arith.constant 0 : i32
      %cond3A_587 = arith.cmpi ne, %convert_element_type3A_585, %cond3A_586 : i32
      scf.if %cond3A_587 {
        %dma_wait3A = arith.constant 1 : i32
        %dma_wait3A_941 = arith.constant 0 : i32
        %dma_wait3A_942 = tpu.memref_slice %arg12[%dma_wait3A_941] : memref<1024xf32, #tpu.memory_space<vmem>> -> memref<128xf32, #tpu.memory_space<vmem>>
        %dma_wait3A_943 = arith.constant 0 : i32
        %dma_wait3A_944 = tpu.memref_slice %arg9[%add3A_583, %dma_wait3A_943] : memref<293x128xi32, #tpu.memory_space<vmem>> -> memref<1x128xi32, #tpu.memory_space<vmem>>
        %dma_wait3A_945 = tpu.memref_squeeze %dma_wait3A_944 : memref<1x128xi32, #tpu.memory_space<vmem>> -> memref<128xi32, #tpu.memory_space<vmem>>
        %dma_wait3A_946 = arith.constant 0 : i32
        %dma_wait3A_947 = tpu.memref_slice %arg3[%dma_wait3A_946] : memref<2400000xf32, #tpu.memory_space<hbm>> -> memref<2400000xf32, #tpu.memory_space<hbm>>
        %dma_wait3A_948 = tpu.memref_slice %arg15[%dma_wait3A] : memref<2x!tpu.dma_semaphore, #tpu.memory_space<semaphore_mem>> -> memref<1x!tpu.dma_semaphore, #tpu.memory_space<semaphore_mem>>
        %dma_wait3A_949 = tpu.memref_squeeze %dma_wait3A_948 : memref<1x!tpu.dma_semaphore, #tpu.memory_space<semaphore_mem>> -> memref<!tpu.dma_semaphore, #tpu.memory_space<semaphore_mem>>
        tpu.wait_indirect_dma semaphore(%dma_wait3A_949 : memref<!tpu.dma_semaphore, #tpu.memory_space<semaphore_mem>>) src(%dma_wait3A_947 : memref<2400000xf32, #tpu.memory_space<hbm>>) dst(%dma_wait3A_942 : memref<128xf32, #tpu.memory_space<vmem>>)
      } else {
      }
      %mul3A_588 = arith.constant 8 : i32
      %mul3A_589 = arith.muli %add3A_503, %mul3A_588 : i32
      %add3A_590 = arith.constant 1 : i32
      %add3A_591 = arith.addi %mul3A_589, %add3A_590 : i32
      %lt3A_592 = arith.cmpi slt, %add3A_591, %select_n3A_7 : i32
      %convert_element_type3A_593 = arith.extui %lt3A_592 : i1 to i32
      %cond3A_594 = arith.constant 0 : i32
      %cond3A_595 = arith.cmpi ne, %convert_element_type3A_593, %cond3A_594 : i32
      scf.if %cond3A_595 {
        %dma_wait3A = arith.constant 1 : i32
        %dma_wait3A_941 = arith.constant 128 : i32
        %dma_wait3A_942 = tpu.memref_slice %arg12[%dma_wait3A_941] : memref<1024xf32, #tpu.memory_space<vmem>> -> memref<128xf32, #tpu.memory_space<vmem>>
        %dma_wait3A_943 = arith.constant 0 : i32
        %dma_wait3A_944 = tpu.memref_slice %arg9[%add3A_591, %dma_wait3A_943] : memref<293x128xi32, #tpu.memory_space<vmem>> -> memref<1x128xi32, #tpu.memory_space<vmem>>
        %dma_wait3A_945 = tpu.memref_squeeze %dma_wait3A_944 : memref<1x128xi32, #tpu.memory_space<vmem>> -> memref<128xi32, #tpu.memory_space<vmem>>
        %dma_wait3A_946 = arith.constant 0 : i32
        %dma_wait3A_947 = tpu.memref_slice %arg3[%dma_wait3A_946] : memref<2400000xf32, #tpu.memory_space<hbm>> -> memref<2400000xf32, #tpu.memory_space<hbm>>
        %dma_wait3A_948 = tpu.memref_slice %arg15[%dma_wait3A] : memref<2x!tpu.dma_semaphore, #tpu.memory_space<semaphore_mem>> -> memref<1x!tpu.dma_semaphore, #tpu.memory_space<semaphore_mem>>
        %dma_wait3A_949 = tpu.memref_squeeze %dma_wait3A_948 : memref<1x!tpu.dma_semaphore, #tpu.memory_space<semaphore_mem>> -> memref<!tpu.dma_semaphore, #tpu.memory_space<semaphore_mem>>
        tpu.wait_indirect_dma semaphore(%dma_wait3A_949 : memref<!tpu.dma_semaphore, #tpu.memory_space<semaphore_mem>>) src(%dma_wait3A_947 : memref<2400000xf32, #tpu.memory_space<hbm>>) dst(%dma_wait3A_942 : memref<128xf32, #tpu.memory_space<vmem>>)
      } else {
      }
      %mul3A_596 = arith.constant 8 : i32
      %mul3A_597 = arith.muli %add3A_503, %mul3A_596 : i32
      %add3A_598 = arith.constant 2 : i32
      %add3A_599 = arith.addi %mul3A_597, %add3A_598 : i32
      %lt3A_600 = arith.cmpi slt, %add3A_599, %select_n3A_7 : i32
      %convert_element_type3A_601 = arith.extui %lt3A_600 : i1 to i32
      %cond3A_602 = arith.constant 0 : i32
      %cond3A_603 = arith.cmpi ne, %convert_element_type3A_601, %cond3A_602 : i32
      scf.if %cond3A_603 {
        %dma_wait3A = arith.constant 1 : i32
        %dma_wait3A_941 = arith.constant 256 : i32
        %dma_wait3A_942 = tpu.memref_slice %arg12[%dma_wait3A_941] : memref<1024xf32, #tpu.memory_space<vmem>> -> memref<128xf32, #tpu.memory_space<vmem>>
        %dma_wait3A_943 = arith.constant 0 : i32
        %dma_wait3A_944 = tpu.memref_slice %arg9[%add3A_599, %dma_wait3A_943] : memref<293x128xi32, #tpu.memory_space<vmem>> -> memref<1x128xi32, #tpu.memory_space<vmem>>
        %dma_wait3A_945 = tpu.memref_squeeze %dma_wait3A_944 : memref<1x128xi32, #tpu.memory_space<vmem>> -> memref<128xi32, #tpu.memory_space<vmem>>
        %dma_wait3A_946 = arith.constant 0 : i32
        %dma_wait3A_947 = tpu.memref_slice %arg3[%dma_wait3A_946] : memref<2400000xf32, #tpu.memory_space<hbm>> -> memref<2400000xf32, #tpu.memory_space<hbm>>
        %dma_wait3A_948 = tpu.memref_slice %arg15[%dma_wait3A] : memref<2x!tpu.dma_semaphore, #tpu.memory_space<semaphore_mem>> -> memref<1x!tpu.dma_semaphore, #tpu.memory_space<semaphore_mem>>
        %dma_wait3A_949 = tpu.memref_squeeze %dma_wait3A_948 : memref<1x!tpu.dma_semaphore, #tpu.memory_space<semaphore_mem>> -> memref<!tpu.dma_semaphore, #tpu.memory_space<semaphore_mem>>
        tpu.wait_indirect_dma semaphore(%dma_wait3A_949 : memref<!tpu.dma_semaphore, #tpu.memory_space<semaphore_mem>>) src(%dma_wait3A_947 : memref<2400000xf32, #tpu.memory_space<hbm>>) dst(%dma_wait3A_942 : memref<128xf32, #tpu.memory_space<vmem>>)
      } else {
      }
      %mul3A_604 = arith.constant 8 : i32
      %mul3A_605 = arith.muli %add3A_503, %mul3A_604 : i32
      %add3A_606 = arith.constant 3 : i32
      %add3A_607 = arith.addi %mul3A_605, %add3A_606 : i32
      %lt3A_608 = arith.cmpi slt, %add3A_607, %select_n3A_7 : i32
      %convert_element_type3A_609 = arith.extui %lt3A_608 : i1 to i32
      %cond3A_610 = arith.constant 0 : i32
      %cond3A_611 = arith.cmpi ne, %convert_element_type3A_609, %cond3A_610 : i32
      scf.if %cond3A_611 {
        %dma_wait3A = arith.constant 1 : i32
        %dma_wait3A_941 = arith.constant 384 : i32
        %dma_wait3A_942 = tpu.memref_slice %arg12[%dma_wait3A_941] : memref<1024xf32, #tpu.memory_space<vmem>> -> memref<128xf32, #tpu.memory_space<vmem>>
        %dma_wait3A_943 = arith.constant 0 : i32
        %dma_wait3A_944 = tpu.memref_slice %arg9[%add3A_607, %dma_wait3A_943] : memref<293x128xi32, #tpu.memory_space<vmem>> -> memref<1x128xi32, #tpu.memory_space<vmem>>
        %dma_wait3A_945 = tpu.memref_squeeze %dma_wait3A_944 : memref<1x128xi32, #tpu.memory_space<vmem>> -> memref<128xi32, #tpu.memory_space<vmem>>
        %dma_wait3A_946 = arith.constant 0 : i32
        %dma_wait3A_947 = tpu.memref_slice %arg3[%dma_wait3A_946] : memref<2400000xf32, #tpu.memory_space<hbm>> -> memref<2400000xf32, #tpu.memory_space<hbm>>
        %dma_wait3A_948 = tpu.memref_slice %arg15[%dma_wait3A] : memref<2x!tpu.dma_semaphore, #tpu.memory_space<semaphore_mem>> -> memref<1x!tpu.dma_semaphore, #tpu.memory_space<semaphore_mem>>
        %dma_wait3A_949 = tpu.memref_squeeze %dma_wait3A_948 : memref<1x!tpu.dma_semaphore, #tpu.memory_space<semaphore_mem>> -> memref<!tpu.dma_semaphore, #tpu.memory_space<semaphore_mem>>
        tpu.wait_indirect_dma semaphore(%dma_wait3A_949 : memref<!tpu.dma_semaphore, #tpu.memory_space<semaphore_mem>>) src(%dma_wait3A_947 : memref<2400000xf32, #tpu.memory_space<hbm>>) dst(%dma_wait3A_942 : memref<128xf32, #tpu.memory_space<vmem>>)
      } else {
      }
      %mul3A_612 = arith.constant 8 : i32
      %mul3A_613 = arith.muli %add3A_503, %mul3A_612 : i32
      %add3A_614 = arith.constant 4 : i32
      %add3A_615 = arith.addi %mul3A_613, %add3A_614 : i32
      %lt3A_616 = arith.cmpi slt, %add3A_615, %select_n3A_7 : i32
      %convert_element_type3A_617 = arith.extui %lt3A_616 : i1 to i32
      %cond3A_618 = arith.constant 0 : i32
      %cond3A_619 = arith.cmpi ne, %convert_element_type3A_617, %cond3A_618 : i32
      scf.if %cond3A_619 {
        %dma_wait3A = arith.constant 1 : i32
        %dma_wait3A_941 = arith.constant 512 : i32
        %dma_wait3A_942 = tpu.memref_slice %arg12[%dma_wait3A_941] : memref<1024xf32, #tpu.memory_space<vmem>> -> memref<128xf32, #tpu.memory_space<vmem>>
        %dma_wait3A_943 = arith.constant 0 : i32
        %dma_wait3A_944 = tpu.memref_slice %arg9[%add3A_615, %dma_wait3A_943] : memref<293x128xi32, #tpu.memory_space<vmem>> -> memref<1x128xi32, #tpu.memory_space<vmem>>
        %dma_wait3A_945 = tpu.memref_squeeze %dma_wait3A_944 : memref<1x128xi32, #tpu.memory_space<vmem>> -> memref<128xi32, #tpu.memory_space<vmem>>
        %dma_wait3A_946 = arith.constant 0 : i32
        %dma_wait3A_947 = tpu.memref_slice %arg3[%dma_wait3A_946] : memref<2400000xf32, #tpu.memory_space<hbm>> -> memref<2400000xf32, #tpu.memory_space<hbm>>
        %dma_wait3A_948 = tpu.memref_slice %arg15[%dma_wait3A] : memref<2x!tpu.dma_semaphore, #tpu.memory_space<semaphore_mem>> -> memref<1x!tpu.dma_semaphore, #tpu.memory_space<semaphore_mem>>
        %dma_wait3A_949 = tpu.memref_squeeze %dma_wait3A_948 : memref<1x!tpu.dma_semaphore, #tpu.memory_space<semaphore_mem>> -> memref<!tpu.dma_semaphore, #tpu.memory_space<semaphore_mem>>
        tpu.wait_indirect_dma semaphore(%dma_wait3A_949 : memref<!tpu.dma_semaphore, #tpu.memory_space<semaphore_mem>>) src(%dma_wait3A_947 : memref<2400000xf32, #tpu.memory_space<hbm>>) dst(%dma_wait3A_942 : memref<128xf32, #tpu.memory_space<vmem>>)
      } else {
      }
      %mul3A_620 = arith.constant 8 : i32
      %mul3A_621 = arith.muli %add3A_503, %mul3A_620 : i32
      %add3A_622 = arith.constant 5 : i32
      %add3A_623 = arith.addi %mul3A_621, %add3A_622 : i32
      %lt3A_624 = arith.cmpi slt, %add3A_623, %select_n3A_7 : i32
      %convert_element_type3A_625 = arith.extui %lt3A_624 : i1 to i32
      %cond3A_626 = arith.constant 0 : i32
      %cond3A_627 = arith.cmpi ne, %convert_element_type3A_625, %cond3A_626 : i32
      scf.if %cond3A_627 {
        %dma_wait3A = arith.constant 1 : i32
        %dma_wait3A_941 = arith.constant 640 : i32
        %dma_wait3A_942 = tpu.memref_slice %arg12[%dma_wait3A_941] : memref<1024xf32, #tpu.memory_space<vmem>> -> memref<128xf32, #tpu.memory_space<vmem>>
        %dma_wait3A_943 = arith.constant 0 : i32
        %dma_wait3A_944 = tpu.memref_slice %arg9[%add3A_623, %dma_wait3A_943] : memref<293x128xi32, #tpu.memory_space<vmem>> -> memref<1x128xi32, #tpu.memory_space<vmem>>
        %dma_wait3A_945 = tpu.memref_squeeze %dma_wait3A_944 : memref<1x128xi32, #tpu.memory_space<vmem>> -> memref<128xi32, #tpu.memory_space<vmem>>
        %dma_wait3A_946 = arith.constant 0 : i32
        %dma_wait3A_947 = tpu.memref_slice %arg3[%dma_wait3A_946] : memref<2400000xf32, #tpu.memory_space<hbm>> -> memref<2400000xf32, #tpu.memory_space<hbm>>
        %dma_wait3A_948 = tpu.memref_slice %arg15[%dma_wait3A] : memref<2x!tpu.dma_semaphore, #tpu.memory_space<semaphore_mem>> -> memref<1x!tpu.dma_semaphore, #tpu.memory_space<semaphore_mem>>
        %dma_wait3A_949 = tpu.memref_squeeze %dma_wait3A_948 : memref<1x!tpu.dma_semaphore, #tpu.memory_space<semaphore_mem>> -> memref<!tpu.dma_semaphore, #tpu.memory_space<semaphore_mem>>
        tpu.wait_indirect_dma semaphore(%dma_wait3A_949 : memref<!tpu.dma_semaphore, #tpu.memory_space<semaphore_mem>>) src(%dma_wait3A_947 : memref<2400000xf32, #tpu.memory_space<hbm>>) dst(%dma_wait3A_942 : memref<128xf32, #tpu.memory_space<vmem>>)
      } else {
      }
      %mul3A_628 = arith.constant 8 : i32
      %mul3A_629 = arith.muli %add3A_503, %mul3A_628 : i32
      %add3A_630 = arith.constant 6 : i32
      %add3A_631 = arith.addi %mul3A_629, %add3A_630 : i32
      %lt3A_632 = arith.cmpi slt, %add3A_631, %select_n3A_7 : i32
      %convert_element_type3A_633 = arith.extui %lt3A_632 : i1 to i32
      %cond3A_634 = arith.constant 0 : i32
      %cond3A_635 = arith.cmpi ne, %convert_element_type3A_633, %cond3A_634 : i32
      scf.if %cond3A_635 {
        %dma_wait3A = arith.constant 1 : i32
        %dma_wait3A_941 = arith.constant 768 : i32
        %dma_wait3A_942 = tpu.memref_slice %arg12[%dma_wait3A_941] : memref<1024xf32, #tpu.memory_space<vmem>> -> memref<128xf32, #tpu.memory_space<vmem>>
        %dma_wait3A_943 = arith.constant 0 : i32
        %dma_wait3A_944 = tpu.memref_slice %arg9[%add3A_631, %dma_wait3A_943] : memref<293x128xi32, #tpu.memory_space<vmem>> -> memref<1x128xi32, #tpu.memory_space<vmem>>
        %dma_wait3A_945 = tpu.memref_squeeze %dma_wait3A_944 : memref<1x128xi32, #tpu.memory_space<vmem>> -> memref<128xi32, #tpu.memory_space<vmem>>
        %dma_wait3A_946 = arith.constant 0 : i32
        %dma_wait3A_947 = tpu.memref_slice %arg3[%dma_wait3A_946] : memref<2400000xf32, #tpu.memory_space<hbm>> -> memref<2400000xf32, #tpu.memory_space<hbm>>
        %dma_wait3A_948 = tpu.memref_slice %arg15[%dma_wait3A] : memref<2x!tpu.dma_semaphore, #tpu.memory_space<semaphore_mem>> -> memref<1x!tpu.dma_semaphore, #tpu.memory_space<semaphore_mem>>
        %dma_wait3A_949 = tpu.memref_squeeze %dma_wait3A_948 : memref<1x!tpu.dma_semaphore, #tpu.memory_space<semaphore_mem>> -> memref<!tpu.dma_semaphore, #tpu.memory_space<semaphore_mem>>
        tpu.wait_indirect_dma semaphore(%dma_wait3A_949 : memref<!tpu.dma_semaphore, #tpu.memory_space<semaphore_mem>>) src(%dma_wait3A_947 : memref<2400000xf32, #tpu.memory_space<hbm>>) dst(%dma_wait3A_942 : memref<128xf32, #tpu.memory_space<vmem>>)
      } else {
      }
      %mul3A_636 = arith.constant 8 : i32
      %mul3A_637 = arith.muli %add3A_503, %mul3A_636 : i32
      %add3A_638 = arith.constant 7 : i32
      %add3A_639 = arith.addi %mul3A_637, %add3A_638 : i32
      %lt3A_640 = arith.cmpi slt, %add3A_639, %select_n3A_7 : i32
      %convert_element_type3A_641 = arith.extui %lt3A_640 : i1 to i32
      %cond3A_642 = arith.constant 0 : i32
      %cond3A_643 = arith.cmpi ne, %convert_element_type3A_641, %cond3A_642 : i32
      scf.if %cond3A_643 {
        %dma_wait3A = arith.constant 1 : i32
        %dma_wait3A_941 = arith.constant 896 : i32
        %dma_wait3A_942 = tpu.memref_slice %arg12[%dma_wait3A_941] : memref<1024xf32, #tpu.memory_space<vmem>> -> memref<128xf32, #tpu.memory_space<vmem>>
        %dma_wait3A_943 = arith.constant 0 : i32
        %dma_wait3A_944 = tpu.memref_slice %arg9[%add3A_639, %dma_wait3A_943] : memref<293x128xi32, #tpu.memory_space<vmem>> -> memref<1x128xi32, #tpu.memory_space<vmem>>
        %dma_wait3A_945 = tpu.memref_squeeze %dma_wait3A_944 : memref<1x128xi32, #tpu.memory_space<vmem>> -> memref<128xi32, #tpu.memory_space<vmem>>
        %dma_wait3A_946 = arith.constant 0 : i32
        %dma_wait3A_947 = tpu.memref_slice %arg3[%dma_wait3A_946] : memref<2400000xf32, #tpu.memory_space<hbm>> -> memref<2400000xf32, #tpu.memory_space<hbm>>
        %dma_wait3A_948 = tpu.memref_slice %arg15[%dma_wait3A] : memref<2x!tpu.dma_semaphore, #tpu.memory_space<semaphore_mem>> -> memref<1x!tpu.dma_semaphore, #tpu.memory_space<semaphore_mem>>
        %dma_wait3A_949 = tpu.memref_squeeze %dma_wait3A_948 : memref<1x!tpu.dma_semaphore, #tpu.memory_space<semaphore_mem>> -> memref<!tpu.dma_semaphore, #tpu.memory_space<semaphore_mem>>
        tpu.wait_indirect_dma semaphore(%dma_wait3A_949 : memref<!tpu.dma_semaphore, #tpu.memory_space<semaphore_mem>>) src(%dma_wait3A_947 : memref<2400000xf32, #tpu.memory_space<hbm>>) dst(%dma_wait3A_942 : memref<128xf32, #tpu.memory_space<vmem>>)
      } else {
      }
      %mul3A_644 = arith.constant 8 : i32
      %mul3A_645 = arith.muli %add3A_503, %mul3A_644 : i32
      %add3A_646 = arith.constant 8 : i32
      %add3A_647 = arith.addi %mul3A_645, %add3A_646 : i32
      %le3A_648 = arith.cmpi sle, %add3A_647, %select_n3A_7 : i32
      %mul3A_649 = arith.constant 8 : i32
      %mul3A_650 = arith.muli %add3A_503, %mul3A_649 : i32
      %lt3A_651 = arith.cmpi slt, %mul3A_650, %select_n3A_7 : i32
      %and3A_652 = arith.andi %lt3A_651, %le3A_648 : i1
      %convert_element_type3A_653 = arith.extui %and3A_652 : i1 to i32
      %cond3A_654 = arith.constant 0 : i32
      %cond3A_655 = arith.cmpi ne, %convert_element_type3A_653, %cond3A_654 : i32
      scf.if %cond3A_655 {
        %mul3A_941 = arith.constant 8 : i32
        %mul3A_942 = arith.muli %add3A_503, %mul3A_941 : i32
        %mul3A_943 = arith.constant 128 : i32
        %mul3A_944 = arith.muli %mul3A_942, %mul3A_943 : i32
        %add3A_945 = arith.addi %mul3A_13, %mul3A_944 : i32
        %dma_start3A = arith.constant 1 : i32
        %dma_start3A_946 = tpu.memref_slice %arg7[%add3A_945] : memref<1200000xf32, #tpu.memory_space<hbm>> -> memref<1024xf32, #tpu.memory_space<hbm>>
        %dma_start3A_947 = tpu.memref_slice %arg16[%dma_start3A] : memref<2x!tpu.dma_semaphore, #tpu.memory_space<semaphore_mem>> -> memref<1x!tpu.dma_semaphore, #tpu.memory_space<semaphore_mem>>
        %dma_start3A_948 = tpu.memref_squeeze %dma_start3A_947 : memref<1x!tpu.dma_semaphore, #tpu.memory_space<semaphore_mem>> -> memref<!tpu.dma_semaphore, #tpu.memory_space<semaphore_mem>>
        %dma_start3A_949 = tpu.memref_slice %arg7[%add3A_945] : memref<1200000xf32, #tpu.memory_space<hbm>> -> memref<1024xf32, #tpu.memory_space<hbm>>
        tpu.enqueue_dma source(%arg12 : memref<1024xf32, #tpu.memory_space<vmem>>) target(%dma_start3A_949 : memref<1024xf32, #tpu.memory_space<hbm>>) target_semaphore(%dma_start3A_948 : memref<!tpu.dma_semaphore, #tpu.memory_space<semaphore_mem>>)
      } else {
      }
      %mul3A_656 = arith.constant 8 : i32
      %mul3A_657 = arith.muli %add3A_503, %mul3A_656 : i32
      %add3A_658 = arith.constant 0 : i32
      %add3A_659 = arith.addi %mul3A_657, %add3A_658 : i32
      %not3A_660 = arith.constant true
      %not3A_661 = arith.xori %le3A_648, %not3A_660 : i1
      %lt3A_662 = arith.cmpi slt, %add3A_659, %select_n3A_7 : i32
      %and3A_663 = arith.andi %not3A_661, %lt3A_662 : i1
      %convert_element_type3A_664 = arith.extui %and3A_663 : i1 to i32
      %cond3A_665 = arith.constant 0 : i32
      %cond3A_666 = arith.cmpi ne, %convert_element_type3A_664, %cond3A_665 : i32
      scf.if %cond3A_666 {
        %mul3A_941 = arith.constant 128 : i32
        %mul3A_942 = arith.muli %add3A_659, %mul3A_941 : i32
        %add3A_943 = arith.addi %mul3A_13, %mul3A_942 : i32
        %dma_start3A = arith.constant 1 : i32
        %dma_start3A_944 = arith.constant 0 : i32
        %dma_start3A_945 = tpu.memref_slice %arg12[%dma_start3A_944] : memref<1024xf32, #tpu.memory_space<vmem>> -> memref<128xf32, #tpu.memory_space<vmem>>
        %dma_start3A_946 = tpu.memref_slice %arg7[%add3A_943] : memref<1200000xf32, #tpu.memory_space<hbm>> -> memref<128xf32, #tpu.memory_space<hbm>>
        %dma_start3A_947 = tpu.memref_slice %arg16[%dma_start3A] : memref<2x!tpu.dma_semaphore, #tpu.memory_space<semaphore_mem>> -> memref<1x!tpu.dma_semaphore, #tpu.memory_space<semaphore_mem>>
        %dma_start3A_948 = tpu.memref_squeeze %dma_start3A_947 : memref<1x!tpu.dma_semaphore, #tpu.memory_space<semaphore_mem>> -> memref<!tpu.dma_semaphore, #tpu.memory_space<semaphore_mem>>
        %dma_start3A_949 = tpu.memref_slice %arg7[%add3A_943] : memref<1200000xf32, #tpu.memory_space<hbm>> -> memref<128xf32, #tpu.memory_space<hbm>>
        %dma_start3A_950 = arith.constant 0 : i32
        %dma_start3A_951 = tpu.memref_slice %arg12[%dma_start3A_950] : memref<1024xf32, #tpu.memory_space<vmem>> -> memref<128xf32, #tpu.memory_space<vmem>>
        tpu.enqueue_dma source(%dma_start3A_951 : memref<128xf32, #tpu.memory_space<vmem>>) target(%dma_start3A_949 : memref<128xf32, #tpu.memory_space<hbm>>) target_semaphore(%dma_start3A_948 : memref<!tpu.dma_semaphore, #tpu.memory_space<semaphore_mem>>)
      } else {
      }
      %mul3A_667 = arith.constant 8 : i32
      %mul3A_668 = arith.muli %add3A_503, %mul3A_667 : i32
      %add3A_669 = arith.constant 1 : i32
      %add3A_670 = arith.addi %mul3A_668, %add3A_669 : i32
      %not3A_671 = arith.constant true
      %not3A_672 = arith.xori %le3A_648, %not3A_671 : i1
      %lt3A_673 = arith.cmpi slt, %add3A_670, %select_n3A_7 : i32
      %and3A_674 = arith.andi %not3A_672, %lt3A_673 : i1
      %convert_element_type3A_675 = arith.extui %and3A_674 : i1 to i32
      %cond3A_676 = arith.constant 0 : i32
      %cond3A_677 = arith.cmpi ne, %convert_element_type3A_675, %cond3A_676 : i32
      scf.if %cond3A_677 {
        %mul3A_941 = arith.constant 128 : i32
        %mul3A_942 = arith.muli %add3A_670, %mul3A_941 : i32
        %add3A_943 = arith.addi %mul3A_13, %mul3A_942 : i32
        %dma_start3A = arith.constant 1 : i32
        %dma_start3A_944 = arith.constant 128 : i32
        %dma_start3A_945 = tpu.memref_slice %arg12[%dma_start3A_944] : memref<1024xf32, #tpu.memory_space<vmem>> -> memref<128xf32, #tpu.memory_space<vmem>>
        %dma_start3A_946 = tpu.memref_slice %arg7[%add3A_943] : memref<1200000xf32, #tpu.memory_space<hbm>> -> memref<128xf32, #tpu.memory_space<hbm>>
        %dma_start3A_947 = tpu.memref_slice %arg16[%dma_start3A] : memref<2x!tpu.dma_semaphore, #tpu.memory_space<semaphore_mem>> -> memref<1x!tpu.dma_semaphore, #tpu.memory_space<semaphore_mem>>
        %dma_start3A_948 = tpu.memref_squeeze %dma_start3A_947 : memref<1x!tpu.dma_semaphore, #tpu.memory_space<semaphore_mem>> -> memref<!tpu.dma_semaphore, #tpu.memory_space<semaphore_mem>>
        %dma_start3A_949 = tpu.memref_slice %arg7[%add3A_943] : memref<1200000xf32, #tpu.memory_space<hbm>> -> memref<128xf32, #tpu.memory_space<hbm>>
        %dma_start3A_950 = arith.constant 128 : i32
        %dma_start3A_951 = tpu.memref_slice %arg12[%dma_start3A_950] : memref<1024xf32, #tpu.memory_space<vmem>> -> memref<128xf32, #tpu.memory_space<vmem>>
        tpu.enqueue_dma source(%dma_start3A_951 : memref<128xf32, #tpu.memory_space<vmem>>) target(%dma_start3A_949 : memref<128xf32, #tpu.memory_space<hbm>>) target_semaphore(%dma_start3A_948 : memref<!tpu.dma_semaphore, #tpu.memory_space<semaphore_mem>>)
      } else {
      }
      %mul3A_678 = arith.constant 8 : i32
      %mul3A_679 = arith.muli %add3A_503, %mul3A_678 : i32
      %add3A_680 = arith.constant 2 : i32
      %add3A_681 = arith.addi %mul3A_679, %add3A_680 : i32
      %not3A_682 = arith.constant true
      %not3A_683 = arith.xori %le3A_648, %not3A_682 : i1
      %lt3A_684 = arith.cmpi slt, %add3A_681, %select_n3A_7 : i32
      %and3A_685 = arith.andi %not3A_683, %lt3A_684 : i1
      %convert_element_type3A_686 = arith.extui %and3A_685 : i1 to i32
      %cond3A_687 = arith.constant 0 : i32
      %cond3A_688 = arith.cmpi ne, %convert_element_type3A_686, %cond3A_687 : i32
      scf.if %cond3A_688 {
        %mul3A_941 = arith.constant 128 : i32
        %mul3A_942 = arith.muli %add3A_681, %mul3A_941 : i32
        %add3A_943 = arith.addi %mul3A_13, %mul3A_942 : i32
        %dma_start3A = arith.constant 1 : i32
        %dma_start3A_944 = arith.constant 256 : i32
        %dma_start3A_945 = tpu.memref_slice %arg12[%dma_start3A_944] : memref<1024xf32, #tpu.memory_space<vmem>> -> memref<128xf32, #tpu.memory_space<vmem>>
        %dma_start3A_946 = tpu.memref_slice %arg7[%add3A_943] : memref<1200000xf32, #tpu.memory_space<hbm>> -> memref<128xf32, #tpu.memory_space<hbm>>
        %dma_start3A_947 = tpu.memref_slice %arg16[%dma_start3A] : memref<2x!tpu.dma_semaphore, #tpu.memory_space<semaphore_mem>> -> memref<1x!tpu.dma_semaphore, #tpu.memory_space<semaphore_mem>>
        %dma_start3A_948 = tpu.memref_squeeze %dma_start3A_947 : memref<1x!tpu.dma_semaphore, #tpu.memory_space<semaphore_mem>> -> memref<!tpu.dma_semaphore, #tpu.memory_space<semaphore_mem>>
        %dma_start3A_949 = tpu.memref_slice %arg7[%add3A_943] : memref<1200000xf32, #tpu.memory_space<hbm>> -> memref<128xf32, #tpu.memory_space<hbm>>
        %dma_start3A_950 = arith.constant 256 : i32
        %dma_start3A_951 = tpu.memref_slice %arg12[%dma_start3A_950] : memref<1024xf32, #tpu.memory_space<vmem>> -> memref<128xf32, #tpu.memory_space<vmem>>
        tpu.enqueue_dma source(%dma_start3A_951 : memref<128xf32, #tpu.memory_space<vmem>>) target(%dma_start3A_949 : memref<128xf32, #tpu.memory_space<hbm>>) target_semaphore(%dma_start3A_948 : memref<!tpu.dma_semaphore, #tpu.memory_space<semaphore_mem>>)
      } else {
      }
      %mul3A_689 = arith.constant 8 : i32
      %mul3A_690 = arith.muli %add3A_503, %mul3A_689 : i32
      %add3A_691 = arith.constant 3 : i32
      %add3A_692 = arith.addi %mul3A_690, %add3A_691 : i32
      %not3A_693 = arith.constant true
      %not3A_694 = arith.xori %le3A_648, %not3A_693 : i1
      %lt3A_695 = arith.cmpi slt, %add3A_692, %select_n3A_7 : i32
      %and3A_696 = arith.andi %not3A_694, %lt3A_695 : i1
      %convert_element_type3A_697 = arith.extui %and3A_696 : i1 to i32
      %cond3A_698 = arith.constant 0 : i32
      %cond3A_699 = arith.cmpi ne, %convert_element_type3A_697, %cond3A_698 : i32
      scf.if %cond3A_699 {
        %mul3A_941 = arith.constant 128 : i32
        %mul3A_942 = arith.muli %add3A_692, %mul3A_941 : i32
        %add3A_943 = arith.addi %mul3A_13, %mul3A_942 : i32
        %dma_start3A = arith.constant 1 : i32
        %dma_start3A_944 = arith.constant 384 : i32
        %dma_start3A_945 = tpu.memref_slice %arg12[%dma_start3A_944] : memref<1024xf32, #tpu.memory_space<vmem>> -> memref<128xf32, #tpu.memory_space<vmem>>
        %dma_start3A_946 = tpu.memref_slice %arg7[%add3A_943] : memref<1200000xf32, #tpu.memory_space<hbm>> -> memref<128xf32, #tpu.memory_space<hbm>>
        %dma_start3A_947 = tpu.memref_slice %arg16[%dma_start3A] : memref<2x!tpu.dma_semaphore, #tpu.memory_space<semaphore_mem>> -> memref<1x!tpu.dma_semaphore, #tpu.memory_space<semaphore_mem>>
        %dma_start3A_948 = tpu.memref_squeeze %dma_start3A_947 : memref<1x!tpu.dma_semaphore, #tpu.memory_space<semaphore_mem>> -> memref<!tpu.dma_semaphore, #tpu.memory_space<semaphore_mem>>
        %dma_start3A_949 = tpu.memref_slice %arg7[%add3A_943] : memref<1200000xf32, #tpu.memory_space<hbm>> -> memref<128xf32, #tpu.memory_space<hbm>>
        %dma_start3A_950 = arith.constant 384 : i32
        %dma_start3A_951 = tpu.memref_slice %arg12[%dma_start3A_950] : memref<1024xf32, #tpu.memory_space<vmem>> -> memref<128xf32, #tpu.memory_space<vmem>>
        tpu.enqueue_dma source(%dma_start3A_951 : memref<128xf32, #tpu.memory_space<vmem>>) target(%dma_start3A_949 : memref<128xf32, #tpu.memory_space<hbm>>) target_semaphore(%dma_start3A_948 : memref<!tpu.dma_semaphore, #tpu.memory_space<semaphore_mem>>)
      } else {
      }
      %mul3A_700 = arith.constant 8 : i32
      %mul3A_701 = arith.muli %add3A_503, %mul3A_700 : i32
      %add3A_702 = arith.constant 4 : i32
      %add3A_703 = arith.addi %mul3A_701, %add3A_702 : i32
      %not3A_704 = arith.constant true
      %not3A_705 = arith.xori %le3A_648, %not3A_704 : i1
      %lt3A_706 = arith.cmpi slt, %add3A_703, %select_n3A_7 : i32
      %and3A_707 = arith.andi %not3A_705, %lt3A_706 : i1
      %convert_element_type3A_708 = arith.extui %and3A_707 : i1 to i32
      %cond3A_709 = arith.constant 0 : i32
      %cond3A_710 = arith.cmpi ne, %convert_element_type3A_708, %cond3A_709 : i32
      scf.if %cond3A_710 {
        %mul3A_941 = arith.constant 128 : i32
        %mul3A_942 = arith.muli %add3A_703, %mul3A_941 : i32
        %add3A_943 = arith.addi %mul3A_13, %mul3A_942 : i32
        %dma_start3A = arith.constant 1 : i32
        %dma_start3A_944 = arith.constant 512 : i32
        %dma_start3A_945 = tpu.memref_slice %arg12[%dma_start3A_944] : memref<1024xf32, #tpu.memory_space<vmem>> -> memref<128xf32, #tpu.memory_space<vmem>>
        %dma_start3A_946 = tpu.memref_slice %arg7[%add3A_943] : memref<1200000xf32, #tpu.memory_space<hbm>> -> memref<128xf32, #tpu.memory_space<hbm>>
        %dma_start3A_947 = tpu.memref_slice %arg16[%dma_start3A] : memref<2x!tpu.dma_semaphore, #tpu.memory_space<semaphore_mem>> -> memref<1x!tpu.dma_semaphore, #tpu.memory_space<semaphore_mem>>
        %dma_start3A_948 = tpu.memref_squeeze %dma_start3A_947 : memref<1x!tpu.dma_semaphore, #tpu.memory_space<semaphore_mem>> -> memref<!tpu.dma_semaphore, #tpu.memory_space<semaphore_mem>>
        %dma_start3A_949 = tpu.memref_slice %arg7[%add3A_943] : memref<1200000xf32, #tpu.memory_space<hbm>> -> memref<128xf32, #tpu.memory_space<hbm>>
        %dma_start3A_950 = arith.constant 512 : i32
        %dma_start3A_951 = tpu.memref_slice %arg12[%dma_start3A_950] : memref<1024xf32, #tpu.memory_space<vmem>> -> memref<128xf32, #tpu.memory_space<vmem>>
        tpu.enqueue_dma source(%dma_start3A_951 : memref<128xf32, #tpu.memory_space<vmem>>) target(%dma_start3A_949 : memref<128xf32, #tpu.memory_space<hbm>>) target_semaphore(%dma_start3A_948 : memref<!tpu.dma_semaphore, #tpu.memory_space<semaphore_mem>>)
      } else {
      }
      %mul3A_711 = arith.constant 8 : i32
      %mul3A_712 = arith.muli %add3A_503, %mul3A_711 : i32
      %add3A_713 = arith.constant 5 : i32
      %add3A_714 = arith.addi %mul3A_712, %add3A_713 : i32
      %not3A_715 = arith.constant true
      %not3A_716 = arith.xori %le3A_648, %not3A_715 : i1
      %lt3A_717 = arith.cmpi slt, %add3A_714, %select_n3A_7 : i32
      %and3A_718 = arith.andi %not3A_716, %lt3A_717 : i1
      %convert_element_type3A_719 = arith.extui %and3A_718 : i1 to i32
      %cond3A_720 = arith.constant 0 : i32
      %cond3A_721 = arith.cmpi ne, %convert_element_type3A_719, %cond3A_720 : i32
      scf.if %cond3A_721 {
        %mul3A_941 = arith.constant 128 : i32
        %mul3A_942 = arith.muli %add3A_714, %mul3A_941 : i32
        %add3A_943 = arith.addi %mul3A_13, %mul3A_942 : i32
        %dma_start3A = arith.constant 1 : i32
        %dma_start3A_944 = arith.constant 640 : i32
        %dma_start3A_945 = tpu.memref_slice %arg12[%dma_start3A_944] : memref<1024xf32, #tpu.memory_space<vmem>> -> memref<128xf32, #tpu.memory_space<vmem>>
        %dma_start3A_946 = tpu.memref_slice %arg7[%add3A_943] : memref<1200000xf32, #tpu.memory_space<hbm>> -> memref<128xf32, #tpu.memory_space<hbm>>
        %dma_start3A_947 = tpu.memref_slice %arg16[%dma_start3A] : memref<2x!tpu.dma_semaphore, #tpu.memory_space<semaphore_mem>> -> memref<1x!tpu.dma_semaphore, #tpu.memory_space<semaphore_mem>>
        %dma_start3A_948 = tpu.memref_squeeze %dma_start3A_947 : memref<1x!tpu.dma_semaphore, #tpu.memory_space<semaphore_mem>> -> memref<!tpu.dma_semaphore, #tpu.memory_space<semaphore_mem>>
        %dma_start3A_949 = tpu.memref_slice %arg7[%add3A_943] : memref<1200000xf32, #tpu.memory_space<hbm>> -> memref<128xf32, #tpu.memory_space<hbm>>
        %dma_start3A_950 = arith.constant 640 : i32
        %dma_start3A_951 = tpu.memref_slice %arg12[%dma_start3A_950] : memref<1024xf32, #tpu.memory_space<vmem>> -> memref<128xf32, #tpu.memory_space<vmem>>
        tpu.enqueue_dma source(%dma_start3A_951 : memref<128xf32, #tpu.memory_space<vmem>>) target(%dma_start3A_949 : memref<128xf32, #tpu.memory_space<hbm>>) target_semaphore(%dma_start3A_948 : memref<!tpu.dma_semaphore, #tpu.memory_space<semaphore_mem>>)
      } else {
      }
      %mul3A_722 = arith.constant 8 : i32
      %mul3A_723 = arith.muli %add3A_503, %mul3A_722 : i32
      %add3A_724 = arith.constant 6 : i32
      %add3A_725 = arith.addi %mul3A_723, %add3A_724 : i32
      %not3A_726 = arith.constant true
      %not3A_727 = arith.xori %le3A_648, %not3A_726 : i1
      %lt3A_728 = arith.cmpi slt, %add3A_725, %select_n3A_7 : i32
      %and3A_729 = arith.andi %not3A_727, %lt3A_728 : i1
      %convert_element_type3A_730 = arith.extui %and3A_729 : i1 to i32
      %cond3A_731 = arith.constant 0 : i32
      %cond3A_732 = arith.cmpi ne, %convert_element_type3A_730, %cond3A_731 : i32
      scf.if %cond3A_732 {
        %mul3A_941 = arith.constant 128 : i32
        %mul3A_942 = arith.muli %add3A_725, %mul3A_941 : i32
        %add3A_943 = arith.addi %mul3A_13, %mul3A_942 : i32
        %dma_start3A = arith.constant 1 : i32
        %dma_start3A_944 = arith.constant 768 : i32
        %dma_start3A_945 = tpu.memref_slice %arg12[%dma_start3A_944] : memref<1024xf32, #tpu.memory_space<vmem>> -> memref<128xf32, #tpu.memory_space<vmem>>
        %dma_start3A_946 = tpu.memref_slice %arg7[%add3A_943] : memref<1200000xf32, #tpu.memory_space<hbm>> -> memref<128xf32, #tpu.memory_space<hbm>>
        %dma_start3A_947 = tpu.memref_slice %arg16[%dma_start3A] : memref<2x!tpu.dma_semaphore, #tpu.memory_space<semaphore_mem>> -> memref<1x!tpu.dma_semaphore, #tpu.memory_space<semaphore_mem>>
        %dma_start3A_948 = tpu.memref_squeeze %dma_start3A_947 : memref<1x!tpu.dma_semaphore, #tpu.memory_space<semaphore_mem>> -> memref<!tpu.dma_semaphore, #tpu.memory_space<semaphore_mem>>
        %dma_start3A_949 = tpu.memref_slice %arg7[%add3A_943] : memref<1200000xf32, #tpu.memory_space<hbm>> -> memref<128xf32, #tpu.memory_space<hbm>>
        %dma_start3A_950 = arith.constant 768 : i32
        %dma_start3A_951 = tpu.memref_slice %arg12[%dma_start3A_950] : memref<1024xf32, #tpu.memory_space<vmem>> -> memref<128xf32, #tpu.memory_space<vmem>>
        tpu.enqueue_dma source(%dma_start3A_951 : memref<128xf32, #tpu.memory_space<vmem>>) target(%dma_start3A_949 : memref<128xf32, #tpu.memory_space<hbm>>) target_semaphore(%dma_start3A_948 : memref<!tpu.dma_semaphore, #tpu.memory_space<semaphore_mem>>)
      } else {
      }
      %mul3A_733 = arith.constant 8 : i32
      %mul3A_734 = arith.muli %add3A_503, %mul3A_733 : i32
      %add3A_735 = arith.constant 7 : i32
      %add3A_736 = arith.addi %mul3A_734, %add3A_735 : i32
      %not3A_737 = arith.constant true
      %not3A_738 = arith.xori %le3A_648, %not3A_737 : i1
      %lt3A_739 = arith.cmpi slt, %add3A_736, %select_n3A_7 : i32
      %and3A_740 = arith.andi %not3A_738, %lt3A_739 : i1
      %convert_element_type3A_741 = arith.extui %and3A_740 : i1 to i32
      %cond3A_742 = arith.constant 0 : i32
      %cond3A_743 = arith.cmpi ne, %convert_element_type3A_741, %cond3A_742 : i32
      scf.if %cond3A_743 {
        %mul3A_941 = arith.constant 128 : i32
        %mul3A_942 = arith.muli %add3A_736, %mul3A_941 : i32
        %add3A_943 = arith.addi %mul3A_13, %mul3A_942 : i32
        %dma_start3A = arith.constant 1 : i32
        %dma_start3A_944 = arith.constant 896 : i32
        %dma_start3A_945 = tpu.memref_slice %arg12[%dma_start3A_944] : memref<1024xf32, #tpu.memory_space<vmem>> -> memref<128xf32, #tpu.memory_space<vmem>>
        %dma_start3A_946 = tpu.memref_slice %arg7[%add3A_943] : memref<1200000xf32, #tpu.memory_space<hbm>> -> memref<128xf32, #tpu.memory_space<hbm>>
        %dma_start3A_947 = tpu.memref_slice %arg16[%dma_start3A] : memref<2x!tpu.dma_semaphore, #tpu.memory_space<semaphore_mem>> -> memref<1x!tpu.dma_semaphore, #tpu.memory_space<semaphore_mem>>
        %dma_start3A_948 = tpu.memref_squeeze %dma_start3A_947 : memref<1x!tpu.dma_semaphore, #tpu.memory_space<semaphore_mem>> -> memref<!tpu.dma_semaphore, #tpu.memory_space<semaphore_mem>>
        %dma_start3A_949 = tpu.memref_slice %arg7[%add3A_943] : memref<1200000xf32, #tpu.memory_space<hbm>> -> memref<128xf32, #tpu.memory_space<hbm>>
        %dma_start3A_950 = arith.constant 896 : i32
        %dma_start3A_951 = tpu.memref_slice %arg12[%dma_start3A_950] : memref<1024xf32, #tpu.memory_space<vmem>> -> memref<128xf32, #tpu.memory_space<vmem>>
        tpu.enqueue_dma source(%dma_start3A_951 : memref<128xf32, #tpu.memory_space<vmem>>) target(%dma_start3A_949 : memref<128xf32, #tpu.memory_space<hbm>>) target_semaphore(%dma_start3A_948 : memref<!tpu.dma_semaphore, #tpu.memory_space<semaphore_mem>>)
      } else {
      }
      %sub3A_744 = arith.constant 1 : i32
      %sub3A_745 = arith.subi %add3A_503, %sub3A_744 : i32
      %mul3A_746 = arith.constant 8 : i32
      %mul3A_747 = arith.muli %sub3A_745, %mul3A_746 : i32
      %add3A_748 = arith.constant 8 : i32
      %add3A_749 = arith.addi %mul3A_747, %add3A_748 : i32
      %le3A_750 = arith.cmpi sle, %add3A_749, %select_n3A_7 : i32
      %ge3A_751 = arith.constant 1 : i32
      %ge3A_752 = arith.cmpi sge, %add3A_503, %ge3A_751 : i32
      %sub3A_753 = arith.constant 1 : i32
      %sub3A_754 = arith.subi %add3A_503, %sub3A_753 : i32
      %mul3A_755 = arith.constant 8 : i32
      %mul3A_756 = arith.muli %sub3A_754, %mul3A_755 : i32
      %lt3A_757 = arith.cmpi slt, %mul3A_756, %select_n3A_7 : i32
      %and3A_758 = arith.andi %ge3A_752, %lt3A_757 : i1
      %and3A_759 = arith.andi %and3A_758, %le3A_750 : i1
      %convert_element_type3A_760 = arith.extui %and3A_759 : i1 to i32
      %cond3A_761 = arith.constant 0 : i32
      %cond3A_762 = arith.cmpi ne, %convert_element_type3A_760, %cond3A_761 : i32
      scf.if %cond3A_762 {
        %sub3A_941 = arith.constant 1 : i32
        %sub3A_942 = arith.subi %add3A_503, %sub3A_941 : i32
        %mul3A_943 = arith.constant 8 : i32
        %mul3A_944 = arith.muli %sub3A_942, %mul3A_943 : i32
        %mul3A_945 = arith.constant 128 : i32
        %mul3A_946 = arith.muli %mul3A_944, %mul3A_945 : i32
        %add3A_947 = arith.addi %mul3A_13, %mul3A_946 : i32
        %dma_wait3A = arith.constant 0 : i32
        %dma_wait3A_948 = tpu.memref_slice %arg7[%add3A_947] : memref<1200000xf32, #tpu.memory_space<hbm>> -> memref<1024xf32, #tpu.memory_space<hbm>>
        %dma_wait3A_949 = tpu.memref_slice %arg16[%dma_wait3A] : memref<2x!tpu.dma_semaphore, #tpu.memory_space<semaphore_mem>> -> memref<1x!tpu.dma_semaphore, #tpu.memory_space<semaphore_mem>>
        %dma_wait3A_950 = tpu.memref_squeeze %dma_wait3A_949 : memref<1x!tpu.dma_semaphore, #tpu.memory_space<semaphore_mem>> -> memref<!tpu.dma_semaphore, #tpu.memory_space<semaphore_mem>>
        %dma_wait3A_951 = tpu.memref_slice %arg7[%add3A_947] : memref<1200000xf32, #tpu.memory_space<hbm>> -> memref<1024xf32, #tpu.memory_space<hbm>>
        tpu.wait_dma2 semaphore(%dma_wait3A_950 : memref<!tpu.dma_semaphore, #tpu.memory_space<semaphore_mem>>) src(%arg11 : memref<1024xf32, #tpu.memory_space<vmem>>) dst(%dma_wait3A_951 : memref<1024xf32, #tpu.memory_space<hbm>>)
      } else {
      }
      %sub3A_763 = arith.constant 1 : i32
      %sub3A_764 = arith.subi %add3A_503, %sub3A_763 : i32
      %mul3A_765 = arith.constant 8 : i32
      %mul3A_766 = arith.muli %sub3A_764, %mul3A_765 : i32
      %add3A_767 = arith.constant 0 : i32
      %add3A_768 = arith.addi %mul3A_766, %add3A_767 : i32
      %not3A_769 = arith.constant true
      %not3A_770 = arith.xori %le3A_750, %not3A_769 : i1
      %and3A_771 = arith.andi %and3A_758, %not3A_770 : i1
      %lt3A_772 = arith.cmpi slt, %add3A_768, %select_n3A_7 : i32
      %and3A_773 = arith.andi %and3A_771, %lt3A_772 : i1
      %convert_element_type3A_774 = arith.extui %and3A_773 : i1 to i32
      %cond3A_775 = arith.constant 0 : i32
      %cond3A_776 = arith.cmpi ne, %convert_element_type3A_774, %cond3A_775 : i32
      scf.if %cond3A_776 {
        %mul3A_941 = arith.constant 128 : i32
        %mul3A_942 = arith.muli %add3A_768, %mul3A_941 : i32
        %add3A_943 = arith.addi %mul3A_13, %mul3A_942 : i32
        %dma_wait3A = arith.constant 0 : i32
        %dma_wait3A_944 = arith.constant 0 : i32
        %dma_wait3A_945 = tpu.memref_slice %arg11[%dma_wait3A_944] : memref<1024xf32, #tpu.memory_space<vmem>> -> memref<128xf32, #tpu.memory_space<vmem>>
        %dma_wait3A_946 = tpu.memref_slice %arg7[%add3A_943] : memref<1200000xf32, #tpu.memory_space<hbm>> -> memref<128xf32, #tpu.memory_space<hbm>>
        %dma_wait3A_947 = tpu.memref_slice %arg16[%dma_wait3A] : memref<2x!tpu.dma_semaphore, #tpu.memory_space<semaphore_mem>> -> memref<1x!tpu.dma_semaphore, #tpu.memory_space<semaphore_mem>>
        %dma_wait3A_948 = tpu.memref_squeeze %dma_wait3A_947 : memref<1x!tpu.dma_semaphore, #tpu.memory_space<semaphore_mem>> -> memref<!tpu.dma_semaphore, #tpu.memory_space<semaphore_mem>>
        %dma_wait3A_949 = tpu.memref_slice %arg7[%add3A_943] : memref<1200000xf32, #tpu.memory_space<hbm>> -> memref<128xf32, #tpu.memory_space<hbm>>
        %dma_wait3A_950 = arith.constant 0 : i32
        %dma_wait3A_951 = tpu.memref_slice %arg11[%dma_wait3A_950] : memref<1024xf32, #tpu.memory_space<vmem>> -> memref<128xf32, #tpu.memory_space<vmem>>
        tpu.wait_dma2 semaphore(%dma_wait3A_948 : memref<!tpu.dma_semaphore, #tpu.memory_space<semaphore_mem>>) src(%dma_wait3A_951 : memref<128xf32, #tpu.memory_space<vmem>>) dst(%dma_wait3A_949 : memref<128xf32, #tpu.memory_space<hbm>>)
      } else {
      }
      %sub3A_777 = arith.constant 1 : i32
      %sub3A_778 = arith.subi %add3A_503, %sub3A_777 : i32
      %mul3A_779 = arith.constant 8 : i32
      %mul3A_780 = arith.muli %sub3A_778, %mul3A_779 : i32
      %add3A_781 = arith.constant 1 : i32
      %add3A_782 = arith.addi %mul3A_780, %add3A_781 : i32
      %not3A_783 = arith.constant true
      %not3A_784 = arith.xori %le3A_750, %not3A_783 : i1
      %and3A_785 = arith.andi %and3A_758, %not3A_784 : i1
      %lt3A_786 = arith.cmpi slt, %add3A_782, %select_n3A_7 : i32
      %and3A_787 = arith.andi %and3A_785, %lt3A_786 : i1
      %convert_element_type3A_788 = arith.extui %and3A_787 : i1 to i32
      %cond3A_789 = arith.constant 0 : i32
      %cond3A_790 = arith.cmpi ne, %convert_element_type3A_788, %cond3A_789 : i32
      scf.if %cond3A_790 {
        %mul3A_941 = arith.constant 128 : i32
        %mul3A_942 = arith.muli %add3A_782, %mul3A_941 : i32
        %add3A_943 = arith.addi %mul3A_13, %mul3A_942 : i32
        %dma_wait3A = arith.constant 0 : i32
        %dma_wait3A_944 = arith.constant 128 : i32
        %dma_wait3A_945 = tpu.memref_slice %arg11[%dma_wait3A_944] : memref<1024xf32, #tpu.memory_space<vmem>> -> memref<128xf32, #tpu.memory_space<vmem>>
        %dma_wait3A_946 = tpu.memref_slice %arg7[%add3A_943] : memref<1200000xf32, #tpu.memory_space<hbm>> -> memref<128xf32, #tpu.memory_space<hbm>>
        %dma_wait3A_947 = tpu.memref_slice %arg16[%dma_wait3A] : memref<2x!tpu.dma_semaphore, #tpu.memory_space<semaphore_mem>> -> memref<1x!tpu.dma_semaphore, #tpu.memory_space<semaphore_mem>>
        %dma_wait3A_948 = tpu.memref_squeeze %dma_wait3A_947 : memref<1x!tpu.dma_semaphore, #tpu.memory_space<semaphore_mem>> -> memref<!tpu.dma_semaphore, #tpu.memory_space<semaphore_mem>>
        %dma_wait3A_949 = tpu.memref_slice %arg7[%add3A_943] : memref<1200000xf32, #tpu.memory_space<hbm>> -> memref<128xf32, #tpu.memory_space<hbm>>
        %dma_wait3A_950 = arith.constant 128 : i32
        %dma_wait3A_951 = tpu.memref_slice %arg11[%dma_wait3A_950] : memref<1024xf32, #tpu.memory_space<vmem>> -> memref<128xf32, #tpu.memory_space<vmem>>
        tpu.wait_dma2 semaphore(%dma_wait3A_948 : memref<!tpu.dma_semaphore, #tpu.memory_space<semaphore_mem>>) src(%dma_wait3A_951 : memref<128xf32, #tpu.memory_space<vmem>>) dst(%dma_wait3A_949 : memref<128xf32, #tpu.memory_space<hbm>>)
      } else {
      }
      %sub3A_791 = arith.constant 1 : i32
      %sub3A_792 = arith.subi %add3A_503, %sub3A_791 : i32
      %mul3A_793 = arith.constant 8 : i32
      %mul3A_794 = arith.muli %sub3A_792, %mul3A_793 : i32
      %add3A_795 = arith.constant 2 : i32
      %add3A_796 = arith.addi %mul3A_794, %add3A_795 : i32
      %not3A_797 = arith.constant true
      %not3A_798 = arith.xori %le3A_750, %not3A_797 : i1
      %and3A_799 = arith.andi %and3A_758, %not3A_798 : i1
      %lt3A_800 = arith.cmpi slt, %add3A_796, %select_n3A_7 : i32
      %and3A_801 = arith.andi %and3A_799, %lt3A_800 : i1
      %convert_element_type3A_802 = arith.extui %and3A_801 : i1 to i32
      %cond3A_803 = arith.constant 0 : i32
      %cond3A_804 = arith.cmpi ne, %convert_element_type3A_802, %cond3A_803 : i32
      scf.if %cond3A_804 {
        %mul3A_941 = arith.constant 128 : i32
        %mul3A_942 = arith.muli %add3A_796, %mul3A_941 : i32
        %add3A_943 = arith.addi %mul3A_13, %mul3A_942 : i32
        %dma_wait3A = arith.constant 0 : i32
        %dma_wait3A_944 = arith.constant 256 : i32
        %dma_wait3A_945 = tpu.memref_slice %arg11[%dma_wait3A_944] : memref<1024xf32, #tpu.memory_space<vmem>> -> memref<128xf32, #tpu.memory_space<vmem>>
        %dma_wait3A_946 = tpu.memref_slice %arg7[%add3A_943] : memref<1200000xf32, #tpu.memory_space<hbm>> -> memref<128xf32, #tpu.memory_space<hbm>>
        %dma_wait3A_947 = tpu.memref_slice %arg16[%dma_wait3A] : memref<2x!tpu.dma_semaphore, #tpu.memory_space<semaphore_mem>> -> memref<1x!tpu.dma_semaphore, #tpu.memory_space<semaphore_mem>>
        %dma_wait3A_948 = tpu.memref_squeeze %dma_wait3A_947 : memref<1x!tpu.dma_semaphore, #tpu.memory_space<semaphore_mem>> -> memref<!tpu.dma_semaphore, #tpu.memory_space<semaphore_mem>>
        %dma_wait3A_949 = tpu.memref_slice %arg7[%add3A_943] : memref<1200000xf32, #tpu.memory_space<hbm>> -> memref<128xf32, #tpu.memory_space<hbm>>
        %dma_wait3A_950 = arith.constant 256 : i32
        %dma_wait3A_951 = tpu.memref_slice %arg11[%dma_wait3A_950] : memref<1024xf32, #tpu.memory_space<vmem>> -> memref<128xf32, #tpu.memory_space<vmem>>
        tpu.wait_dma2 semaphore(%dma_wait3A_948 : memref<!tpu.dma_semaphore, #tpu.memory_space<semaphore_mem>>) src(%dma_wait3A_951 : memref<128xf32, #tpu.memory_space<vmem>>) dst(%dma_wait3A_949 : memref<128xf32, #tpu.memory_space<hbm>>)
      } else {
      }
      %sub3A_805 = arith.constant 1 : i32
      %sub3A_806 = arith.subi %add3A_503, %sub3A_805 : i32
      %mul3A_807 = arith.constant 8 : i32
      %mul3A_808 = arith.muli %sub3A_806, %mul3A_807 : i32
      %add3A_809 = arith.constant 3 : i32
      %add3A_810 = arith.addi %mul3A_808, %add3A_809 : i32
      %not3A_811 = arith.constant true
      %not3A_812 = arith.xori %le3A_750, %not3A_811 : i1
      %and3A_813 = arith.andi %and3A_758, %not3A_812 : i1
      %lt3A_814 = arith.cmpi slt, %add3A_810, %select_n3A_7 : i32
      %and3A_815 = arith.andi %and3A_813, %lt3A_814 : i1
      %convert_element_type3A_816 = arith.extui %and3A_815 : i1 to i32
      %cond3A_817 = arith.constant 0 : i32
      %cond3A_818 = arith.cmpi ne, %convert_element_type3A_816, %cond3A_817 : i32
      scf.if %cond3A_818 {
        %mul3A_941 = arith.constant 128 : i32
        %mul3A_942 = arith.muli %add3A_810, %mul3A_941 : i32
        %add3A_943 = arith.addi %mul3A_13, %mul3A_942 : i32
        %dma_wait3A = arith.constant 0 : i32
        %dma_wait3A_944 = arith.constant 384 : i32
        %dma_wait3A_945 = tpu.memref_slice %arg11[%dma_wait3A_944] : memref<1024xf32, #tpu.memory_space<vmem>> -> memref<128xf32, #tpu.memory_space<vmem>>
        %dma_wait3A_946 = tpu.memref_slice %arg7[%add3A_943] : memref<1200000xf32, #tpu.memory_space<hbm>> -> memref<128xf32, #tpu.memory_space<hbm>>
        %dma_wait3A_947 = tpu.memref_slice %arg16[%dma_wait3A] : memref<2x!tpu.dma_semaphore, #tpu.memory_space<semaphore_mem>> -> memref<1x!tpu.dma_semaphore, #tpu.memory_space<semaphore_mem>>
        %dma_wait3A_948 = tpu.memref_squeeze %dma_wait3A_947 : memref<1x!tpu.dma_semaphore, #tpu.memory_space<semaphore_mem>> -> memref<!tpu.dma_semaphore, #tpu.memory_space<semaphore_mem>>
        %dma_wait3A_949 = tpu.memref_slice %arg7[%add3A_943] : memref<1200000xf32, #tpu.memory_space<hbm>> -> memref<128xf32, #tpu.memory_space<hbm>>
        %dma_wait3A_950 = arith.constant 384 : i32
        %dma_wait3A_951 = tpu.memref_slice %arg11[%dma_wait3A_950] : memref<1024xf32, #tpu.memory_space<vmem>> -> memref<128xf32, #tpu.memory_space<vmem>>
        tpu.wait_dma2 semaphore(%dma_wait3A_948 : memref<!tpu.dma_semaphore, #tpu.memory_space<semaphore_mem>>) src(%dma_wait3A_951 : memref<128xf32, #tpu.memory_space<vmem>>) dst(%dma_wait3A_949 : memref<128xf32, #tpu.memory_space<hbm>>)
      } else {
      }
      %sub3A_819 = arith.constant 1 : i32
      %sub3A_820 = arith.subi %add3A_503, %sub3A_819 : i32
      %mul3A_821 = arith.constant 8 : i32
      %mul3A_822 = arith.muli %sub3A_820, %mul3A_821 : i32
      %add3A_823 = arith.constant 4 : i32
      %add3A_824 = arith.addi %mul3A_822, %add3A_823 : i32
      %not3A_825 = arith.constant true
      %not3A_826 = arith.xori %le3A_750, %not3A_825 : i1
      %and3A_827 = arith.andi %and3A_758, %not3A_826 : i1
      %lt3A_828 = arith.cmpi slt, %add3A_824, %select_n3A_7 : i32
      %and3A_829 = arith.andi %and3A_827, %lt3A_828 : i1
      %convert_element_type3A_830 = arith.extui %and3A_829 : i1 to i32
      %cond3A_831 = arith.constant 0 : i32
      %cond3A_832 = arith.cmpi ne, %convert_element_type3A_830, %cond3A_831 : i32
      scf.if %cond3A_832 {
        %mul3A_941 = arith.constant 128 : i32
        %mul3A_942 = arith.muli %add3A_824, %mul3A_941 : i32
        %add3A_943 = arith.addi %mul3A_13, %mul3A_942 : i32
        %dma_wait3A = arith.constant 0 : i32
        %dma_wait3A_944 = arith.constant 512 : i32
        %dma_wait3A_945 = tpu.memref_slice %arg11[%dma_wait3A_944] : memref<1024xf32, #tpu.memory_space<vmem>> -> memref<128xf32, #tpu.memory_space<vmem>>
        %dma_wait3A_946 = tpu.memref_slice %arg7[%add3A_943] : memref<1200000xf32, #tpu.memory_space<hbm>> -> memref<128xf32, #tpu.memory_space<hbm>>
        %dma_wait3A_947 = tpu.memref_slice %arg16[%dma_wait3A] : memref<2x!tpu.dma_semaphore, #tpu.memory_space<semaphore_mem>> -> memref<1x!tpu.dma_semaphore, #tpu.memory_space<semaphore_mem>>
        %dma_wait3A_948 = tpu.memref_squeeze %dma_wait3A_947 : memref<1x!tpu.dma_semaphore, #tpu.memory_space<semaphore_mem>> -> memref<!tpu.dma_semaphore, #tpu.memory_space<semaphore_mem>>
        %dma_wait3A_949 = tpu.memref_slice %arg7[%add3A_943] : memref<1200000xf32, #tpu.memory_space<hbm>> -> memref<128xf32, #tpu.memory_space<hbm>>
        %dma_wait3A_950 = arith.constant 512 : i32
        %dma_wait3A_951 = tpu.memref_slice %arg11[%dma_wait3A_950] : memref<1024xf32, #tpu.memory_space<vmem>> -> memref<128xf32, #tpu.memory_space<vmem>>
        tpu.wait_dma2 semaphore(%dma_wait3A_948 : memref<!tpu.dma_semaphore, #tpu.memory_space<semaphore_mem>>) src(%dma_wait3A_951 : memref<128xf32, #tpu.memory_space<vmem>>) dst(%dma_wait3A_949 : memref<128xf32, #tpu.memory_space<hbm>>)
      } else {
      }
      %sub3A_833 = arith.constant 1 : i32
      %sub3A_834 = arith.subi %add3A_503, %sub3A_833 : i32
      %mul3A_835 = arith.constant 8 : i32
      %mul3A_836 = arith.muli %sub3A_834, %mul3A_835 : i32
      %add3A_837 = arith.constant 5 : i32
      %add3A_838 = arith.addi %mul3A_836, %add3A_837 : i32
      %not3A_839 = arith.constant true
      %not3A_840 = arith.xori %le3A_750, %not3A_839 : i1
      %and3A_841 = arith.andi %and3A_758, %not3A_840 : i1
      %lt3A_842 = arith.cmpi slt, %add3A_838, %select_n3A_7 : i32
      %and3A_843 = arith.andi %and3A_841, %lt3A_842 : i1
      %convert_element_type3A_844 = arith.extui %and3A_843 : i1 to i32
      %cond3A_845 = arith.constant 0 : i32
      %cond3A_846 = arith.cmpi ne, %convert_element_type3A_844, %cond3A_845 : i32
      scf.if %cond3A_846 {
        %mul3A_941 = arith.constant 128 : i32
        %mul3A_942 = arith.muli %add3A_838, %mul3A_941 : i32
        %add3A_943 = arith.addi %mul3A_13, %mul3A_942 : i32
        %dma_wait3A = arith.constant 0 : i32
        %dma_wait3A_944 = arith.constant 640 : i32
        %dma_wait3A_945 = tpu.memref_slice %arg11[%dma_wait3A_944] : memref<1024xf32, #tpu.memory_space<vmem>> -> memref<128xf32, #tpu.memory_space<vmem>>
        %dma_wait3A_946 = tpu.memref_slice %arg7[%add3A_943] : memref<1200000xf32, #tpu.memory_space<hbm>> -> memref<128xf32, #tpu.memory_space<hbm>>
        %dma_wait3A_947 = tpu.memref_slice %arg16[%dma_wait3A] : memref<2x!tpu.dma_semaphore, #tpu.memory_space<semaphore_mem>> -> memref<1x!tpu.dma_semaphore, #tpu.memory_space<semaphore_mem>>
        %dma_wait3A_948 = tpu.memref_squeeze %dma_wait3A_947 : memref<1x!tpu.dma_semaphore, #tpu.memory_space<semaphore_mem>> -> memref<!tpu.dma_semaphore, #tpu.memory_space<semaphore_mem>>
        %dma_wait3A_949 = tpu.memref_slice %arg7[%add3A_943] : memref<1200000xf32, #tpu.memory_space<hbm>> -> memref<128xf32, #tpu.memory_space<hbm>>
        %dma_wait3A_950 = arith.constant 640 : i32
        %dma_wait3A_951 = tpu.memref_slice %arg11[%dma_wait3A_950] : memref<1024xf32, #tpu.memory_space<vmem>> -> memref<128xf32, #tpu.memory_space<vmem>>
        tpu.wait_dma2 semaphore(%dma_wait3A_948 : memref<!tpu.dma_semaphore, #tpu.memory_space<semaphore_mem>>) src(%dma_wait3A_951 : memref<128xf32, #tpu.memory_space<vmem>>) dst(%dma_wait3A_949 : memref<128xf32, #tpu.memory_space<hbm>>)
      } else {
      }
      %sub3A_847 = arith.constant 1 : i32
      %sub3A_848 = arith.subi %add3A_503, %sub3A_847 : i32
      %mul3A_849 = arith.constant 8 : i32
      %mul3A_850 = arith.muli %sub3A_848, %mul3A_849 : i32
      %add3A_851 = arith.constant 6 : i32
      %add3A_852 = arith.addi %mul3A_850, %add3A_851 : i32
      %not3A_853 = arith.constant true
      %not3A_854 = arith.xori %le3A_750, %not3A_853 : i1
      %and3A_855 = arith.andi %and3A_758, %not3A_854 : i1
      %lt3A_856 = arith.cmpi slt, %add3A_852, %select_n3A_7 : i32
      %and3A_857 = arith.andi %and3A_855, %lt3A_856 : i1
      %convert_element_type3A_858 = arith.extui %and3A_857 : i1 to i32
      %cond3A_859 = arith.constant 0 : i32
      %cond3A_860 = arith.cmpi ne, %convert_element_type3A_858, %cond3A_859 : i32
      scf.if %cond3A_860 {
        %mul3A_941 = arith.constant 128 : i32
        %mul3A_942 = arith.muli %add3A_852, %mul3A_941 : i32
        %add3A_943 = arith.addi %mul3A_13, %mul3A_942 : i32
        %dma_wait3A = arith.constant 0 : i32
        %dma_wait3A_944 = arith.constant 768 : i32
        %dma_wait3A_945 = tpu.memref_slice %arg11[%dma_wait3A_944] : memref<1024xf32, #tpu.memory_space<vmem>> -> memref<128xf32, #tpu.memory_space<vmem>>
        %dma_wait3A_946 = tpu.memref_slice %arg7[%add3A_943] : memref<1200000xf32, #tpu.memory_space<hbm>> -> memref<128xf32, #tpu.memory_space<hbm>>
        %dma_wait3A_947 = tpu.memref_slice %arg16[%dma_wait3A] : memref<2x!tpu.dma_semaphore, #tpu.memory_space<semaphore_mem>> -> memref<1x!tpu.dma_semaphore, #tpu.memory_space<semaphore_mem>>
        %dma_wait3A_948 = tpu.memref_squeeze %dma_wait3A_947 : memref<1x!tpu.dma_semaphore, #tpu.memory_space<semaphore_mem>> -> memref<!tpu.dma_semaphore, #tpu.memory_space<semaphore_mem>>
        %dma_wait3A_949 = tpu.memref_slice %arg7[%add3A_943] : memref<1200000xf32, #tpu.memory_space<hbm>> -> memref<128xf32, #tpu.memory_space<hbm>>
        %dma_wait3A_950 = arith.constant 768 : i32
        %dma_wait3A_951 = tpu.memref_slice %arg11[%dma_wait3A_950] : memref<1024xf32, #tpu.memory_space<vmem>> -> memref<128xf32, #tpu.memory_space<vmem>>
        tpu.wait_dma2 semaphore(%dma_wait3A_948 : memref<!tpu.dma_semaphore, #tpu.memory_space<semaphore_mem>>) src(%dma_wait3A_951 : memref<128xf32, #tpu.memory_space<vmem>>) dst(%dma_wait3A_949 : memref<128xf32, #tpu.memory_space<hbm>>)
      } else {
      }
      %sub3A_861 = arith.constant 1 : i32
      %sub3A_862 = arith.subi %add3A_503, %sub3A_861 : i32
      %mul3A_863 = arith.constant 8 : i32
      %mul3A_864 = arith.muli %sub3A_862, %mul3A_863 : i32
      %add3A_865 = arith.constant 7 : i32
      %add3A_866 = arith.addi %mul3A_864, %add3A_865 : i32
      %not3A_867 = arith.constant true
      %not3A_868 = arith.xori %le3A_750, %not3A_867 : i1
      %and3A_869 = arith.andi %and3A_758, %not3A_868 : i1
      %lt3A_870 = arith.cmpi slt, %add3A_866, %select_n3A_7 : i32
      %and3A_871 = arith.andi %and3A_869, %lt3A_870 : i1
      %convert_element_type3A_872 = arith.extui %and3A_871 : i1 to i32
      %cond3A_873 = arith.constant 0 : i32
      %cond3A_874 = arith.cmpi ne, %convert_element_type3A_872, %cond3A_873 : i32
      scf.if %cond3A_874 {
        %mul3A_941 = arith.constant 128 : i32
        %mul3A_942 = arith.muli %add3A_866, %mul3A_941 : i32
        %add3A_943 = arith.addi %mul3A_13, %mul3A_942 : i32
        %dma_wait3A = arith.constant 0 : i32
        %dma_wait3A_944 = arith.constant 896 : i32
        %dma_wait3A_945 = tpu.memref_slice %arg11[%dma_wait3A_944] : memref<1024xf32, #tpu.memory_space<vmem>> -> memref<128xf32, #tpu.memory_space<vmem>>
        %dma_wait3A_946 = tpu.memref_slice %arg7[%add3A_943] : memref<1200000xf32, #tpu.memory_space<hbm>> -> memref<128xf32, #tpu.memory_space<hbm>>
        %dma_wait3A_947 = tpu.memref_slice %arg16[%dma_wait3A] : memref<2x!tpu.dma_semaphore, #tpu.memory_space<semaphore_mem>> -> memref<1x!tpu.dma_semaphore, #tpu.memory_space<semaphore_mem>>
        %dma_wait3A_948 = tpu.memref_squeeze %dma_wait3A_947 : memref<1x!tpu.dma_semaphore, #tpu.memory_space<semaphore_mem>> -> memref<!tpu.dma_semaphore, #tpu.memory_space<semaphore_mem>>
        %dma_wait3A_949 = tpu.memref_slice %arg7[%add3A_943] : memref<1200000xf32, #tpu.memory_space<hbm>> -> memref<128xf32, #tpu.memory_space<hbm>>
        %dma_wait3A_950 = arith.constant 896 : i32
        %dma_wait3A_951 = tpu.memref_slice %arg11[%dma_wait3A_950] : memref<1024xf32, #tpu.memory_space<vmem>> -> memref<128xf32, #tpu.memory_space<vmem>>
        tpu.wait_dma2 semaphore(%dma_wait3A_948 : memref<!tpu.dma_semaphore, #tpu.memory_space<semaphore_mem>>) src(%dma_wait3A_951 : memref<128xf32, #tpu.memory_space<vmem>>) dst(%dma_wait3A_949 : memref<128xf32, #tpu.memory_space<hbm>>)
      } else {
      }
      %add3A_875 = arith.constant 1 : i32
      %add3A_876 = arith.addi %add3A_503, %add3A_875 : i32
      %mul3A_877 = arith.constant 8 : i32
      %mul3A_878 = arith.muli %add3A_876, %mul3A_877 : i32
      %add3A_879 = arith.constant 0 : i32
      %add3A_880 = arith.addi %mul3A_878, %add3A_879 : i32
      %lt3A_881 = arith.cmpi slt, %add3A_880, %select_n3A_7 : i32
      %convert_element_type3A_882 = arith.extui %lt3A_881 : i1 to i32
      %cond3A_883 = arith.constant 0 : i32
      %cond3A_884 = arith.cmpi ne, %convert_element_type3A_882, %cond3A_883 : i32
      scf.if %cond3A_884 {
        %dma_start3A = arith.constant 0 : i32
        %dma_start3A_941 = arith.constant 0 : i32
        %dma_start3A_942 = tpu.memref_slice %arg11[%dma_start3A_941] : memref<1024xf32, #tpu.memory_space<vmem>> -> memref<128xf32, #tpu.memory_space<vmem>>
        %dma_start3A_943 = arith.constant 0 : i32
        %dma_start3A_944 = tpu.memref_slice %arg9[%add3A_880, %dma_start3A_943] : memref<293x128xi32, #tpu.memory_space<vmem>> -> memref<1x128xi32, #tpu.memory_space<vmem>>
        %dma_start3A_945 = tpu.memref_squeeze %dma_start3A_944 : memref<1x128xi32, #tpu.memory_space<vmem>> -> memref<128xi32, #tpu.memory_space<vmem>>
        %dma_start3A_946 = arith.constant 0 : i32
        %dma_start3A_947 = tpu.memref_slice %arg3[%dma_start3A_946] : memref<2400000xf32, #tpu.memory_space<hbm>> -> memref<2400000xf32, #tpu.memory_space<hbm>>
        %dma_start3A_948 = tpu.memref_slice %arg15[%dma_start3A] : memref<2x!tpu.dma_semaphore, #tpu.memory_space<semaphore_mem>> -> memref<1x!tpu.dma_semaphore, #tpu.memory_space<semaphore_mem>>
        %dma_start3A_949 = tpu.memref_squeeze %dma_start3A_948 : memref<1x!tpu.dma_semaphore, #tpu.memory_space<semaphore_mem>> -> memref<!tpu.dma_semaphore, #tpu.memory_space<semaphore_mem>>
        tpu.enqueue_indirect_dma source(%dma_start3A_947 : memref<2400000xf32, #tpu.memory_space<hbm>>) target(%dma_start3A_942 : memref<128xf32, #tpu.memory_space<vmem>>) offsets(%dma_start3A_945 : memref<128xi32, #tpu.memory_space<vmem>>) semaphore(%dma_start3A_949 : memref<!tpu.dma_semaphore, #tpu.memory_space<semaphore_mem>>)
      } else {
      }
      %mul3A_885 = arith.constant 8 : i32
      %mul3A_886 = arith.muli %add3A_876, %mul3A_885 : i32
      %add3A_887 = arith.constant 1 : i32
      %add3A_888 = arith.addi %mul3A_886, %add3A_887 : i32
      %lt3A_889 = arith.cmpi slt, %add3A_888, %select_n3A_7 : i32
      %convert_element_type3A_890 = arith.extui %lt3A_889 : i1 to i32
      %cond3A_891 = arith.constant 0 : i32
      %cond3A_892 = arith.cmpi ne, %convert_element_type3A_890, %cond3A_891 : i32
      scf.if %cond3A_892 {
        %dma_start3A = arith.constant 0 : i32
        %dma_start3A_941 = arith.constant 128 : i32
        %dma_start3A_942 = tpu.memref_slice %arg11[%dma_start3A_941] : memref<1024xf32, #tpu.memory_space<vmem>> -> memref<128xf32, #tpu.memory_space<vmem>>
        %dma_start3A_943 = arith.constant 0 : i32
        %dma_start3A_944 = tpu.memref_slice %arg9[%add3A_888, %dma_start3A_943] : memref<293x128xi32, #tpu.memory_space<vmem>> -> memref<1x128xi32, #tpu.memory_space<vmem>>
        %dma_start3A_945 = tpu.memref_squeeze %dma_start3A_944 : memref<1x128xi32, #tpu.memory_space<vmem>> -> memref<128xi32, #tpu.memory_space<vmem>>
        %dma_start3A_946 = arith.constant 0 : i32
        %dma_start3A_947 = tpu.memref_slice %arg3[%dma_start3A_946] : memref<2400000xf32, #tpu.memory_space<hbm>> -> memref<2400000xf32, #tpu.memory_space<hbm>>
        %dma_start3A_948 = tpu.memref_slice %arg15[%dma_start3A] : memref<2x!tpu.dma_semaphore, #tpu.memory_space<semaphore_mem>> -> memref<1x!tpu.dma_semaphore, #tpu.memory_space<semaphore_mem>>
        %dma_start3A_949 = tpu.memref_squeeze %dma_start3A_948 : memref<1x!tpu.dma_semaphore, #tpu.memory_space<semaphore_mem>> -> memref<!tpu.dma_semaphore, #tpu.memory_space<semaphore_mem>>
        tpu.enqueue_indirect_dma source(%dma_start3A_947 : memref<2400000xf32, #tpu.memory_space<hbm>>) target(%dma_start3A_942 : memref<128xf32, #tpu.memory_space<vmem>>) offsets(%dma_start3A_945 : memref<128xi32, #tpu.memory_space<vmem>>) semaphore(%dma_start3A_949 : memref<!tpu.dma_semaphore, #tpu.memory_space<semaphore_mem>>)
      } else {
      }
      %mul3A_893 = arith.constant 8 : i32
      %mul3A_894 = arith.muli %add3A_876, %mul3A_893 : i32
      %add3A_895 = arith.constant 2 : i32
      %add3A_896 = arith.addi %mul3A_894, %add3A_895 : i32
      %lt3A_897 = arith.cmpi slt, %add3A_896, %select_n3A_7 : i32
      %convert_element_type3A_898 = arith.extui %lt3A_897 : i1 to i32
      %cond3A_899 = arith.constant 0 : i32
      %cond3A_900 = arith.cmpi ne, %convert_element_type3A_898, %cond3A_899 : i32
      scf.if %cond3A_900 {
        %dma_start3A = arith.constant 0 : i32
        %dma_start3A_941 = arith.constant 256 : i32
        %dma_start3A_942 = tpu.memref_slice %arg11[%dma_start3A_941] : memref<1024xf32, #tpu.memory_space<vmem>> -> memref<128xf32, #tpu.memory_space<vmem>>
        %dma_start3A_943 = arith.constant 0 : i32
        %dma_start3A_944 = tpu.memref_slice %arg9[%add3A_896, %dma_start3A_943] : memref<293x128xi32, #tpu.memory_space<vmem>> -> memref<1x128xi32, #tpu.memory_space<vmem>>
        %dma_start3A_945 = tpu.memref_squeeze %dma_start3A_944 : memref<1x128xi32, #tpu.memory_space<vmem>> -> memref<128xi32, #tpu.memory_space<vmem>>
        %dma_start3A_946 = arith.constant 0 : i32
        %dma_start3A_947 = tpu.memref_slice %arg3[%dma_start3A_946] : memref<2400000xf32, #tpu.memory_space<hbm>> -> memref<2400000xf32, #tpu.memory_space<hbm>>
        %dma_start3A_948 = tpu.memref_slice %arg15[%dma_start3A] : memref<2x!tpu.dma_semaphore, #tpu.memory_space<semaphore_mem>> -> memref<1x!tpu.dma_semaphore, #tpu.memory_space<semaphore_mem>>
        %dma_start3A_949 = tpu.memref_squeeze %dma_start3A_948 : memref<1x!tpu.dma_semaphore, #tpu.memory_space<semaphore_mem>> -> memref<!tpu.dma_semaphore, #tpu.memory_space<semaphore_mem>>
        tpu.enqueue_indirect_dma source(%dma_start3A_947 : memref<2400000xf32, #tpu.memory_space<hbm>>) target(%dma_start3A_942 : memref<128xf32, #tpu.memory_space<vmem>>) offsets(%dma_start3A_945 : memref<128xi32, #tpu.memory_space<vmem>>) semaphore(%dma_start3A_949 : memref<!tpu.dma_semaphore, #tpu.memory_space<semaphore_mem>>)
      } else {
      }
      %mul3A_901 = arith.constant 8 : i32
      %mul3A_902 = arith.muli %add3A_876, %mul3A_901 : i32
      %add3A_903 = arith.constant 3 : i32
      %add3A_904 = arith.addi %mul3A_902, %add3A_903 : i32
      %lt3A_905 = arith.cmpi slt, %add3A_904, %select_n3A_7 : i32
      %convert_element_type3A_906 = arith.extui %lt3A_905 : i1 to i32
      %cond3A_907 = arith.constant 0 : i32
      %cond3A_908 = arith.cmpi ne, %convert_element_type3A_906, %cond3A_907 : i32
      scf.if %cond3A_908 {
        %dma_start3A = arith.constant 0 : i32
        %dma_start3A_941 = arith.constant 384 : i32
        %dma_start3A_942 = tpu.memref_slice %arg11[%dma_start3A_941] : memref<1024xf32, #tpu.memory_space<vmem>> -> memref<128xf32, #tpu.memory_space<vmem>>
        %dma_start3A_943 = arith.constant 0 : i32
        %dma_start3A_944 = tpu.memref_slice %arg9[%add3A_904, %dma_start3A_943] : memref<293x128xi32, #tpu.memory_space<vmem>> -> memref<1x128xi32, #tpu.memory_space<vmem>>
        %dma_start3A_945 = tpu.memref_squeeze %dma_start3A_944 : memref<1x128xi32, #tpu.memory_space<vmem>> -> memref<128xi32, #tpu.memory_space<vmem>>
        %dma_start3A_946 = arith.constant 0 : i32
        %dma_start3A_947 = tpu.memref_slice %arg3[%dma_start3A_946] : memref<2400000xf32, #tpu.memory_space<hbm>> -> memref<2400000xf32, #tpu.memory_space<hbm>>
        %dma_start3A_948 = tpu.memref_slice %arg15[%dma_start3A] : memref<2x!tpu.dma_semaphore, #tpu.memory_space<semaphore_mem>> -> memref<1x!tpu.dma_semaphore, #tpu.memory_space<semaphore_mem>>
        %dma_start3A_949 = tpu.memref_squeeze %dma_start3A_948 : memref<1x!tpu.dma_semaphore, #tpu.memory_space<semaphore_mem>> -> memref<!tpu.dma_semaphore, #tpu.memory_space<semaphore_mem>>
        tpu.enqueue_indirect_dma source(%dma_start3A_947 : memref<2400000xf32, #tpu.memory_space<hbm>>) target(%dma_start3A_942 : memref<128xf32, #tpu.memory_space<vmem>>) offsets(%dma_start3A_945 : memref<128xi32, #tpu.memory_space<vmem>>) semaphore(%dma_start3A_949 : memref<!tpu.dma_semaphore, #tpu.memory_space<semaphore_mem>>)
      } else {
      }
      %mul3A_909 = arith.constant 8 : i32
      %mul3A_910 = arith.muli %add3A_876, %mul3A_909 : i32
      %add3A_911 = arith.constant 4 : i32
      %add3A_912 = arith.addi %mul3A_910, %add3A_911 : i32
      %lt3A_913 = arith.cmpi slt, %add3A_912, %select_n3A_7 : i32
      %convert_element_type3A_914 = arith.extui %lt3A_913 : i1 to i32
      %cond3A_915 = arith.constant 0 : i32
      %cond3A_916 = arith.cmpi ne, %convert_element_type3A_914, %cond3A_915 : i32
      scf.if %cond3A_916 {
        %dma_start3A = arith.constant 0 : i32
        %dma_start3A_941 = arith.constant 512 : i32
        %dma_start3A_942 = tpu.memref_slice %arg11[%dma_start3A_941] : memref<1024xf32, #tpu.memory_space<vmem>> -> memref<128xf32, #tpu.memory_space<vmem>>
        %dma_start3A_943 = arith.constant 0 : i32
        %dma_start3A_944 = tpu.memref_slice %arg9[%add3A_912, %dma_start3A_943] : memref<293x128xi32, #tpu.memory_space<vmem>> -> memref<1x128xi32, #tpu.memory_space<vmem>>
        %dma_start3A_945 = tpu.memref_squeeze %dma_start3A_944 : memref<1x128xi32, #tpu.memory_space<vmem>> -> memref<128xi32, #tpu.memory_space<vmem>>
        %dma_start3A_946 = arith.constant 0 : i32
        %dma_start3A_947 = tpu.memref_slice %arg3[%dma_start3A_946] : memref<2400000xf32, #tpu.memory_space<hbm>> -> memref<2400000xf32, #tpu.memory_space<hbm>>
        %dma_start3A_948 = tpu.memref_slice %arg15[%dma_start3A] : memref<2x!tpu.dma_semaphore, #tpu.memory_space<semaphore_mem>> -> memref<1x!tpu.dma_semaphore, #tpu.memory_space<semaphore_mem>>
        %dma_start3A_949 = tpu.memref_squeeze %dma_start3A_948 : memref<1x!tpu.dma_semaphore, #tpu.memory_space<semaphore_mem>> -> memref<!tpu.dma_semaphore, #tpu.memory_space<semaphore_mem>>
        tpu.enqueue_indirect_dma source(%dma_start3A_947 : memref<2400000xf32, #tpu.memory_space<hbm>>) target(%dma_start3A_942 : memref<128xf32, #tpu.memory_space<vmem>>) offsets(%dma_start3A_945 : memref<128xi32, #tpu.memory_space<vmem>>) semaphore(%dma_start3A_949 : memref<!tpu.dma_semaphore, #tpu.memory_space<semaphore_mem>>)
      } else {
      }
      %mul3A_917 = arith.constant 8 : i32
      %mul3A_918 = arith.muli %add3A_876, %mul3A_917 : i32
      %add3A_919 = arith.constant 5 : i32
      %add3A_920 = arith.addi %mul3A_918, %add3A_919 : i32
      %lt3A_921 = arith.cmpi slt, %add3A_920, %select_n3A_7 : i32
      %convert_element_type3A_922 = arith.extui %lt3A_921 : i1 to i32
      %cond3A_923 = arith.constant 0 : i32
      %cond3A_924 = arith.cmpi ne, %convert_element_type3A_922, %cond3A_923 : i32
      scf.if %cond3A_924 {
        %dma_start3A = arith.constant 0 : i32
        %dma_start3A_941 = arith.constant 640 : i32
        %dma_start3A_942 = tpu.memref_slice %arg11[%dma_start3A_941] : memref<1024xf32, #tpu.memory_space<vmem>> -> memref<128xf32, #tpu.memory_space<vmem>>
        %dma_start3A_943 = arith.constant 0 : i32
        %dma_start3A_944 = tpu.memref_slice %arg9[%add3A_920, %dma_start3A_943] : memref<293x128xi32, #tpu.memory_space<vmem>> -> memref<1x128xi32, #tpu.memory_space<vmem>>
        %dma_start3A_945 = tpu.memref_squeeze %dma_start3A_944 : memref<1x128xi32, #tpu.memory_space<vmem>> -> memref<128xi32, #tpu.memory_space<vmem>>
        %dma_start3A_946 = arith.constant 0 : i32
        %dma_start3A_947 = tpu.memref_slice %arg3[%dma_start3A_946] : memref<2400000xf32, #tpu.memory_space<hbm>> -> memref<2400000xf32, #tpu.memory_space<hbm>>
        %dma_start3A_948 = tpu.memref_slice %arg15[%dma_start3A] : memref<2x!tpu.dma_semaphore, #tpu.memory_space<semaphore_mem>> -> memref<1x!tpu.dma_semaphore, #tpu.memory_space<semaphore_mem>>
        %dma_start3A_949 = tpu.memref_squeeze %dma_start3A_948 : memref<1x!tpu.dma_semaphore, #tpu.memory_space<semaphore_mem>> -> memref<!tpu.dma_semaphore, #tpu.memory_space<semaphore_mem>>
        tpu.enqueue_indirect_dma source(%dma_start3A_947 : memref<2400000xf32, #tpu.memory_space<hbm>>) target(%dma_start3A_942 : memref<128xf32, #tpu.memory_space<vmem>>) offsets(%dma_start3A_945 : memref<128xi32, #tpu.memory_space<vmem>>) semaphore(%dma_start3A_949 : memref<!tpu.dma_semaphore, #tpu.memory_space<semaphore_mem>>)
      } else {
      }
      %mul3A_925 = arith.constant 8 : i32
      %mul3A_926 = arith.muli %add3A_876, %mul3A_925 : i32
      %add3A_927 = arith.constant 6 : i32
      %add3A_928 = arith.addi %mul3A_926, %add3A_927 : i32
      %lt3A_929 = arith.cmpi slt, %add3A_928, %select_n3A_7 : i32
      %convert_element_type3A_930 = arith.extui %lt3A_929 : i1 to i32
      %cond3A_931 = arith.constant 0 : i32
      %cond3A_932 = arith.cmpi ne, %convert_element_type3A_930, %cond3A_931 : i32
      scf.if %cond3A_932 {
        %dma_start3A = arith.constant 0 : i32
        %dma_start3A_941 = arith.constant 768 : i32
        %dma_start3A_942 = tpu.memref_slice %arg11[%dma_start3A_941] : memref<1024xf32, #tpu.memory_space<vmem>> -> memref<128xf32, #tpu.memory_space<vmem>>
        %dma_start3A_943 = arith.constant 0 : i32
        %dma_start3A_944 = tpu.memref_slice %arg9[%add3A_928, %dma_start3A_943] : memref<293x128xi32, #tpu.memory_space<vmem>> -> memref<1x128xi32, #tpu.memory_space<vmem>>
        %dma_start3A_945 = tpu.memref_squeeze %dma_start3A_944 : memref<1x128xi32, #tpu.memory_space<vmem>> -> memref<128xi32, #tpu.memory_space<vmem>>
        %dma_start3A_946 = arith.constant 0 : i32
        %dma_start3A_947 = tpu.memref_slice %arg3[%dma_start3A_946] : memref<2400000xf32, #tpu.memory_space<hbm>> -> memref<2400000xf32, #tpu.memory_space<hbm>>
        %dma_start3A_948 = tpu.memref_slice %arg15[%dma_start3A] : memref<2x!tpu.dma_semaphore, #tpu.memory_space<semaphore_mem>> -> memref<1x!tpu.dma_semaphore, #tpu.memory_space<semaphore_mem>>
        %dma_start3A_949 = tpu.memref_squeeze %dma_start3A_948 : memref<1x!tpu.dma_semaphore, #tpu.memory_space<semaphore_mem>> -> memref<!tpu.dma_semaphore, #tpu.memory_space<semaphore_mem>>
        tpu.enqueue_indirect_dma source(%dma_start3A_947 : memref<2400000xf32, #tpu.memory_space<hbm>>) target(%dma_start3A_942 : memref<128xf32, #tpu.memory_space<vmem>>) offsets(%dma_start3A_945 : memref<128xi32, #tpu.memory_space<vmem>>) semaphore(%dma_start3A_949 : memref<!tpu.dma_semaphore, #tpu.memory_space<semaphore_mem>>)
      } else {
      }
      %mul3A_933 = arith.constant 8 : i32
      %mul3A_934 = arith.muli %add3A_876, %mul3A_933 : i32
      %add3A_935 = arith.constant 7 : i32
      %add3A_936 = arith.addi %mul3A_934, %add3A_935 : i32
      %lt3A_937 = arith.cmpi slt, %add3A_936, %select_n3A_7 : i32
      %convert_element_type3A_938 = arith.extui %lt3A_937 : i1 to i32
      %cond3A_939 = arith.constant 0 : i32
      %cond3A_940 = arith.cmpi ne, %convert_element_type3A_938, %cond3A_939 : i32
      scf.if %cond3A_940 {
        %dma_start3A = arith.constant 0 : i32
        %dma_start3A_941 = arith.constant 896 : i32
        %dma_start3A_942 = tpu.memref_slice %arg11[%dma_start3A_941] : memref<1024xf32, #tpu.memory_space<vmem>> -> memref<128xf32, #tpu.memory_space<vmem>>
        %dma_start3A_943 = arith.constant 0 : i32
        %dma_start3A_944 = tpu.memref_slice %arg9[%add3A_936, %dma_start3A_943] : memref<293x128xi32, #tpu.memory_space<vmem>> -> memref<1x128xi32, #tpu.memory_space<vmem>>
        %dma_start3A_945 = tpu.memref_squeeze %dma_start3A_944 : memref<1x128xi32, #tpu.memory_space<vmem>> -> memref<128xi32, #tpu.memory_space<vmem>>
        %dma_start3A_946 = arith.constant 0 : i32
        %dma_start3A_947 = tpu.memref_slice %arg3[%dma_start3A_946] : memref<2400000xf32, #tpu.memory_space<hbm>> -> memref<2400000xf32, #tpu.memory_space<hbm>>
        %dma_start3A_948 = tpu.memref_slice %arg15[%dma_start3A] : memref<2x!tpu.dma_semaphore, #tpu.memory_space<semaphore_mem>> -> memref<1x!tpu.dma_semaphore, #tpu.memory_space<semaphore_mem>>
        %dma_start3A_949 = tpu.memref_squeeze %dma_start3A_948 : memref<1x!tpu.dma_semaphore, #tpu.memory_space<semaphore_mem>> -> memref<!tpu.dma_semaphore, #tpu.memory_space<semaphore_mem>>
        tpu.enqueue_indirect_dma source(%dma_start3A_947 : memref<2400000xf32, #tpu.memory_space<hbm>>) target(%dma_start3A_942 : memref<128xf32, #tpu.memory_space<vmem>>) offsets(%dma_start3A_945 : memref<128xi32, #tpu.memory_space<vmem>>) semaphore(%dma_start3A_949 : memref<!tpu.dma_semaphore, #tpu.memory_space<semaphore_mem>>)
      } else {
      }
    }
    %scan3A_65 = arith.constant 25 : i32
    return
  }
}

</mosaic_0001>

<sc_bundles>
// kernel: kernel.3.cloned.1.call-start
scs
__scs_entry_jumppad:
0x0: {  	(pc) =	sbr.rel $0x88, $3  }
0x1: {  	(tag) =	ssettag $0x0;
	lr =	simm.s32 $0x1  }
0x2: {  	[smem:$0x3F9F] =	sst lr;
	_ =	strace $0xD0000000  }
0x3: {  	_ = 	snop  }
0x4: {  	_ = 	snop  }
0x5: {  	_ = 	snop  }
0x6: {  	_ = 	snop  }
0x7: {  	_ = 	snop  }
__scs_overlays_trampoline_lowered:
0x8: {  	[smem:$0x3FAE] =	sst s0  }
0x9: {  	[smem:$0x3FAF] =	sst s1  }
0xa: {  	[smem:$0x3FB0] =	sst s2  }
0xb: {  	[smem:$0x3FB1] =	sst s3  }
0xc: {  	[smem:$0x3FB2] =	sst s4  }
0xd: {  	[smem:$0x3FB3] =	sst s5  }
0xe: {  	[smem:$0x3FB4] =	sst s6  }
0xf: {  	[smem:$0x3FB5] =	sst s7  }
0x10: {  	[smem:$0x3FB6] =	sst s8  }
0x11: {  	[smem:$0x3FB7] =	sst s9;
	s0 =	simm.s32 @!p0 $0x0  }
0x12: {  	s1 =	sld [smem:$0x3F9D];
	s0 =	simm.s32 @p0 $0x1  }
0x13: {  	[smem:$0x3FB8] =	sst s0;
	s0 =	simm.s32 @!p1 $0x0  }
0x14: {  	s2 =	sld [smem:$0x3F9C];
	s0 =	simm.s32 @p1 $0x1  }
0x15: {  	[smem:$0x3FB9] =	sst s0;
	s0 =	simm.s32 @!p2 $0x0  }
0x16: {  	s3 =	sld [smem:$0x3FDB];
	s0 =	simm.s32 @p2 $0x1  }
0x17: {  	s4 =	simm.s32 $0x1BF5;
	[smem:$0x3FBB] =	sst s0  }
0x18: {  	s0 =	sld [smem:$0x3F9E];
	_ =	swait.ge [sflag:s4], $0x0  }
0x19: {  	s7 =	sld [smem:$0x3F9F]  }
0x1a: {  	s8 =	sadd.s32 $0xFFFFE003, lr  }
0x1b: {  	s9 =	sadd.s32 $0xFFFFFEF7, lr;
	s5 =	simm.s32 $0xFFFFFFFF;
	p2 =	slt.u32 s8, $0xFFFFF086  }
0x1c: {  	p1 =	slt.u32 s9, $0xF7A;
	s5 =	simm.s32 @!p2 $0x0  }
0x1d: {  	s5 =	simm.s32 @p1 $0x1;
	p0 =	seq.s32 s7, s2  }
0x1e: {  	s7 =	smul.u32 @!p0 $0xF7A, s2;
	p2 =	seq.s32 @!p0 s5, $0x0  }
0x1f: {  	s9 =	smul.u32 $0xF7A, s1;
	s8 =	simm.s32 @!p0 $0x1BF5;
	p2 =	por !p2, p0  }
0x20: {  	[sflag:s8] =	ssyncset.s32 @!p0 $0xFFFFF086;
	s6 =	sadd.s32 @!p0 s3, s7;
	s7 =	simm.s32 @!p0 $0x108  }
0x21: {  	s3 =	sadd.s32 s3, s9;
	s6 =	sadd.s32 @!p0 $0x88, s6;
	s7 =	simm.s32 @p2 $0x1082  }
0x22: {  	[simem:s7], [sflag:s8] =	dma.local @!p0 [hbm:s6], $0xF7A  }
0x23: {  	s9 =	sor.u32 $0xD0000000, s2;
	s6 =	simm.s32 $0x108;
	_ =	swait.ge @!p0 [sflag:s8], $0x0  }
0x24: {  	s3 =	sadd.s32 $0x88, s3;
	s6 =	simm.s32 @!p1 $0x1082;
	[sflag:s4] =	ssyncset.s32 $0xFFFFF086  }
0x25: {  	[simem:s6], [sflag:s4] =	dma.local [hbm:s3], $0xF7A  }
0x26: {  	[smem:$0x3F9F] =	sst s1;
	(tag) =	ssettag s2;
	_ =	strace s9  }
0x27: {  	s1 =	sld [smem:$0x3FAF]  }
0x28: {  	s2 =	sld [smem:$0x3FB0]  }
0x29: {  	s4 =	sld [smem:$0x3FB2]  }
0x2a: {  	p0 =	seq.s32 s5, $0x0;
	s5 =	sld [smem:$0x3FB3]  }
0x2b: {  	s6 =	sld [smem:$0x3FB4]  }
0x2c: {  	s7 =	sld [smem:$0x3FB5]  }
0x2d: {  	s3 =	simm.s32 $0x108;
	s8 =	sld [smem:$0x3FB6]  }
0x2e: {  	s3 =	simm.s32 @!p0 $0x1082;
	s9 =	sld [smem:$0x3FB7]  }
0x2f: {  	lr =	sadd.s32 s0, s3;
	s0 =	sld [smem:$0x3FAE]  }
0x30: {  	s3 =	sld [smem:$0x3FB1]  }
0x31: {  	[smem:$0x3FBA] =	sst s10  }
0x32: {  	s10 =	sld [smem:$0x3FB8];
	_ =	sdelay $0x3  }
0x33: {  	p0 =	seq.s32 s10, $0x1;
	s10 =	sld [smem:$0x3FBA];
	_ =	sdelay $0x3  }
0x34: {  	[smem:$0x3FBA] =	sst s10  }
0x35: {  	s10 =	sld [smem:$0x3FB9];
	_ =	sdelay $0x3  }
0x36: {  	p1 =	seq.s32 s10, $0x1;
	s10 =	sld [smem:$0x3FBA];
	_ =	sdelay $0x3  }
0x37: {  	[smem:$0x3FBA] =	sst s10  }
0x38: {  	s10 =	sld [smem:$0x3FBB]  }
0x39: {  	_ = 	snop;
	(pc) =	sbr.ind lr, $3  }
0x3a: {  	_ = 	snop  }
0x3b: {  	_ = 	snop  }
0x3c: {  	p2 =	seq.s32 s10, $0x1;
	s10 =	sld [smem:$0x3FBA]  }
0x3d: {  	_ =	shalt  }
0x3e: {  	_ =	shalt  }
0x3f: {  	_ =	shalt  }
0x40: {  	_ =	shalt  }
0x41: {  	_ =	shalt  }
0x42: {  	_ =	shalt  }
0x43: {  	_ =	shalt  }
0x44: {  	_ =	shalt  }
0x45: {  	_ =	shalt  }
0x46: {  	_ =	shalt  }
0x47: {  	_ =	shalt  }
0x48: {  	_ =	shalt  }
0x49: {  	_ =	shalt  }
0x4a: {  	_ =	shalt  }
0x4b: {  	_ =	shalt  }
0x4c: {  	_ =	shalt  }
0x4d: {  	_ =	shalt  }
0x4e: {  	_ =	shalt  }
0x4f: {  	_ =	shalt  }
0x50: {  	_ =	shalt  }
0x51: {  	_ =	shalt  }
0x52: {  	_ =	shalt  }
0x53: {  	_ =	shalt  }
0x54: {  	_ =	shalt  }
0x55: {  	_ =	shalt  }
0x56: {  	_ =	shalt  }
0x57: {  	_ =	shalt  }
0x58: {  	_ =	shalt  }
0x59: {  	_ =	shalt  }
0x5a: {  	_ =	shalt  }
0x5b: {  	_ =	shalt  }
0x5c: {  	_ =	shalt  }
0x5d: {  	_ =	shalt  }
0x5e: {  	_ =	shalt  }
0x5f: {  	_ =	shalt  }
0x60: {  	_ =	shalt  }
0x61: {  	_ =	shalt  }
0x62: {  	_ =	shalt  }
0x63: {  	_ =	shalt  }
0x64: {  	_ =	shalt  }
0x65: {  	_ =	shalt  }
0x66: {  	_ =	shalt  }
0x67: {  	_ =	shalt  }
0x68: {  	_ =	shalt  }
0x69: {  	_ =	shalt  }
0x6a: {  	_ =	shalt  }
0x6b: {  	_ =	shalt  }
0x6c: {  	_ =	shalt  }
0x6d: {  	_ =	shalt  }
0x6e: {  	_ =	shalt  }
0x6f: {  	_ =	shalt  }
0x70: {  	_ =	shalt  }
0x71: {  	_ =	shalt  }
0x72: {  	_ =	shalt  }
0x73: {  	_ =	shalt  }
0x74: {  	_ =	shalt  }
0x75: {  	_ =	shalt  }
0x76: {  	_ =	shalt  }
0x77: {  	_ =	shalt  }
0x78: {  	_ =	shalt  }
0x79: {  	_ =	shalt  }
0x7a: {  	_ =	shalt  }
0x7b: {  	_ =	shalt  }
0x7c: {  	_ =	shalt  }
0x7d: {  	_ =	shalt  }
0x7e: {  	_ =	shalt  }
0x7f: {  	_ =	shalt  }
0x80: {  	_ =	shalt  }
0x81: {  	_ =	shalt  }
0x82: {  	_ =	shalt  }
0x83: {  	_ =	shalt  }
0x84: {  	_ =	shalt  }
0x85: {  	_ =	shalt  }
0x86: {  	_ =	shalt  }
0x87: {  	_ =	shalt  }
.Lfunc_end0:
.L_simem_size_0:
called_computation_lowered:
.L_overlay_start_0:
0x88: {  	s2 =	sld [smem:$0x3FD9]  }
0x89: {  	s3 =	sld [smem:$0x3FFE];
	_ =	sdelay $0x1  }
0x8a: {  	s1 =	srdreg.scid  }
0x8b: {  	s0 =	sand.u32 $0x1, s1  }
0x8c: {  	s14 =	sshll.u32 s0, $0xA;
	s2 =	sadd.s32 s3, s2  }
0x8d: {  	s2 =	sadd.s32 s2, s14  }
0x8e: {  	[smem:$0x3FC6] =	sst s2  }
0x8f: {  	_ = 	snop  }
0x90: {  	s2 =	sld [smem:$0x3FD0];
	_ =	sdelay $0x2  }
0x91: {  	s4 =	simm.s32 $0xA;
	s5 =	simm.s32 $0x10;
	s15 =	sld [smem:$0x3FC8]  }
0x92: {  	[smem:s5], [sflag:s4] =	dma.local [hbm:s2], $0x1  }
0x93: {  	_ =	swait.eq [sflag:s4], $0x1  }
0x94: {  	[sflag:s4] =	ssyncset.done $0x0  }
0x95: {  	s16 =	sld [smem:$0x10];
	[sflag:s4] =	ssyncadd.s32 $0xFFFFFFFF  }
0x96: {  	s17 =	sld [smem:$0x11];
	(tm) =	ssettm $0x1  }
0x97: {  	s18 =	sld [smem:$0x3FFB];
	_ =	sdelay $0x3  }
0x98: {  	_ =	strace s18  }
0x99: {  	s5 =	sld [smem:$0x3FFC];
	_ =	sdelay $0x3  }
0x9a: {  	_ =	strace s5  }
0x9b: {  	s5 =	sld [smem:$0x3FFD];
	_ =	sdelay $0x3  }
0x9c: {  	_ =	strace s5  }
0x9d: {  	_ =	strace $0x8FFFFFFF  }
0x9e: {  	s19 =	sld [smem:$0x3FDB];
	_ =	sdelay $0x1  }
0x9f: {  	s6 =	simm.s32 $_scs_section_size  }
0xa0: {  	s7 =	simm.s32 $_size__tile_overlayer_lowered;
	s8 =	simm.s32 $_tile_overlayer_lowered  }
0xa1: {  	s22 =	simm.s32 $0x1BFF;
	s21 =	sshll.u32 s8, $0x1;
	s5 =	sadd.s32 s6, s19  }
0xa2: {  	s9 =	simm.s32 $0x0;
	s20 =	sshll.u32 s7, $0x1;
	s7 =	sadd.s32 s21, s5  }
0xa3: {  	[timem:s9], [sflag:s22] =	dma.local [hbm:s7], s20  }
0xa4: {  	_ =	swait.ge [sflag:s22], s20  }
0xa5: {  	s6 =	ssub.s32 $0x0, s20;
	[sflag:s22] =	ssyncset.done $0x0  }
0xa6: {  	[sflag:s22] =	ssyncadd.s32 s6;
	_ =	sdelay $0x1  }
0xa7: {  	s23 =	simm.s32 $0x1B8B  }
0xa8: {  	_ =	swait.ge [sflag:s23], $0x1  }
0xa9: {  	[sflag:s23] =	ssyncset.done $0x0  }
0xaa: {  	s25 =	simm.s32 $0x1B8E;
	s24 =	sld [smem:$0x3FFE];
	[sflag:s23] =	ssyncadd.s32 $0xFFFFFFFF  }
0xab: {  	s26 =	simm.s32 $execute0_lowered;
	[smem:$0x3FD2] =	sst s25  }
0xac: {  	s7 =	sshll.u32 s26, $0x1;
	_ =	strace $0x80000046;
	[dreg:$0x1] =	wrdreg $0xFFFFFFFF  }
0xad: {  	s28 =	simm.s32 $_size_execute0_lowered;
	s5 =	sadd.s32 s5, s7;
	[dreg:$0x0] =	wrdreg $0x0  }
0xae: {  	s7 =	sshll.u32 s28, $0x1;
	[dreg:$0x2] =	wrdreg s5  }
0xaf: {  	[dreg:$0x3] =	wrdreg s7  }
0xb0: {  	[dreg:$0x4] =	wrdreg $0xC0  }
0xb1: {  	_ =	task [dreg:s9], $0x5FFFF  }
0xb2: {  	[dreg:$0x1] =	wrdreg $0xFFFFFFFF  }
0xb3: {  	[dreg:$0x0] =	wrdreg $0x60  }
0xb4: {  	[dreg:$0x2] =	wrdreg s15  }
0xb5: {  	[dreg:$0x3] =	wrdreg s24  }
0xb6: {  	[dreg:$0x4] =	wrdreg s16  }
0xb7: {  	[dreg:$0x5] =	wrdreg s17  }
0xb8: {  	[dreg:$0x6] =	wrdreg $0x9  }
0xb9: {  	_ =	task.clear_ibuf [dreg:s9], $0x7FFFF;
	_ =	strace $0x90000046  }
0xba: {  	s29 =	simm.s32 $0x9;
	_ =	strace $0x80000048  }
0xbb: {  	_ =	swait.ge [sflag:s29], $0x1  }
0xbc: {  	[sflag:s29] =	ssyncadd.s32 $0xFFFFFFFF  }
0xbd: {  	_ =	strace $0x90000048  }
0xbe: {  	_ =	sfence  }
0xbf: {  	s30 =	sld [smem:$0x0];
	_ =	sdelay $0x2  }
0xc0: {  	s31 =	sshll.u32 s1, $0xD;
	s1 =	sshrl.u32 s1, $0x2  }
0xc1: {  	s3 =	sand.u32 $0x4000, s31;
	s1 =	sadd.s32 s1, s30  }
0xc2: {  	s0 =	sor.u32 s3, s0;
	s1 =	sshll.u32 s1, $0x11  }
0xc3: {  	s0 =	sor.u32 s1, s0  }
0xc4: {  	s0 =	sadd.s32 $0x8F2B, s0  }
0xc5: {  	[sflag:s0] =	ssyncadd.remote.s32 $0x1  }
0xc6: {  	_ =	sfence.sel $0xFFFF  }
0xc7: {  	[dreg:$0x0] =	wrdreg $0xFFFFFFFF;
	(pc) =	sbr.abs _section_cstart, $3  }
0xc8: {  	[dreg:$0x1] =	wrdreg $0xFFFFFFFF  }
0xc9: {  	_ =	task.clear_ibuf [dreg:s9], $0x2FFFF;
	_ =	strace $0x9FFFFFFF  }
0xca: {  	(tm) =	ssettm $0x7FFFFFFF  }
0xcb: {  	_ =	shalt  }
tec
execute0_lowered:
.L_overlay_start_1:
0x0: {  	(tag) =	ssettag $0x1  }
0x1: {  	s1 =	rddreg [dreg:$0x0]  }
0x2: {  	s0 =	rddreg [dreg:$0x1];
	s2 =	srdreg.scid  }
0x3: {  	s14 =	stileid.u32;
	s5 =	rddreg [dreg:$0x2]  }
0x4: {  	s26 =	simm.s32 $0x0;
	s8 =	sand.u32 $0x1, s2;
	s2 =	rddreg [dreg:$0x3]  }
0x5: {  	s7 =	simm.s32 $0x124;
	s3 =	sshll.u32 s14, $0x1;
	[smem:$0x7FF] =	sst s26  }
0x6: {  	s4 =	sadd.s32 $0xE00, s0;
	s31 =	smul.u32 $0x12500, s14;
	s9 =	sor.u32 s8, s3  }
0x7: {  	_ =	strace $0x80000047;
	s28 =	ssub.s32 $0x2, s8;
	s13 =	smul.u32 $0x9280, s8  }
0x8: {  	s6 =	smul.u32 $0x1280, s9;
	p0 =	seq.s32 s9, $0x1F;
	s11 =	sshrl.u32 s28, $0x1  }
0x9: {  	s9 =	smul.u32 $0x680, s9;
	s7 =	simm.s32 @!p0 $0x125;
	s13 =	sadd.s32 s13, s31  }
0xa: {  	s31 =	smul.u32 $0x62000, s14;
	s10 =	sadd.s32 s6, s0;
	s0 =	sadd.s32 $0x6F200, s0  }
0xb: {  	s6 =	simm.s32 $0x57;
	s29 =	sadd.s32 $0xFFFFFFFF, s7;
	[dreg:$0x1c] =	wrdreg s0  }
0xc: {  	s30 =	sadd.s32 $0xFFFFFFFE, s7;
	s3 =	sadd.s32 $0xFFFFFFFD, s7;
	[dreg:$0x6] =	wrdreg s29  }
0xd: {  	s15 =	sadd.s32 $0xFFFFFFFC, s7;
	s16 =	sadd.s32 $0xFFFFFFFB, s7;
	[dreg:$0x7] =	wrdreg s30  }
0xe: {  	s17 =	sadd.s32 $0xFFFFFFFA, s7;
	s19 =	sadd.s32 $0x280, s13;
	[dreg:$0x8] =	wrdreg s3  }
0xf: {  	s21 =	sadd.s32 $0x200, s13;
	s22 =	sadd.s32 s5, s9;
	[dreg:$0x9] =	wrdreg s15  }
0x10: {  	s25 =	sadd.s32 $0x180, s13;
	s26 =	sadd.s32 $0x100, s13;
	[dreg:$0xa] =	wrdreg s16  }
0x11: {  	s6 =	simm.s32 @!p0 $0x62;
	s0 =	ssub.s32 s28, s11;
	[dreg:$0xb] =	wrdreg s17  }
0x12: {  	s20 =	sshrl.u32 s19, $0x3;
	[dreg:$0x1d] =	wrdreg s22;
	s23 =	sshrl.u32 s21, $0x3  }
0x13: {  	s24 =	sadd.s32 $0x4A200, s10;
	s5 =	sshrl.u32 s25, $0x3;
	[dreg:$0xd] =	wrdreg s20  }
0x14: {  	s28 =	smul.u32 $0xC4, s14;
	s29 =	sshrl.u32 s26, $0x3;
	[dreg:$0x1e] =	wrdreg s24  }
0x15: {  	s30 =	smul.u32 $0x62, s8;
	s10 =	sadd.s32 $0xFFFFFFF9, s7;
	[dreg:$0xe] =	wrdreg s23  }
0x16: {  	s3 =	sadd.s32 $0x80, s13;
	s8 =	smul.u32 $0x31000, s8;
	[dreg:$0xf] =	wrdreg s5  }
0x17: {  	s16 =	sadd.s32 $0x700, s13;
	s12 =	sadd.s32 $0xFFFFFFFF, s6;
	[dreg:$0x10] =	wrdreg s29  }
0x18: {  	s22 =	sadd.s32 $0x580, s13;
	s14 =	sshrl.u32 s3, $0x3;
	[dreg:$0x5] =	wrdreg s12  }
0x19: {  	s26 =	sadd.s32 $0x480, s13;
	s17 =	sshrl.u32 s16, $0x3;
	[dreg:$0x11] =	wrdreg s14  }
0x1a: {  	s5 =	sadd.s32 s31, s2;
	s23 =	sshrl.u32 s22, $0x3;
	[dreg:$0x14] =	wrdreg s17  }
0x1b: {  	s20 =	sadd.s32 $0x600, s13;
	s0 =	smax.u32 s0, $0x1;
	[dreg:$0x17] =	wrdreg s23  }
0x1c: {  	s24 =	sadd.s32 $0x500, s13;
	s5 =	sadd.s32 s8, s5;
	[dreg:$0x1f] =	wrdreg s0  }
0x1d: {  	s12 =	sadd.s32 $0x300, s13;
	s21 =	sshrl.u32 s20, $0x3;
	[dreg:$0x12] =	wrdreg s5  }
0x1e: {  	s9 =	sadd.s32 s30, s28;
	s25 =	sshrl.u32 s24, $0x3;
	[dreg:$0x16] =	wrdreg s21  }
0x1f: {  	s28 =	sshrl.u32 s26, $0x3;
	s9 =	sshll.u32 s9, $0xB;
	[dreg:$0x18] =	wrdreg s25  }
0x20: {  	s18 =	sshrl.u32 s12, $0x3;
	[dreg:$0x19] =	wrdreg s28;
	s2 =	sadd.s32 s9, s2  }
0x21: {  	[dreg:$0xc] =	wrdreg s18;
	s18 =	sadd.s32 $0x680, s13;
	s15 =	sadd.s32 $0x800, s2  }
0x22: {  	s30 =	sadd.s32 $0x400, s13;
	s19 =	sshrl.u32 s18, $0x3;
	[dreg:$0x13] =	wrdreg s15  }
0x23: {  	s20 =	simm.s32 $0x0;
	s29 =	sadd.s32 $0x1000, s2;
	[dreg:$0x15] =	wrdreg s19  }
0x24: {  	s12 =	sadd.s32 $0xFFFFFFF8, s7;
	s31 =	sadd.s32 $0x1800, s2;
	[dreg:$0x1a] =	wrdreg s29  }
0x25: {  	s14 =	sshrl.u32 s30, $0x3;
	s13 =	sshrl.u32 s13, $0x3;
	[dreg:$0x1b] =	wrdreg s31  }
.LBB2_1:
0x26: {  	s0 =	simm.s32 $0x0;
	s2 =	rddreg [dreg:$0x1d];
	s3 =	simm.s32 $0x9  }
0x27: {  	[tilespmem:s0], [sflag:$0x9] =	stream.linear.gather [hbm4b:s2+s0], $0x3100, $0x38;
	[tilespmem:$0x1D000] =	vst v63  }
0x28: {  	_ =	swait.ge [sflag:s3], $0x3100  }
0x29: {  	[sflag:s3] =	ssyncset.done $0x0  }
0x2a: {  	s5 =	simm.s32 $0x3400;
	s30 =	rddreg [dreg:$0x1e];
	[sflag:s3] =	ssyncadd.s32 $0xFFFFCF00  }
0x2b: {  	[tilespmem:s5], [sflag:$0x9] =	stream.linear.gather [hbm4b:s30+s0], $0x9280, $0x38;
	[tilespmem:$0x1D000] =	vst v63  }
0x2c: {  	_ =	swait.ge [sflag:s3], $0x9280  }
0x2d: {  	[sflag:s3] =	ssyncset.done $0x0  }
0x2e: {  	s8 =	simm.s32 $0xC800;
	s2 =	simm.s32 $0x80;
	[sflag:s3] =	ssyncadd.s32 $0xFFFF6D80  }
0x2f: {  	[tilespmem:s8], [sflag:$0x1] =	stream.indirect.gather [hbm4b:s1+s2], $0x80, s0, s2, $0xb8;
	[tilespmem:$0x1D000] =	vst v63  }
0x30: {  	s9 =	simm.s32 $0x10800  }
0x31: {  	[tilespmem:s9], [sflag:$0x1] =	stream.indirect.gather [hbm4b:s1+s2], $0x80, s2, s2, $0xb8;
	[tilespmem:$0x1D000] =	vst v63  }
0x32: {  	s11 =	simm.s32 $0x1C800  }
0x33: {  	[tilespmem:s11], [sflag:$0x5] =	stream.indirect.gather [hbm4b:s4+s2], $0x1, s5, s2, $0xb8;
	[tilespmem:$0x1D000] =	vst v63  }
0x34: {  	s15 =	simm.s32 $0x3480;
	s16 =	simm.s32 $0x1C880  }
0x35: {  	[tilespmem:s16], [sflag:$0x5] =	stream.indirect.gather [hbm4b:s4+s2], $0x1, s15, s2, $0xb8;
	[tilespmem:$0x1D000] =	vst v63  }
0x36: {  	s17 =	simm.s32 $0x3500;
	s18 =	simm.s32 $0x1C900  }
0x37: {  	[tilespmem:s18], [sflag:$0x5] =	stream.indirect.gather [hbm4b:s4+s2], $0x1, s17, s2, $0xb8;
	[tilespmem:$0x1D000] =	vst v63  }
0x38: {  	s19 =	simm.s32 $0x3580;
	s21 =	simm.s32 $0x1C980;
	s22 =	simm.s32 $0x3600  }
0x39: {  	[tilespmem:s21], [sflag:$0x5] =	stream.indirect.gather [hbm4b:s4+s2], $0x1, s19, s2, $0xb8;
	[tilespmem:$0x1D000] =	vst v63  }
0x3a: {  	s23 =	simm.s32 $0x1CA00;
	s24 =	simm.s32 $0x3680;
	s25 =	simm.s32 $0x1CA80  }
0x3b: {  	[tilespmem:s23], [sflag:$0x5] =	stream.indirect.gather [hbm4b:s4+s2], $0x1, s22, s2, $0xb8;
	[tilespmem:$0x1D000] =	vst v63  }
0x3c: {  	s26 =	simm.s32 $0x3700;
	s28 =	simm.s32 $0x1CB00;
	s29 =	simm.s32 $0x3780  }
0x3d: {  	[tilespmem:s25], [sflag:$0x5] =	stream.indirect.gather [hbm4b:s4+s2], $0x1, s24, s2, $0xb8;
	[tilespmem:$0x1D000] =	vst v63  }
0x3e: {  	s31 =	simm.s32 $0x0;
	s30 =	simm.s32 $0x1CB80;
	s5 =	rddreg [dreg:$0x1c]  }
0x3f: {  	[tilespmem:s28], [sflag:$0x5] =	stream.indirect.gather [hbm4b:s4+s2], $0x1, s26, s2, $0xb8;
	[tilespmem:$0x1D000] =	vst v63  }
0x40: {  	s21 =	simm.s32 $0x280;
	s22 =	simm.s32 $0x0;
	s24 =	simm.s32 $0x0  }
0x41: {  	[tilespmem:s30], [sflag:$0x5] =	stream.indirect.gather [hbm4b:s4+s2], $0x1, s29, s2, $0xb8;
	[tilespmem:$0x1D000] =	vst v63  }
.LBB2_2:
0x42: {  	p0 =	sge.u32 s31, s6  }
0x43: {  	s0 =	simm.s32 @!p0 $0x0  }
0x44: {  	s2 =	sadd.s32 $0x1, s31;
	s0 =	simm.s32 @p0 $0x1  }
0x45: {  	p1 =	sge.u32 s2, s6;
	[smem:$0x7F6] =	sst s0;
	s0 =	simm.s32 @!p0 $0x1  }
0x46: {  	s2 =	simm.s32 @!p1 $0x0;
	_ =	swait.ge @!p0 [sflag:s0], $0x4000  }
0x47: {  	s2 =	simm.s32 @p1 $0x1;
	[sflag:s0] =	ssyncset.done @!p0 $0x0  }
0x48: {  	[smem:$0x7F7] =	sst s2;
	[sflag:s0] =	ssyncadd.s32 @!p0 $0xFFFFC000;
	s0 =	simm.s32 @!p1 $0x1  }
0x49: {  	s8 =	simm.s32 @!p0 $0x0;
	_ =	swait.ge @!p1 [sflag:s0], $0x4000  }
0x4a: {  	s9 =	simm.s32 @!p0 $0xC800;
	s2 =	rddreg [dreg:$0x12];
	[sflag:s0] =	ssyncset.done @!p1 $0x0  }
0x4b: {  	[sflag:s0] =	ssyncadd.s32 @!p1 $0xFFFFC000;
	s0 =	rddreg [dreg:$0x13];
	s2 =	sadd.s32 @!p0 s22, s2  }
0x4c: {  	[hbm4b:s2+s8] =	stream.linear.scatter @!p0 [tilespmem:s9], [sflag:$0x3], $0x4000, $0x38;
	[tilespmem:$0x1D000] =	vst v63  }
0x4d: {  	s0 =	sadd.s32 @!p1 s22, s0;
	s2 =	simm.s32 @!p1 $0x0;
	s8 =	simm.s32 @!p1 $0x10800  }
0x4e: {  	[hbm4b:s0+s2] =	stream.linear.scatter @!p1 [tilespmem:s8], [sflag:$0x3], $0x4000, $0x38;
	[tilespmem:$0x1D000] =	vst v63  }
0x4f: {  	p0 =	seq.s32 s24, $0x0;
	s0 =	sadd.s32 $0xFFFFFFFE, s31  }
0x50: {  	p1 =	sge.s32 @!p0 s0, s6  }
0x51: {  	p1 =	por p1, p0  }
0x52: {  	s2 =	simm.s32 @!p1 $0x4  }
0x53: {  	_ =	swait.ge @!p1 [sflag:s2], $0x4000  }
0x54: {  	s8 =	rddreg [dreg:$0x5]  }
0x55: {  	p2 =	sge.s32 @!p0 s0, s8  }
0x56: {  	[sflag:s2] =	ssyncset.done @!p1 $0x0;
	p0 =	por p2, p0  }
0x57: {  	[sflag:s2] =	ssyncadd.s32 @!p1 $0xFFFFC000;
	s0 =	simm.s32 @!p0 $0x4  }
0x58: {  	_ =	swait.ge @!p0 [sflag:s0], $0x4000  }
0x59: {  	s9 =	sadd.s32 $0x2, s31;
	[sflag:s0] =	ssyncset.done @!p0 $0x0  }
0x5a: {  	[sflag:s0] =	ssyncadd.s32 @!p0 $0xFFFFC000;
	p0 =	sge.u32 s9, s6  }
0x5b: {  	s0 =	simm.s32 @!p0 $0x0  }
0x5c: {  	s11 =	sadd.s32 $0x3, s31;
	s8 =	simm.s32 @!p0 $0x80;
	s0 =	simm.s32 @p0 $0x1  }
0x5d: {  	s2 =	simm.s32 @!p0 $0x14800;
	[smem:$0x7F4] =	sst s0;
	s0 =	sadd.s32 @!p0 $0xFFFFFE80, s21  }
0x5e: {  	[tilespmem:s2], [sflag:$0x2] =	stream.indirect.gather @!p0 [hbm4b:s1+s8], $0x80, s0, s8, $0xb8;
	[tilespmem:$0x1D000] =	vst v63  }
0x5f: {  	p0 =	sge.u32 s11, s6  }
0x60: {  	s0 =	simm.s32 @!p0 $0x0  }
0x61: {  	s8 =	sadd.s32 @!p0 $0xFFFFFF00, s21;
	s0 =	simm.s32 @p0 $0x1  }
0x62: {  	s9 =	simm.s32 @!p0 $0x80;
	[smem:$0x7F5] =	sst s0;
	s0 =	simm.s32 @!p0 $0x18800  }
0x63: {  	[tilespmem:s0], [sflag:$0x2] =	stream.indirect.gather @!p0 [hbm4b:s1+s9], $0x80, s8, s9, $0xb8;
	[tilespmem:$0x1D000] =	vst v63  }
0x64: {  	p0 =	sge.u32 s24, s7  }
0x65: {  	s8 =	simm.s32 @!p0 $0x5  }
0x66: {  	s26 =	sadd.s32 $0x1, s24;
	_ =	swait.ge @!p0 [sflag:s8], $0x80  }
0x67: {  	p1 =	sge.u32 s26, s7;
	[sflag:s8] =	ssyncset.done @!p0 $0x0  }
0x68: {  	[sflag:s8] =	ssyncadd.s32 @!p0 $0xFFFFFF80;
	s8 =	simm.s32 @!p1 $0x5  }
0x69: {  	s28 =	sadd.s32 $0x2, s24;
	_ =	swait.ge @!p1 [sflag:s8], $0x80  }
0x6a: {  	p0 =	sge.u32 s28, s7;
	[sflag:s8] =	ssyncset.done @!p1 $0x0  }
0x6b: {  	[sflag:s8] =	ssyncadd.s32 @!p1 $0xFFFFFF80;
	s8 =	simm.s32 @!p0 $0x5  }
0x6c: {  	s29 =	sadd.s32 $0x3, s24;
	_ =	swait.ge @!p0 [sflag:s8], $0x80  }
0x6d: {  	p1 =	sge.u32 s29, s7;
	[sflag:s8] =	ssyncset.done @!p0 $0x0  }
0x6e: {  	[sflag:s8] =	ssyncadd.s32 @!p0 $0xFFFFFF80;
	s8 =	simm.s32 @!p1 $0x5  }
0x6f: {  	s30 =	sadd.s32 $0x4, s24;
	_ =	swait.ge @!p1 [sflag:s8], $0x80  }
0x70: {  	p0 =	sge.u32 s30, s7;
	[sflag:s8] =	ssyncset.done @!p1 $0x0  }
0x71: {  	[sflag:s8] =	ssyncadd.s32 @!p1 $0xFFFFFF80;
	s8 =	simm.s32 @!p0 $0x5  }
0x72: {  	s25 =	sadd.s32 $0x5, s24;
	_ =	swait.ge @!p0 [sflag:s8], $0x80  }
0x73: {  	p1 =	sge.u32 s25, s7;
	[sflag:s8] =	ssyncset.done @!p0 $0x0  }
0x74: {  	[sflag:s8] =	ssyncadd.s32 @!p0 $0xFFFFFF80;
	s8 =	simm.s32 @!p1 $0x5  }
0x75: {  	s9 =	sadd.s32 $0x6, s24;
	_ =	swait.ge @!p1 [sflag:s8], $0x80  }
0x76: {  	p0 =	sge.u32 s9, s7;
	[sflag:s8] =	ssyncset.done @!p1 $0x0  }
0x77: {  	[sflag:s8] =	ssyncadd.s32 @!p1 $0xFFFFFF80;
	s8 =	simm.s32 @!p0 $0x5  }
0x78: {  	_ =	swait.ge @!p0 [sflag:s8], $0x80  }
0x79: {  	p3 =	sgt.u32 s24, s12;
	p1 =	sge.u32 s24, s10;
	[sflag:s8] =	ssyncset.done @!p0 $0x0  }
0x7a: {  	[sflag:s8] =	ssyncadd.s32 @!p0 $0xFFFFFF80;
	s8 =	simm.s32 @!p1 $0x5;
	p0 =	sge.u32 @p3 s24, s7  }
0x7b: {  	_ =	swait.ge @!p1 [sflag:s8], $0x80;
	p0 =	por p0, !p3  }
0x7c: {  	[sflag:s8] =	ssyncset.done @!p1 $0x0;
	s11 =	simm.s32 @!p0 $0x0  }
0x7d: {  	s16 =	simm.s32 @!p0 $0x1C800;
	[sflag:s8] =	ssyncadd.s32 @!p1 $0xFFFFFF80;
	s8 =	sadd.s32 @!p0 s5, s13  }
0x7e: {  	[hbm4b:s8+s11] =	stream.linear.scatter @!p0 [tilespmem:s16], [sflag:$0x7], $0x80, $0x38;
	[tilespmem:$0x1D000] =	vst v63  }
0x7f: {  	p0 =	sge.u32 @p3 s26, s7  }
0x80: {  	s8 =	rddreg [dreg:$0x11];
	p0 =	por p0, !p3  }
0x81: {  	s8 =	sadd.s32 @!p0 s5, s8;
	s11 =	simm.s32 @!p0 $0x0;
	s16 =	simm.s32 @!p0 $0x1C880  }
0x82: {  	[hbm4b:s8+s11] =	stream.linear.scatter @!p0 [tilespmem:s16], [sflag:$0x7], $0x80, $0x38;
	[tilespmem:$0x1D000] =	vst v63  }
0x83: {  	p0 =	sge.u32 @p3 s28, s7  }
0x84: {  	s8 =	rddreg [dreg:$0x10];
	p0 =	por p0, !p3  }
0x85: {  	s8 =	sadd.s32 @!p0 s5, s8;
	s11 =	simm.s32 @!p0 $0x0;
	s16 =	simm.s32 @!p0 $0x1C900  }
0x86: {  	[hbm4b:s8+s11] =	stream.linear.scatter @!p0 [tilespmem:s16], [sflag:$0x7], $0x80, $0x38;
	[tilespmem:$0x1D000] =	vst v63  }
0x87: {  	p0 =	sge.u32 @p3 s29, s7  }
0x88: {  	s8 =	rddreg [dreg:$0xf];
	p0 =	por p0, !p3  }
0x89: {  	s8 =	sadd.s32 @!p0 s5, s8;
	s11 =	simm.s32 @!p0 $0x0;
	s16 =	simm.s32 @!p0 $0x1C980  }
0x8a: {  	[hbm4b:s8+s11] =	stream.linear.scatter @!p0 [tilespmem:s16], [sflag:$0x7], $0x80, $0x38;
	[tilespmem:$0x1D000] =	vst v63  }
0x8b: {  	p0 =	sge.u32 @p3 s30, s7  }
0x8c: {  	s3 =	simm.s32 @!p3 $0x0;
	s8 =	rddreg [dreg:$0xe];
	p0 =	por p0, !p3  }
0x8d: {  	s8 =	sadd.s32 @!p0 s5, s8;
	s11 =	simm.s32 @!p0 $0x0;
	s16 =	simm.s32 @!p0 $0x1CA00  }
0x8e: {  	[hbm4b:s8+s11] =	stream.linear.scatter @!p0 [tilespmem:s16], [sflag:$0x7], $0x80, $0x38;
	[tilespmem:$0x1D000] =	vst v63  }
0x8f: {  	s3 =	simm.s32 @p3 $0x1;
	p0 =	sge.u32 @p3 s25, s7  }
0x90: {  	p2 =	sge.u32 @p3 s9, s7;
	s8 =	rddreg [dreg:$0xd];
	p0 =	por p0, !p3  }
0x91: {  	s8 =	sadd.s32 @!p0 s5, s8;
	s11 =	simm.s32 @!p0 $0x0;
	s16 =	simm.s32 @!p0 $0x1CA80  }
0x92: {  	[hbm4b:s8+s11] =	stream.linear.scatter @!p0 [tilespmem:s16], [sflag:$0x7], $0x80, $0x38;
	[tilespmem:$0x1D000] =	vst v63  }
0x93: {  	[smem:$0x7FB] =	sst s3;
	s3 =	simm.s32 @!p2 $0x0;
	s8 =	sadd.s32 $0xFFFFFFF8, s24  }
0x94: {  	s3 =	simm.s32 @p2 $0x1;
	p1 =	sne.s32 s24, $0x0;
	p4 =	slt.s32 s8, s7  }
0x95: {  	s11 =	rddreg [dreg:$0xc];
	p0 =	por !p1, !p4;
	p1 =	por p2, !p3  }
0x96: {  	[smem:$0x7FD] =	sst s3;
	s3 =	simm.s32 @!p1 $0x0;
	s9 =	sadd.s32 @!p1 s5, s11  }
0x97: {  	s11 =	simm.s32 @!p1 $0x0;
	s16 =	simm.s32 @!p1 $0x1CB00;
	p0 =	por !p0, !p0  }
0x98: {  	[hbm4b:s9+s11] =	stream.linear.scatter @!p1 [tilespmem:s16], [sflag:$0x7], $0x80, $0x38;
	[tilespmem:$0x1D000] =	vst v63  }
0x99: {  	s3 =	simm.s32 @p1 $0x1;
	s9 =	sadd.s32 @!p3 s5, s13;
	p1 =	sgt.u32 @p0 s24, s7  }
0x9a: {  	s11 =	simm.s32 @!p3 $0x0;
	s16 =	simm.s32 @!p3 $0x1C800;
	p1 =	por p1, !p0  }
0x9b: {  	[hbm4b:s9+s11] =	stream.linear.scatter @!p3 [tilespmem:s16], [sflag:$0x7], $0x400, $0x38;
	[tilespmem:$0x1D000] =	vst v63  }
0x9c: {  	[smem:$0x7FC] =	sst s3;
	s9 =	simm.s32 @!p1 $0x8  }
0x9d: {  	p5 =	sle.u32 s24, s7;
	p0 =	por !p0, !p0;
	_ =	swait.ge @!p1 [sflag:s9], $0x400  }
0x9e: {  	p0 =	por p0, p5;
	[sflag:s9] =	ssyncset.done @!p1 $0x0  }
0x9f: {  	[sflag:s9] =	ssyncadd.s32 @!p1 $0xFFFFFC00;
	s9 =	simm.s32 @!p0 $0x8  }
0xa0: {  	_ =	swait.ge @!p0 [sflag:s9], $0x80  }
0xa1: {  	s11 =	rddreg [dreg:$0x6]  }
0xa2: {  	p1 =	sge.s32 @!p0 s8, s11  }
0xa3: {  	[sflag:s9] =	ssyncset.done @!p0 $0x0;
	p1 =	por p1, p0  }
0xa4: {  	[sflag:s9] =	ssyncadd.s32 @!p0 $0xFFFFFF80;
	s9 =	simm.s32 @!p1 $0x8  }
0xa5: {  	_ =	swait.ge @!p1 [sflag:s9], $0x80  }
0xa6: {  	s11 =	rddreg [dreg:$0x7]  }
0xa7: {  	p2 =	sge.s32 @!p0 s8, s11  }
0xa8: {  	[sflag:s9] =	ssyncset.done @!p1 $0x0;
	p2 =	por p2, p0  }
0xa9: {  	[sflag:s9] =	ssyncadd.s32 @!p1 $0xFFFFFF80;
	s9 =	simm.s32 @!p2 $0x8  }
0xaa: {  	_ =	swait.ge @!p2 [sflag:s9], $0x80  }
0xab: {  	s11 =	rddreg [dreg:$0x8]  }
0xac: {  	p1 =	sge.s32 @!p0 s8, s11  }
0xad: {  	[sflag:s9] =	ssyncset.done @!p2 $0x0;
	p1 =	por p1, p0  }
0xae: {  	[sflag:s9] =	ssyncadd.s32 @!p2 $0xFFFFFF80;
	s9 =	simm.s32 @!p1 $0x8  }
0xaf: {  	_ =	swait.ge @!p1 [sflag:s9], $0x80  }
0xb0: {  	s11 =	rddreg [dreg:$0x9]  }
0xb1: {  	p2 =	sge.s32 @!p0 s8, s11  }
0xb2: {  	[sflag:s9] =	ssyncset.done @!p1 $0x0;
	p2 =	por p2, p0  }
0xb3: {  	[sflag:s9] =	ssyncadd.s32 @!p1 $0xFFFFFF80;
	s9 =	simm.s32 @!p2 $0x8  }
0xb4: {  	_ =	swait.ge @!p2 [sflag:s9], $0x80  }
0xb5: {  	s11 =	rddreg [dreg:$0xa]  }
0xb6: {  	p1 =	sge.s32 @!p0 s8, s11  }
0xb7: {  	[sflag:s9] =	ssyncset.done @!p2 $0x0;
	p1 =	por p1, p0  }
0xb8: {  	[sflag:s9] =	ssyncadd.s32 @!p2 $0xFFFFFF80;
	s9 =	simm.s32 @!p1 $0x8  }
0xb9: {  	_ =	swait.ge @!p1 [sflag:s9], $0x80  }
0xba: {  	s11 =	rddreg [dreg:$0xb]  }
0xbb: {  	p2 =	sge.s32 @!p0 s8, s11  }
0xbc: {  	[sflag:s9] =	ssyncset.done @!p1 $0x0;
	p2 =	por p2, p0  }
0xbd: {  	[sflag:s9] =	ssyncadd.s32 @!p1 $0xFFFFFF80;
	s9 =	simm.s32 @!p2 $0x8  }
0xbe: {  	p1 =	sge.s32 @!p0 s8, s10;
	_ =	swait.ge @!p2 [sflag:s9], $0x80  }
0xbf: {  	s18 =	sadd.s32 $0x8, s24;
	p0 =	por p1, p0;
	[sflag:s9] =	ssyncset.done @!p2 $0x0  }
0xc0: {  	s19 =	sadd.s32 $0x9, s24;
	s8 =	simm.s32 @!p0 $0x8;
	[sflag:s9] =	ssyncadd.s32 @!p2 $0xFFFFFF80  }
0xc1: {  	s23 =	sadd.s32 $0xA, s24;
	p1 =	sge.u32 s18, s7;
	_ =	swait.ge @!p0 [sflag:s8], $0x80  }
0xc2: {  	s3 =	simm.s32 @!p1 $0x0;
	s11 =	simm.s32 @!p1 $0x1CC00;
	[sflag:s8] =	ssyncset.done @!p0 $0x0  }
0xc3: {  	s3 =	simm.s32 @p1 $0x1;
	[sflag:s8] =	ssyncadd.s32 @!p0 $0xFFFFFF80;
	s8 =	sshra.s32 @!p1 s22, $0x2  }
0xc4: {  	s9 =	simm.s32 @!p1 $0x80;
	p0 =	sge.u32 s19, s7;
	s8 =	sadd.s32 @!p1 $0x3800, s8  }
0xc5: {  	[tilespmem:s11], [sflag:$0x6] =	stream.indirect.gather @!p1 [hbm4b:s4+s9], $0x1, s8, s9, $0xb8;
	[tilespmem:$0x1D000] =	vst v63  }
0xc6: {  	[smem:$0x7F8] =	sst s3;
	s3 =	simm.s32 @!p0 $0x0;
	s8 =	sshra.s32 @!p0 s22, $0x2  }
0xc7: {  	s9 =	simm.s32 @!p0 $0x80;
	s11 =	simm.s32 @!p0 $0x1CC80;
	s8 =	sadd.s32 @!p0 $0x3880, s8  }
0xc8: {  	[tilespmem:s11], [sflag:$0x6] =	stream.indirect.gather @!p0 [hbm4b:s4+s9], $0x1, s8, s9, $0xb8;
	[tilespmem:$0x1D000] =	vst v63  }
0xc9: {  	s3 =	simm.s32 @p0 $0x1;
	p0 =	sge.u32 s23, s7  }
0xca: {  	s8 =	sshra.s32 @!p0 s22, $0x2  }
0xcb: {  	s9 =	simm.s32 @!p0 $0x80;
	s11 =	simm.s32 @!p0 $0x1CD00;
	s8 =	sadd.s32 @!p0 $0x3900, s8  }
0xcc: {  	[tilespmem:s11], [sflag:$0x6] =	stream.indirect.gather @!p0 [hbm4b:s4+s9], $0x1, s8, s9, $0xb8;
	[tilespmem:$0x1D000] =	vst v63  }
0xcd: {  	s8 =	sadd.s32 $0xB, s24  }
0xce: {  	p6 =	sge.u32 s8, s7  }
0xcf: {  	s9 =	sshra.s32 @!p6 s22, $0x2  }
0xd0: {  	s11 =	simm.s32 @!p6 $0x80;
	s16 =	simm.s32 @!p6 $0x1CD80;
	s9 =	sadd.s32 @!p6 $0x3980, s9  }
0xd1: {  	[tilespmem:s16], [sflag:$0x6] =	stream.indirect.gather @!p6 [hbm4b:s4+s11], $0x1, s9, s11, $0xb8;
	[tilespmem:$0x1D000] =	vst v63  }
0xd2: {  	[smem:$0x7F9] =	sst s3;
	s3 =	simm.s32 @!p0 $0x0;
	s9 =	sadd.s32 $0xC, s24  }
0xd3: {  	s3 =	simm.s32 @p0 $0x1;
	p5 =	sge.u32 s9, s7  }
0xd4: {  	[smem:$0x7FA] =	sst s3;
	s11 =	sshra.s32 @!p5 s22, $0x2  }
0xd5: {  	s16 =	simm.s32 @!p5 $0x80;
	s3 =	simm.s32 @!p5 $0x1CE00;
	s11 =	sadd.s32 @!p5 $0x3A00, s11  }
0xd6: {  	[tilespmem:s3], [sflag:$0x6] =	stream.indirect.gather @!p5 [hbm4b:s4+s16], $0x1, s11, s16, $0xb8;
	[tilespmem:$0x1D000] =	vst v63  }
0xd7: {  	s11 =	sadd.s32 $0xD, s24  }
0xd8: {  	p4 =	sge.u32 s11, s7  }
0xd9: {  	s3 =	sshra.s32 @!p4 s22, $0x2  }
0xda: {  	s16 =	simm.s32 @!p4 $0x80;
	s15 =	simm.s32 @!p4 $0x1CE80;
	s3 =	sadd.s32 @!p4 $0x3A80, s3  }
0xdb: {  	[tilespmem:s15], [sflag:$0x6] =	stream.indirect.gather @!p4 [hbm4b:s4+s16], $0x1, s3, s16, $0xb8;
	[tilespmem:$0x1D000] =	vst v63  }
0xdc: {  	s16 =	sadd.s32 $0xE, s24  }
0xdd: {  	p3 =	sge.u32 s16, s7  }
0xde: {  	s3 =	sshra.s32 @!p3 s22, $0x2  }
0xdf: {  	s15 =	simm.s32 @!p3 $0x80;
	s17 =	simm.s32 @!p3 $0x1CF00;
	s3 =	sadd.s32 @!p3 $0x3B00, s3  }
0xe0: {  	[tilespmem:s17], [sflag:$0x6] =	stream.indirect.gather @!p3 [hbm4b:s4+s15], $0x1, s3, s15, $0xb8;
	[tilespmem:$0x1D000] =	vst v63  }
0xe1: {  	s15 =	sadd.s32 $0xF, s24  }
0xe2: {  	p2 =	sge.u32 s15, s7  }
0xe3: {  	s3 =	sshra.s32 @!p2 s22, $0x2  }
0xe4: {  	s15 =	simm.s32 @!p2 $0x80;
	s17 =	simm.s32 @!p2 $0x1CF80;
	s3 =	sadd.s32 @!p2 $0x3B80, s3  }
0xe5: {  	[tilespmem:s17], [sflag:$0x6] =	stream.indirect.gather @!p2 [hbm4b:s4+s15], $0x1, s3, s15, $0xb8;
	[tilespmem:$0x1D000] =	vst v63  }
0xe6: {  	s17 =	sld [smem:$0x7F4];
	_ =	sdelay $0x2  }
0xe7: {  	p0 =	seq.s32 s17, $0x1  }
0xe8: {  	s3 =	simm.s32 @!p0 $0x2  }
0xe9: {  	_ =	swait.ge @!p0 [sflag:s3], $0x4000  }
0xea: {  	s15 =	sld [smem:$0x7F5];
	_ =	sdelay $0x2  }
0xeb: {  	[sflag:s3] =	ssyncset.done @!p0 $0x0;
	p1 =	seq.s32 s15, $0x1  }
0xec: {  	[sflag:s3] =	ssyncadd.s32 @!p0 $0xFFFFC000;
	s3 =	simm.s32 @!p1 $0x2  }
0xed: {  	_ =	swait.ge @!p1 [sflag:s3], $0x4000  }
0xee: {  	s15 =	rddreg [dreg:$0x1a]  }
0xef: {  	[sflag:s3] =	ssyncset.done @!p1 $0x0;
	s17 =	rddreg [dreg:$0x1b]  }
0xf0: {  	[sflag:s3] =	ssyncadd.s32 @!p1 $0xFFFFC000;
	s3 =	sadd.s32 @!p0 s22, s15;
	s15 =	simm.s32 @!p0 $0x0  }
0xf1: {  	[hbm4b:s3+s15] =	stream.linear.scatter @!p0 [tilespmem:s2], [sflag:$0x4], $0x4000, $0x38;
	[tilespmem:$0x1D000] =	vst v63  }
0xf2: {  	s2 =	sadd.s32 @!p1 s22, s17;
	s17 =	sld [smem:$0x7F6]  }
0xf3: {  	s3 =	simm.s32 @!p1 $0x0  }
0xf4: {  	[hbm4b:s2+s3] =	stream.linear.scatter @!p1 [tilespmem:s0], [sflag:$0x4], $0x4000, $0x38;
	[tilespmem:$0x1D000] =	vst v63  }
0xf5: {  	p0 =	seq.s32 s17, $0x1  }
0xf6: {  	s0 =	simm.s32 @!p0 $0x3  }
0xf7: {  	_ =	swait.ge @!p0 [sflag:s0], $0x4000  }
0xf8: {  	s2 =	sld [smem:$0x7F7];
	_ =	sdelay $0x1  }
0xf9: {  	[sflag:s0] =	ssyncset.done @!p0 $0x0  }
0xfa: {  	[sflag:s0] =	ssyncadd.s32 @!p0 $0xFFFFC000;
	p0 =	seq.s32 s2, $0x1  }
0xfb: {  	s2 =	simm.s32 @!p0 $0x3  }
0xfc: {  	_ =	swait.ge @!p0 [sflag:s2], $0x4000  }
0xfd: {  	s0 =	sadd.s32 $0x4, s31;
	[sflag:s2] =	ssyncset.done @!p0 $0x0  }
0xfe: {  	[sflag:s2] =	ssyncadd.s32 @!p0 $0xFFFFC000;
	p0 =	sge.u32 s0, s6  }
0xff: {  	s2 =	sadd.s32 @!p0 $0xFFFFFF80, s21;
	s3 =	simm.s32 @!p0 $0x80;
	s15 =	simm.s32 @!p0 $0xC800  }
0x100: {  	[tilespmem:s15], [sflag:$0x1] =	stream.indirect.gather @!p0 [hbm4b:s1+s3], $0x80, s2, s3, $0xb8;
	[tilespmem:$0x1D000] =	vst v63  }
0x101: {  	s3 =	sadd.s32 $0x5, s31  }
0x102: {  	s15 =	sld [smem:$0x7F8];
	p0 =	sge.u32 s3, s6  }
0x103: {  	s2 =	simm.s32 @!p0 $0x80;
	s3 =	simm.s32 @!p0 $0x10800  }
0x104: {  	[tilespmem:s3], [sflag:$0x1] =	stream.indirect.gather @!p0 [hbm4b:s1+s2], $0x80, s21, s2, $0xb8;
	[tilespmem:$0x1D000] =	vst v63  }
0x105: {  	p0 =	seq.s32 s15, $0x1  }
0x106: {  	s2 =	simm.s32 @!p0 $0x6  }
0x107: {  	_ =	swait.ge @!p0 [sflag:s2], $0x80  }
0x108: {  	s17 =	sld [smem:$0x7F9];
	_ =	sdelay $0x1  }
0x109: {  	[sflag:s2] =	ssyncset.done @!p0 $0x0  }
0x10a: {  	[sflag:s2] =	ssyncadd.s32 @!p0 $0xFFFFFF80;
	p0 =	seq.s32 s17, $0x1  }
0x10b: {  	s2 =	simm.s32 @!p0 $0x6  }
0x10c: {  	_ =	swait.ge @!p0 [sflag:s2], $0x80  }
0x10d: {  	s3 =	sld [smem:$0x7FA];
	_ =	sdelay $0x1  }
0x10e: {  	[sflag:s2] =	ssyncset.done @!p0 $0x0  }
0x10f: {  	[sflag:s2] =	ssyncadd.s32 @!p0 $0xFFFFFF80;
	p0 =	seq.s32 s3, $0x1  }
0x110: {  	s2 =	simm.s32 @!p0 $0x6  }
0x111: {  	_ =	swait.ge @!p0 [sflag:s2], $0x80  }
0x112: {  	[sflag:s2] =	ssyncset.done @!p0 $0x0  }
0x113: {  	[sflag:s2] =	ssyncadd.s32 @!p0 $0xFFFFFF80;
	s2 =	simm.s32 @!p6 $0x6  }
0x114: {  	_ =	swait.ge @!p6 [sflag:s2], $0x80  }
0x115: {  	[sflag:s2] =	ssyncset.done @!p6 $0x0  }
0x116: {  	[sflag:s2] =	ssyncadd.s32 @!p6 $0xFFFFFF80;
	s2 =	simm.s32 @!p5 $0x6  }
0x117: {  	_ =	swait.ge @!p5 [sflag:s2], $0x80  }
0x118: {  	[sflag:s2] =	ssyncset.done @!p5 $0x0  }
0x119: {  	[sflag:s2] =	ssyncadd.s32 @!p5 $0xFFFFFF80;
	s2 =	simm.s32 @!p4 $0x6  }
0x11a: {  	_ =	swait.ge @!p4 [sflag:s2], $0x80  }
0x11b: {  	[sflag:s2] =	ssyncset.done @!p4 $0x0  }
0x11c: {  	[sflag:s2] =	ssyncadd.s32 @!p4 $0xFFFFFF80;
	s2 =	simm.s32 @!p3 $0x6  }
0x11d: {  	_ =	swait.ge @!p3 [sflag:s2], $0x80  }
0x11e: {  	p1 =	sgt.u32 s18, s12;
	[sflag:s2] =	ssyncset.done @!p3 $0x0  }
0x11f: {  	p0 =	sge.u32 @p1 s18, s7;
	[sflag:s2] =	ssyncadd.s32 @!p3 $0xFFFFFF80;
	s2 =	simm.s32 @!p2 $0x6  }
0x120: {  	p0 =	por p0, !p1;
	_ =	swait.ge @!p2 [sflag:s2], $0x80  }
0x121: {  	s3 =	simm.s32 @!p0 $0x0;
	[sflag:s2] =	ssyncset.done @!p2 $0x0  }
0x122: {  	s15 =	simm.s32 @!p0 $0x1CC00;
	[sflag:s2] =	ssyncadd.s32 @!p2 $0xFFFFFF80;
	s2 =	sadd.s32 @!p0 s5, s14  }
0x123: {  	[hbm4b:s2+s3] =	stream.linear.scatter @!p0 [tilespmem:s15], [sflag:$0x8], $0x80, $0x38;
	[tilespmem:$0x1D000] =	vst v63  }
0x124: {  	p0 =	sge.u32 @p1 s19, s7  }
0x125: {  	s2 =	rddreg [dreg:$0x19];
	p0 =	por p0, !p1  }
0x126: {  	s2 =	sadd.s32 @!p0 s5, s2;
	s3 =	simm.s32 @!p0 $0x0;
	s15 =	simm.s32 @!p0 $0x1CC80  }
0x127: {  	[hbm4b:s2+s3] =	stream.linear.scatter @!p0 [tilespmem:s15], [sflag:$0x8], $0x80, $0x38;
	[tilespmem:$0x1D000] =	vst v63  }
0x128: {  	p0 =	sge.u32 @p1 s23, s7  }
0x129: {  	s2 =	rddreg [dreg:$0x18];
	p0 =	por p0, !p1  }
0x12a: {  	s2 =	sadd.s32 @!p0 s5, s2;
	s3 =	simm.s32 @!p0 $0x0;
	s15 =	simm.s32 @!p0 $0x1CD00  }
0x12b: {  	[hbm4b:s2+s3] =	stream.linear.scatter @!p0 [tilespmem:s15], [sflag:$0x8], $0x80, $0x38;
	[tilespmem:$0x1D000] =	vst v63  }
0x12c: {  	p0 =	sge.u32 @p1 s8, s7  }
0x12d: {  	s2 =	rddreg [dreg:$0x17];
	p0 =	por p0, !p1  }
0x12e: {  	s2 =	sadd.s32 @!p0 s5, s2;
	s3 =	simm.s32 @!p0 $0x0;
	s8 =	simm.s32 @!p0 $0x1CD80  }
0x12f: {  	[hbm4b:s2+s3] =	stream.linear.scatter @!p0 [tilespmem:s8], [sflag:$0x8], $0x80, $0x38;
	[tilespmem:$0x1D000] =	vst v63  }
0x130: {  	p0 =	sge.u32 @p1 s9, s7  }
0x131: {  	s2 =	rddreg [dreg:$0x16];
	p0 =	por p0, !p1  }
0x132: {  	s2 =	sadd.s32 @!p0 s5, s2;
	s3 =	simm.s32 @!p0 $0x0;
	s8 =	simm.s32 @!p0 $0x1CE00  }
0x133: {  	[hbm4b:s2+s3] =	stream.linear.scatter @!p0 [tilespmem:s8], [sflag:$0x8], $0x80, $0x38;
	[tilespmem:$0x1D000] =	vst v63  }
0x134: {  	s15 =	sld [smem:$0x7FB];
	p0 =	sge.u32 @p1 s11, s7  }
0x135: {  	s2 =	rddreg [dreg:$0x15];
	p0 =	por p0, !p1  }
0x136: {  	s2 =	sadd.s32 @!p0 s5, s2;
	s3 =	simm.s32 @!p0 $0x0;
	s8 =	simm.s32 @!p0 $0x1CE80  }
0x137: {  	[hbm4b:s2+s3] =	stream.linear.scatter @!p0 [tilespmem:s8], [sflag:$0x8], $0x80, $0x38;
	[tilespmem:$0x1D000] =	vst v63  }
0x138: {  	p0 =	sge.u32 @p1 s16, s7  }
0x139: {  	p5 =	seq.s32 s15, $0x1;
	s2 =	rddreg [dreg:$0x14];
	p0 =	por p0, !p1  }
0x13a: {  	s2 =	sadd.s32 @!p0 s5, s2;
	s3 =	simm.s32 @!p0 $0x0;
	s8 =	simm.s32 @!p0 $0x1CF00  }
0x13b: {  	[hbm4b:s2+s3] =	stream.linear.scatter @!p0 [tilespmem:s8], [sflag:$0x8], $0x80, $0x38;
	[tilespmem:$0x1D000] =	vst v63  }
0x13c: {  	s2 =	sadd.s32 @!p1 s5, s14;
	s3 =	simm.s32 @!p1 $0x0;
	s8 =	simm.s32 @!p1 $0x1CC00  }
0x13d: {  	[hbm4b:s2+s3] =	stream.linear.scatter @!p1 [tilespmem:s8], [sflag:$0x8], $0x400, $0x38;
	[tilespmem:$0x1D000] =	vst v63  }
0x13e: {  	s2 =	simm.s32 @!p5 $0x7  }
0x13f: {  	p0 =	por @!p5 $0x0, $0x0;
	p1 =	slt.u32 s24, s7;
	_ =	swait.ge @!p5 [sflag:s2], $0x400  }
0x140: {  	p1 =	por @!p5 p0, p0;
	[sflag:s2] =	ssyncset.done @!p5 $0x0  }
0x141: {  	[sflag:s2] =	ssyncadd.s32 @!p5 $0xFFFFFC00;
	s2 =	simm.s32 @p1 $0x7  }
0x142: {  	p2 =	slt.u32 s26, s7;
	_ =	swait.ge @p1 [sflag:s2], $0x80  }
0x143: {  	p2 =	por @!p5 p0, p0;
	[sflag:s2] =	ssyncset.done @p1 $0x0  }
0x144: {  	[sflag:s2] =	ssyncadd.s32 @p1 $0xFFFFFF80;
	s2 =	simm.s32 @p2 $0x7  }
0x145: {  	p1 =	slt.u32 s28, s7;
	_ =	swait.ge @p2 [sflag:s2], $0x80  }
0x146: {  	p1 =	por @!p5 p0, p0;
	[sflag:s2] =	ssyncset.done @p2 $0x0  }
0x147: {  	[sflag:s2] =	ssyncadd.s32 @p2 $0xFFFFFF80;
	s2 =	simm.s32 @p1 $0x7  }
0x148: {  	p2 =	slt.u32 s29, s7;
	_ =	swait.ge @p1 [sflag:s2], $0x80  }
0x149: {  	p2 =	por @!p5 p0, p0;
	[sflag:s2] =	ssyncset.done @p1 $0x0  }
0x14a: {  	[sflag:s2] =	ssyncadd.s32 @p1 $0xFFFFFF80;
	s2 =	simm.s32 @p2 $0x7  }
0x14b: {  	p1 =	slt.u32 s30, s7;
	_ =	swait.ge @p2 [sflag:s2], $0x80  }
0x14c: {  	p1 =	por @!p5 p0, p0;
	[sflag:s2] =	ssyncset.done @p2 $0x0  }
0x14d: {  	[sflag:s2] =	ssyncadd.s32 @p2 $0xFFFFFF80;
	s2 =	simm.s32 @p1 $0x7  }
0x14e: {  	_ =	swait.ge @p1 [sflag:s2], $0x80  }
0x14f: {  	s16 =	sld [smem:$0x7FC]  }
0x150: {  	s17 =	sld [smem:$0x7FD]  }
0x151: {  	p2 =	slt.u32 s25, s7;
	[sflag:s2] =	ssyncset.done @p1 $0x0  }
0x152: {  	p2 =	por @!p5 p0, p0;
	[sflag:s2] =	ssyncadd.s32 @p1 $0xFFFFFF80  }
0x153: {  	p1 =	por @p5 $0x0, $0x0;
	p3 =	seq.s32 s16, $0x1;
	p6 =	seq.s32 s17, $0x1  }
0x154: {  	s2 =	simm.s32 @p2 $0x7;
	p3 =	por @!p3 $0x1, $0x1;
	p4 =	por !p6, !p5  }
0x155: {  	_ =	swait.ge @p2 [sflag:s2], $0x80;
	p3 =	por @!p4 p1, p1  }
0x156: {  	[sflag:s2] =	ssyncset.done @p2 $0x0;
	p3 =	por @!p5 p0, p0  }
0x157: {  	[sflag:s2] =	ssyncadd.s32 @p2 $0xFFFFFF80;
	s3 =	simm.s32 @p3 $0x7  }
0x158: {  	s18 =	sadd.s32 $0x10, s24;
	_ =	swait.ge @p3 [sflag:s3], $0x80  }
0x159: {  	p0 =	sge.u32 s18, s7;
	[sflag:s3] =	ssyncset.done @p3 $0x0  }
0x15a: {  	s19 =	sadd.s32 $0x11, s24;
	[sflag:s3] =	ssyncadd.s32 @p3 $0xFFFFFF80;
	s3 =	sshra.s32 @!p0 s22, $0x2  }
0x15b: {  	s8 =	simm.s32 @!p0 $0x80;
	s9 =	simm.s32 @!p0 $0x1C800;
	s3 =	sadd.s32 @!p0 $0x3C00, s3  }
0x15c: {  	[tilespmem:s9], [sflag:$0x5] =	stream.indirect.gather @!p0 [hbm4b:s4+s8], $0x1, s3, s8, $0xb8;
	[tilespmem:$0x1D000] =	vst v63  }
0x15d: {  	p0 =	sge.u32 s19, s7  }
0x15e: {  	s23 =	sadd.s32 $0x12, s24;
	s3 =	sshra.s32 @!p0 s22, $0x2  }
0x15f: {  	s8 =	simm.s32 @!p0 $0x80;
	s9 =	simm.s32 @!p0 $0x1C880;
	s3 =	sadd.s32 @!p0 $0x3C80, s3  }
0x160: {  	[tilespmem:s9], [sflag:$0x5] =	stream.indirect.gather @!p0 [hbm4b:s4+s8], $0x1, s3, s8, $0xb8;
	[tilespmem:$0x1D000] =	vst v63  }
0x161: {  	p0 =	sge.u32 s23, s7  }
0x162: {  	s25 =	sadd.s32 $0x13, s24;
	s3 =	sshra.s32 @!p0 s22, $0x2  }
0x163: {  	s8 =	simm.s32 @!p0 $0x80;
	s9 =	simm.s32 @!p0 $0x1C900;
	s3 =	sadd.s32 @!p0 $0x3D00, s3  }
0x164: {  	[tilespmem:s9], [sflag:$0x5] =	stream.indirect.gather @!p0 [hbm4b:s4+s8], $0x1, s3, s8, $0xb8;
	[tilespmem:$0x1D000] =	vst v63  }
0x165: {  	p0 =	sge.u32 s25, s7  }
0x166: {  	s26 =	sadd.s32 $0x14, s24;
	s3 =	sshra.s32 @!p0 s22, $0x2  }
0x167: {  	s8 =	simm.s32 @!p0 $0x80;
	s9 =	simm.s32 @!p0 $0x1C980;
	s3 =	sadd.s32 @!p0 $0x3D80, s3  }
0x168: {  	[tilespmem:s9], [sflag:$0x5] =	stream.indirect.gather @!p0 [hbm4b:s4+s8], $0x1, s3, s8, $0xb8;
	[tilespmem:$0x1D000] =	vst v63  }
0x169: {  	p0 =	sge.u32 s26, s7  }
0x16a: {  	s28 =	sadd.s32 $0x15, s24;
	s3 =	sshra.s32 @!p0 s22, $0x2  }
0x16b: {  	s8 =	simm.s32 @!p0 $0x80;
	s9 =	simm.s32 @!p0 $0x1CA00;
	s3 =	sadd.s32 @!p0 $0x3E00, s3  }
0x16c: {  	[tilespmem:s9], [sflag:$0x5] =	stream.indirect.gather @!p0 [hbm4b:s4+s8], $0x1, s3, s8, $0xb8;
	[tilespmem:$0x1D000] =	vst v63  }
0x16d: {  	p0 =	sge.u32 s28, s7  }
0x16e: {  	s29 =	sadd.s32 $0x16, s24;
	s3 =	sshra.s32 @!p0 s22, $0x2  }
0x16f: {  	s8 =	simm.s32 @!p0 $0x80;
	s9 =	simm.s32 @!p0 $0x1CA80;
	s3 =	sadd.s32 @!p0 $0x3E80, s3  }
0x170: {  	[tilespmem:s9], [sflag:$0x5] =	stream.indirect.gather @!p0 [hbm4b:s4+s8], $0x1, s3, s8, $0xb8;
	[tilespmem:$0x1D000] =	vst v63  }
0x171: {  	p0 =	sge.u32 s29, s7  }
0x172: {  	s30 =	sadd.s32 $0x17, s24;
	s3 =	sshra.s32 @!p0 s22, $0x2  }
0x173: {  	s8 =	simm.s32 @!p0 $0x80;
	s9 =	simm.s32 @!p0 $0x1CB00;
	s3 =	sadd.s32 @!p0 $0x3F00, s3  }
0x174: {  	[tilespmem:s9], [sflag:$0x5] =	stream.indirect.gather @!p0 [hbm4b:s4+s8], $0x1, s3, s8, $0xb8;
	[tilespmem:$0x1D000] =	vst v63  }
0x175: {  	p0 =	sge.u32 s30, s7  }
0x176: {  	s3 =	sshra.s32 @!p0 s22, $0x2  }
0x177: {  	s8 =	simm.s32 @!p0 $0x80;
	s9 =	simm.s32 @!p0 $0x1CB80;
	s3 =	sadd.s32 @!p0 $0x3F80, s3  }
0x178: {  	[tilespmem:s9], [sflag:$0x5] =	stream.indirect.gather @!p0 [hbm4b:s4+s8], $0x1, s3, s8, $0xb8;
	[tilespmem:$0x1D000] =	vst v63  }
0x179: {  	p0 =	sne.s32 s18, $0x190  }
.Ltmp0:
0x17a: {  	_ = 	snop;
	(pc) =	sbr.rel @p0 .LBB2_2-.Ltmp0, $3  }
0x17b: {  	_ =	sdelay $0x1  }
0x17c: {  	s31 =	smov.u32 s0;
	s21 =	sadd.s32 $0x200, s21  }
0x17d: {  	s5 =	sadd.s32 $0x100, s5;
	s24 =	smov.u32 s18;
	s22 =	sadd.s32 $0x2000, s22  }
0x17e: {  	s20 =	sadd.s32 $0x1, s20;
	s0 =	rddreg [dreg:$0x1f]  }
0x17f: {  	p0 =	sne.s32 s20, s0  }
.Ltmp1:
0x180: {  	_ = 	snop;
	(pc) =	sbr.rel @p0 .LBB2_1-.Ltmp1, $1  }
0x181: {  	_ =	sdelay $0x3  }
0x182: {  	_ =	sfence.sel $0x180000  }
0x183: {  	[bflag:$0x0] =	sbarrier.arrive $0xFFFF  }
0x184: {  	_ =	strace $0x90000047  }
0x185: {  	s0 =	stileid.u32;
	[bflag:$0x2] =	sbarrier.arrive $0xFFFF  }
0x186: {  	p0 =	sne.s32 s0, $0x0;
	s0 =	rddreg [dreg:$0x4]  }
0x187: {  	s0 =	sadd.s32 @!p0 $0x100000, s0  }
0x188: {  	[sflag:s0] =	ssyncadd.tile.s32 @!p0 $0x1;
	_ =	shalt  }
.Lfunc_end2:
_tile_overlayer_lowered:
.L_overlay_start_2:
0x189: {  	(tag) =	ssettag $0x2  }
0x18a: {  	s0 =	rddreg [dreg:$0x0];
	s2 =	stileid.u32  }
0x18b: {  	s1 =	rddreg [dreg:$0x1];
	p0 =	sne.s32 s2, $0x0  }
0x18c: {  	s3 =	rddreg [dreg:$0x2];
	[bflag:$0x3] =	sbarrier.arrive $0xFFFF;
	s2 =	simm.s32 @!p0 $0x1C09  }
0x18d: {  	[timem:s3], [sflag:s2] =	dma.local @!p0 [hbm:s0], s1  }
0x18e: {  	s0 =	simm.s32 @!p0 $0x9  }
0x18f: {  	_ =	swait.ge @!p0 [sflag:s0], s1  }
0x190: {  	s1 =	ssub.s32 @!p0 $0x0, s1;
	[sflag:s0] =	ssyncset.done @!p0 $0x0  }
0x191: {  	[sflag:s0] =	ssyncadd.s32 @!p0 s1  }
0x192: {  	[bflag:$0x3] =	sbarrier.arrive $0xFFFF  }
0x193: {  	_ =	shalt  }

</sc_bundles>
